<compile_context>
chip_gen: v7x
topology: tpu7x:2x2x1
jax: 0.10.2.dev20260603
libtpu: 0.0.44.dev20260713+nightly
codegen_flags: <defaults>
</compile_context>

<pallas_src>
import functools

import jax
import jax.numpy as jnp
from jax import lax
from jax.experimental import pallas as pl
from jax.experimental.pallas import tpu as pltpu
from jax.experimental.pallas import tpu_sc as plsc

N = 10000
E = 320000
D = 128
C = 10

NC = 2
NS = 16
CH = 80
NCH = 125
NCHP = 127
NPAD = 10112
NPT = NPAD // NS

_mesh = plsc.VectorSubcoreMesh(core_axis_name="c", subcore_axis_name="s")


@functools.partial(
    pl.kernel,
    out_type=jax.ShapeDtypeStruct((NC, NPAD, D), jnp.float32),
    mesh=_mesh,
    scratch_types=[
        [pltpu.VMEM((CH, D), jnp.float32) for _ in range(4)],
        [pltpu.VMEM((CH,), jnp.int32) for _ in range(4)],
        [pltpu.VMEM((CH,), jnp.int32) for _ in range(4)],
        pltpu.VMEM_SHARED((NPAD, D), jnp.float32),
        [pltpu.SemaphoreType.DMA for _ in range(4)],
        [pltpu.SemaphoreType.DMA for _ in range(4)],
        [pltpu.SemaphoreType.DMA for _ in range(4)],
        [pltpu.SemaphoreType.DMA for _ in range(4)],
    ],
)
def _agg(h_hbm, ei_hbm, zeros_hbm, out_hbm,
         rowb, srcb, dstb, acc, semg, sema, sems, semd):
    c = lax.axis_index("c")
    s = lax.axis_index("s")
    base = (c * NS + s) * (E // (NC * NS))
    pltpu.sync_copy(zeros_hbm, acc.at[pl.ds(s * NPT, NPT)])
    plsc.subcore_barrier()

    def load_src(j, b):
        jj = jnp.minimum(j, NCH - 1)
        pltpu.async_copy(ei_hbm.at[pl.ds(base + jj * CH, CH)],
                         srcb[b], sems[b])

    def load_dst(j, b):
        pltpu.async_copy(ei_hbm.at[pl.ds(E + base + j * CH, CH)],
                         dstb[b], semd[b])

    def chunk(j, b, bp2, *, first=False, g2=True, s4=True):
        if not first:
            pltpu.make_async_copy(rowb[bp2], acc.at[dstb[bp2]],
                                  sema[bp2]).wait()
        if g2:
            pltpu.make_async_copy(ei_hbm.at[pl.ds(0, CH)], srcb[bp2],
                                  sems[bp2]).wait()
            pltpu.async_copy(h_hbm.at[srcb[bp2]], rowb[bp2], semg[bp2])
            load_dst(j + 2, bp2)
        pltpu.make_async_copy(h_hbm.at[srcb[b]], rowb[b], semg[b]).wait()
        if s4:
            load_src(j + 4, b)
        pltpu.make_async_copy(ei_hbm.at[pl.ds(0, CH)], dstb[b],
                              semd[b]).wait()
        pltpu.async_copy(rowb[b], acc.at[dstb[b]], sema[b], add=True)

    for b in range(4):
        load_src(b, b)
    load_dst(0, 0)
    load_dst(1, 1)
    for b in range(2):
        pltpu.make_async_copy(ei_hbm.at[pl.ds(0, CH)], srcb[b],
                              sems[b]).wait()
        pltpu.async_copy(h_hbm.at[srcb[b]], rowb[b], semg[b])
    chunk(0, 0, 2, first=True)
    chunk(1, 1, 3, first=True)

    @pl.loop(2, 122, step=4)
    def _(base):
        chunk(base, 2, 0)
        chunk(base + 1, 3, 1)
        chunk(base + 2, 0, 2)
        chunk(base + 3, 1, 3)

    chunk(122, 2, 0, s4=False)
    chunk(123, 3, 1, g2=False, s4=False)
    chunk(124, 0, 2, g2=False, s4=False)
    pltpu.make_async_copy(rowb[3], acc.at[dstb[3]], sema[3]).wait()
    pltpu.make_async_copy(rowb[0], acc.at[dstb[0]], sema[0]).wait()
    pltpu.make_async_copy(ei_hbm.at[pl.ds(0, CH)], srcb[1], sems[1]).wait()

    plsc.subcore_barrier()
    pltpu.sync_copy(acc.at[pl.ds(s * NPT, NPT)],
                    out_hbm.at[c].at[pl.ds(s * NPT, NPT)])


BR = 2000
_GRID = N // BR


def _dot_t(x, w):
    return lax.dot_general(x, w, (((1,), (1,)), ((), ())),
                           preferred_element_type=jnp.float32)


def _mlp_body(eps_ref, h_ref, a0_ref, a1_ref, w1_ref, b1_ref, w2_ref, b2_ref,
              o_ref):
    z = (1.0 + eps_ref[0]) * h_ref[...] + a0_ref[0] + a1_ref[0]
    z = jnp.maximum(_dot_t(z, w1_ref[...]) + b1_ref[...], 0.0)
    z = _dot_t(z, w2_ref[...]) + b2_ref[...]
    o_ref[...] = jnp.maximum(z, 0.0)


def _mlp(h, agg, eps, W1, b1, W2, b2):
    full = lambda shape: pl.BlockSpec(shape, lambda i: (0,) * len(shape))
    row = pl.BlockSpec((BR, D), lambda i: (i, 0))
    a0 = pl.BlockSpec((1, BR, D), lambda i: (0, i, 0))
    a1 = pl.BlockSpec((1, BR, D), lambda i: (1, i, 0))
    return pl.pallas_call(
        _mlp_body,
        grid=(_GRID,),
        in_specs=[
            pl.BlockSpec(memory_space=pltpu.SMEM),
            row, a0, a1,
            full((D, D)), full((1, D)), full((D, D)), full((1, D)),
        ],
        out_specs=row,
        out_shape=jax.ShapeDtypeStruct((N, D), jnp.float32),
    )(eps.reshape(1), h, agg, agg, W1, b1.reshape(1, D), W2, b2.reshape(1, D))


def _final_body(eps_ref, h_ref, a0_ref, a1_ref, w1_ref, b1_ref, w2_ref,
                b2_ref, wc1_ref, bc1_ref, wc2_ref, bc2_ref, o_ref, acc_ref):
    i = pl.program_id(0)
    z = (1.0 + eps_ref[0]) * h_ref[...] + a0_ref[0] + a1_ref[0]
    z = jnp.maximum(_dot_t(z, w1_ref[...]) + b1_ref[...], 0.0)
    z = _dot_t(z, w2_ref[...]) + b2_ref[...]
    h3 = jnp.maximum(z, 0.0)
    part = jnp.sum(h3, axis=0, keepdims=True)

    @pl.when(i == 0)
    def _():
        acc_ref[...] = jnp.zeros_like(acc_ref)

    acc_ref[...] += part

    @pl.when(i == pl.num_programs(0) - 1)
    def _():
        hg = acc_ref[...]
        t = jnp.maximum(_dot_t(hg, wc1_ref[...]) + bc1_ref[...], 0.0)
        o_ref[...] = _dot_t(t, wc2_ref[...]) + bc2_ref[...]


def _final(h, agg, eps, W1, b1, W2, b2, Wc1, bc1, Wc2, bc2):
    full = lambda shape: pl.BlockSpec(shape, lambda i: (0,) * len(shape))
    row = pl.BlockSpec((BR, D), lambda i: (i, 0))
    a0 = pl.BlockSpec((1, BR, D), lambda i: (0, i, 0))
    a1 = pl.BlockSpec((1, BR, D), lambda i: (1, i, 0))
    return pl.pallas_call(
        _final_body,
        grid=(_GRID,),
        in_specs=[
            pl.BlockSpec(memory_space=pltpu.SMEM),
            row, a0, a1,
            full((D, D)), full((1, D)), full((D, D)), full((1, D)),
            full((D, D)), full((1, D)), full((C, D)), full((1, C)),
        ],
        out_specs=full((1, C)),
        out_shape=jax.ShapeDtypeStruct((1, C), jnp.float32),
        scratch_shapes=[pltpu.VMEM((1, D), jnp.float32)],
    )(eps.reshape(1), h, agg, agg, W1, b1.reshape(1, D), W2, b2.reshape(1, D),
      Wc1, bc1.reshape(1, D), Wc2, bc2.reshape(1, C))


def kernel(features, edge_index,
           eps0, W1_0, b1_0, W2_0, b2_0,
           eps1, W1_1, b1_1, W2_1, b2_1,
           eps2, W1_2, b1_2, W2_2, b2_2,
           Wc1, bc1, Wc2, bc2):
    zeros = jnp.zeros((NPT, D), jnp.float32)
    layers = [
        (eps0, W1_0, b1_0, W2_0, b2_0),
        (eps1, W1_1, b1_1, W2_1, b2_1),
        (eps2, W1_2, b1_2, W2_2, b2_2),
    ]
    h = features
    for li, (eps, W1, b1, W2, b2) in enumerate(layers):
        agg = _agg(h, edge_index.reshape(2 * E), zeros)
        if li < 2:
            h = _mlp(h, agg, eps, W1, b1, W2, b2)
        else:
            out = _final(h, agg, eps, W1, b1, W2, b2,
                         Wc1, bc1, Wc2, bc2)
    return out

# --- scband reference (transcript-rebuilt; emitter-appended) ---
"""Pipeline reference for scband-ginclassifier-35527969472945 (READ-ONLY COPY).

The authoritative reference and input builder live on the scoring server;
editing this copy changes nothing except your own understanding.
"""

import jax, jax.numpy as jnp
import numpy as np

N = 10000
E = 320000
D = 128
H = 128
C = 10
L = 3


def setup_inputs(seed: int = 0) -> dict:
    key = jax.random.key(seed)
    ks = jax.random.split(key, 32)
    inp = {}
    inp["features"] = jax.random.normal(ks[0], (N, D), dtype=jnp.float32)
    inp["edge_index"] = jax.random.randint(ks[1], (2, E), 0, N, dtype=jnp.int32)
    k = 2
    for i in range(L):
        din = D if i == 0 else H
        inp[f"eps{i}"] = jnp.zeros((), dtype=jnp.float32)
        inp[f"W1_{i}"] = jax.random.normal(ks[k], (H, din), dtype=jnp.float32) * 0.05; k += 1
        inp[f"b1_{i}"] = jnp.zeros((H,), dtype=jnp.float32)
        inp[f"W2_{i}"] = jax.random.normal(ks[k], (H, H), dtype=jnp.float32) * 0.05; k += 1
        inp[f"b2_{i}"] = jnp.zeros((H,), dtype=jnp.float32)
    inp["Wc1"] = jax.random.normal(ks[k], (H, H), dtype=jnp.float32) * 0.05; k += 1
    inp["bc1"] = jnp.zeros((H,), dtype=jnp.float32)
    inp["Wc2"] = jax.random.normal(ks[k], (C, H), dtype=jnp.float32) * 0.05; k += 1
    inp["bc2"] = jnp.zeros((C,), dtype=jnp.float32)
    return inp


def reference(features, edge_index,
              eps0, W1_0, b1_0, W2_0, b2_0,
              eps1, W1_1, b1_1, W2_1, b2_1,
              eps2, W1_2, b1_2, W2_2, b2_2,
              Wc1, bc1, Wc2, bc2):
    src = edge_index[0]
    dst = edge_index[1]
    layers = [
        (eps0, W1_0, b1_0, W2_0, b2_0),
        (eps1, W1_1, b1_1, W2_1, b2_1),
        (eps2, W1_2, b1_2, W2_2, b2_2),
    ]
    h = features
    for eps, W1, b1, W2, b2 in layers:
        # GINConv: sum-aggregate neighbor features (scatter-add by dst)
        agg = jnp.zeros((h.shape[0], h.shape[1]), dtype=h.dtype).at[dst].add(h[src])
        z = (1.0 + eps) * h + agg
        # apply_func = MLP: linear1 -> relu -> linear2
        z = jax.nn.relu(z @ W1.T + b1)
        z = z @ W2.T + b2
        h = jax.nn.relu(z)
    # SumPooling over all nodes (single graph -> batch of 1)
    hg = jnp.sum(h, axis=0, keepdims=True)
    out = jax.nn.relu(hg @ Wc1.T + bc1) @ Wc2.T + bc2
    return out

if __name__ == "__main__":
    import jax
    _d = setup_inputs()
    print(jax.jit(kernel)(*tuple(_d.values())))

</pallas_src>

<mosaic_0001>
#map = affine_map<(d0, d1) -> (0, 0)>
#map1 = affine_map<(d0, d1) -> (0)>
#map2 = affine_map<(d0, d1) -> (0, 0, 0)>
module attributes {stable_mosaic.version = 14 : i64} {
  func.func @_agg(%arg0: i32, %arg1: i32, %arg2: memref<10000x128xf32, #tpu.memory_space<hbm>>, %arg3: memref<640000xi32, #tpu.memory_space<hbm>>, %arg4: memref<632x128xf32, #tpu.memory_space<hbm>>, %arg5: memref<2x10112x128xf32, #tpu.memory_space<hbm>>, %arg6: memref<80x128xf32, #tpu.memory_space<vmem>>, %arg7: memref<80x128xf32, #tpu.memory_space<vmem>>, %arg8: memref<80x128xf32, #tpu.memory_space<vmem>>, %arg9: memref<80x128xf32, #tpu.memory_space<vmem>>, %arg10: memref<80xi32, #tpu.memory_space<vmem>>, %arg11: memref<80xi32, #tpu.memory_space<vmem>>, %arg12: memref<80xi32, #tpu.memory_space<vmem>>, %arg13: memref<80xi32, #tpu.memory_space<vmem>>, %arg14: memref<80xi32, #tpu.memory_space<vmem>>, %arg15: memref<80xi32, #tpu.memory_space<vmem>>, %arg16: memref<80xi32, #tpu.memory_space<vmem>>, %arg17: memref<80xi32, #tpu.memory_space<vmem>>, %arg18: memref<10112x128xf32, #tpu.memory_space<vmem_shared>>, %arg19: memref<!tpu.dma_semaphore, #tpu.memory_space<semaphore_mem>>, %arg20: memref<!tpu.dma_semaphore, #tpu.memory_space<semaphore_mem>>, %arg21: memref<!tpu.dma_semaphore, #tpu.memory_space<semaphore_mem>>, %arg22: memref<!tpu.dma_semaphore, #tpu.memory_space<semaphore_mem>>, %arg23: memref<!tpu.dma_semaphore, #tpu.memory_space<semaphore_mem>>, %arg24: memref<!tpu.dma_semaphore, #tpu.memory_space<semaphore_mem>>, %arg25: memref<!tpu.dma_semaphore, #tpu.memory_space<semaphore_mem>>, %arg26: memref<!tpu.dma_semaphore, #tpu.memory_space<semaphore_mem>>, %arg27: memref<!tpu.dma_semaphore, #tpu.memory_space<semaphore_mem>>, %arg28: memref<!tpu.dma_semaphore, #tpu.memory_space<semaphore_mem>>, %arg29: memref<!tpu.dma_semaphore, #tpu.memory_space<semaphore_mem>>, %arg30: memref<!tpu.dma_semaphore, #tpu.memory_space<semaphore_mem>>, %arg31: memref<!tpu.dma_semaphore, #tpu.memory_space<semaphore_mem>>, %arg32: memref<!tpu.dma_semaphore, #tpu.memory_space<semaphore_mem>>, %arg33: memref<!tpu.dma_semaphore, #tpu.memory_space<semaphore_mem>>, %arg34: memref<!tpu.dma_semaphore, #tpu.memory_space<semaphore_mem>>) attributes {dimension_semantics = [#tpu.dimension_semantics<core_parallel>, #tpu.dimension_semantics<subcore_parallel>], iteration_bounds = array<i64: 2, 16>, scalar_prefetch = 0 : i64, scratch_operands = 29 : i64, tpu.core_type = #tpu.core_type<sc_vector_subcore>, window_params = [{transform_indices = #map}, {transform_indices = #map1}, {transform_indices = #map}, {transform_indices = #map2}]} {
    %mul3A = arith.constant 16 : i32
    %mul3A_0 = arith.muli %arg0, %mul3A : i32
    %add3A = arith.addi %mul3A_0, %arg1 : i32
    %mul3A_1 = arith.constant 10000 : i32
    %mul3A_2 = arith.muli %add3A, %mul3A_1 : i32
    %mul3A_3 = arith.constant 632 : i32
    %mul3A_4 = arith.muli %arg1, %mul3A_3 : i32
    "tpu.region"() ({
      %run_scoped3A = tpu.sem_alloc : memref<!tpu.dma_semaphore, #tpu.memory_space<semaphore_mem>>
      %dma_start3A_193 = arith.constant 0 : i32
      %dma_start3A_194 = tpu.memref_slice %arg18[%mul3A_4, %dma_start3A_193] : memref<10112x128xf32, #tpu.memory_space<vmem_shared>> -> memref<632x128xf32, #tpu.memory_space<vmem_shared>>
      tpu.enqueue_dma source(%arg4 : memref<632x128xf32, #tpu.memory_space<hbm>>) target(%dma_start3A_194 : memref<632x128xf32, #tpu.memory_space<vmem_shared>>) target_semaphore(%run_scoped3A : memref<!tpu.dma_semaphore, #tpu.memory_space<semaphore_mem>>)
      %dma_wait3A_195 = arith.constant 0 : i32
      %dma_wait3A_196 = tpu.memref_slice %arg18[%mul3A_4, %dma_wait3A_195] : memref<10112x128xf32, #tpu.memory_space<vmem_shared>> -> memref<632x128xf32, #tpu.memory_space<vmem_shared>>
      tpu.wait_dma2 semaphore(%run_scoped3A : memref<!tpu.dma_semaphore, #tpu.memory_space<semaphore_mem>>) src(%arg4 : memref<632x128xf32, #tpu.memory_space<hbm>>) dst(%dma_wait3A_196 : memref<632x128xf32, #tpu.memory_space<vmem_shared>>)
      tpu.yield
    }) : () -> ()
    %barrier3A = arith.constant 0 : index
    tpu.barrier barrier_id(%barrier3A)
    %min3A = arith.constant 0 : i32
    %min3A_5 = arith.constant 124 : i32
    %min3A_6 = arith.minsi %min3A, %min3A_5 : i32
    %mul3A_7 = arith.constant 80 : i32
    %mul3A_8 = arith.muli %min3A_6, %mul3A_7 : i32
    %add3A_9 = arith.addi %mul3A_2, %mul3A_8 : i32
    %dma_start3A = tpu.memref_slice %arg3[%add3A_9] : memref<640000xi32, #tpu.memory_space<hbm>> -> memref<80xi32, #tpu.memory_space<hbm>>
    %dma_start3A_10 = tpu.memref_slice %arg3[%add3A_9] : memref<640000xi32, #tpu.memory_space<hbm>> -> memref<80xi32, #tpu.memory_space<hbm>>
    tpu.enqueue_dma source(%dma_start3A_10 : memref<80xi32, #tpu.memory_space<hbm>>) target(%arg10 : memref<80xi32, #tpu.memory_space<vmem>>) target_semaphore(%arg27 : memref<!tpu.dma_semaphore, #tpu.memory_space<semaphore_mem>>)
    %min3A_11 = arith.constant 1 : i32
    %min3A_12 = arith.constant 124 : i32
    %min3A_13 = arith.minsi %min3A_11, %min3A_12 : i32
    %mul3A_14 = arith.constant 80 : i32
    %mul3A_15 = arith.muli %min3A_13, %mul3A_14 : i32
    %add3A_16 = arith.addi %mul3A_2, %mul3A_15 : i32
    %dma_start3A_17 = tpu.memref_slice %arg3[%add3A_16] : memref<640000xi32, #tpu.memory_space<hbm>> -> memref<80xi32, #tpu.memory_space<hbm>>
    %dma_start3A_18 = tpu.memref_slice %arg3[%add3A_16] : memref<640000xi32, #tpu.memory_space<hbm>> -> memref<80xi32, #tpu.memory_space<hbm>>
    tpu.enqueue_dma source(%dma_start3A_18 : memref<80xi32, #tpu.memory_space<hbm>>) target(%arg11 : memref<80xi32, #tpu.memory_space<vmem>>) target_semaphore(%arg28 : memref<!tpu.dma_semaphore, #tpu.memory_space<semaphore_mem>>)
    %min3A_19 = arith.constant 2 : i32
    %min3A_20 = arith.constant 124 : i32
    %min3A_21 = arith.minsi %min3A_19, %min3A_20 : i32
    %mul3A_22 = arith.constant 80 : i32
    %mul3A_23 = arith.muli %min3A_21, %mul3A_22 : i32
    %add3A_24 = arith.addi %mul3A_2, %mul3A_23 : i32
    %dma_start3A_25 = tpu.memref_slice %arg3[%add3A_24] : memref<640000xi32, #tpu.memory_space<hbm>> -> memref<80xi32, #tpu.memory_space<hbm>>
    %dma_start3A_26 = tpu.memref_slice %arg3[%add3A_24] : memref<640000xi32, #tpu.memory_space<hbm>> -> memref<80xi32, #tpu.memory_space<hbm>>
    tpu.enqueue_dma source(%dma_start3A_26 : memref<80xi32, #tpu.memory_space<hbm>>) target(%arg12 : memref<80xi32, #tpu.memory_space<vmem>>) target_semaphore(%arg29 : memref<!tpu.dma_semaphore, #tpu.memory_space<semaphore_mem>>)
    %min3A_27 = arith.constant 3 : i32
    %min3A_28 = arith.constant 124 : i32
    %min3A_29 = arith.minsi %min3A_27, %min3A_28 : i32
    %mul3A_30 = arith.constant 80 : i32
    %mul3A_31 = arith.muli %min3A_29, %mul3A_30 : i32
    %add3A_32 = arith.addi %mul3A_2, %mul3A_31 : i32
    %dma_start3A_33 = tpu.memref_slice %arg3[%add3A_32] : memref<640000xi32, #tpu.memory_space<hbm>> -> memref<80xi32, #tpu.memory_space<hbm>>
    %dma_start3A_34 = tpu.memref_slice %arg3[%add3A_32] : memref<640000xi32, #tpu.memory_space<hbm>> -> memref<80xi32, #tpu.memory_space<hbm>>
    tpu.enqueue_dma source(%dma_start3A_34 : memref<80xi32, #tpu.memory_space<hbm>>) target(%arg13 : memref<80xi32, #tpu.memory_space<vmem>>) target_semaphore(%arg30 : memref<!tpu.dma_semaphore, #tpu.memory_space<semaphore_mem>>)
    %add3A_35 = arith.constant 320000 : i32
    %add3A_36 = arith.addi %add3A_35, %mul3A_2 : i32
    %add3A_37 = arith.constant 0 : i32
    %add3A_38 = arith.addi %add3A_36, %add3A_37 : i32
    %dma_start3A_39 = tpu.memref_slice %arg3[%add3A_38] : memref<640000xi32, #tpu.memory_space<hbm>> -> memref<80xi32, #tpu.memory_space<hbm>>
    %dma_start3A_40 = tpu.memref_slice %arg3[%add3A_38] : memref<640000xi32, #tpu.memory_space<hbm>> -> memref<80xi32, #tpu.memory_space<hbm>>
    tpu.enqueue_dma source(%dma_start3A_40 : memref<80xi32, #tpu.memory_space<hbm>>) target(%arg14 : memref<80xi32, #tpu.memory_space<vmem>>) target_semaphore(%arg31 : memref<!tpu.dma_semaphore, #tpu.memory_space<semaphore_mem>>)
    %add3A_41 = arith.constant 320000 : i32
    %add3A_42 = arith.addi %add3A_41, %mul3A_2 : i32
    %add3A_43 = arith.constant 80 : i32
    %add3A_44 = arith.addi %add3A_42, %add3A_43 : i32
    %dma_start3A_45 = tpu.memref_slice %arg3[%add3A_44] : memref<640000xi32, #tpu.memory_space<hbm>> -> memref<80xi32, #tpu.memory_space<hbm>>
    %dma_start3A_46 = tpu.memref_slice %arg3[%add3A_44] : memref<640000xi32, #tpu.memory_space<hbm>> -> memref<80xi32, #tpu.memory_space<hbm>>
    tpu.enqueue_dma source(%dma_start3A_46 : memref<80xi32, #tpu.memory_space<hbm>>) target(%arg15 : memref<80xi32, #tpu.memory_space<vmem>>) target_semaphore(%arg32 : memref<!tpu.dma_semaphore, #tpu.memory_space<semaphore_mem>>)
    %dma_wait3A = arith.constant 0 : i32
    %dma_wait3A_47 = tpu.memref_slice %arg3[%dma_wait3A] : memref<640000xi32, #tpu.memory_space<hbm>> -> memref<80xi32, #tpu.memory_space<hbm>>
    %dma_wait3A_48 = arith.constant 0 : i32
    %dma_wait3A_49 = tpu.memref_slice %arg3[%dma_wait3A_48] : memref<640000xi32, #tpu.memory_space<hbm>> -> memref<80xi32, #tpu.memory_space<hbm>>
    tpu.wait_dma2 semaphore(%arg27 : memref<!tpu.dma_semaphore, #tpu.memory_space<semaphore_mem>>) src(%dma_wait3A_49 : memref<80xi32, #tpu.memory_space<hbm>>) dst(%arg10 : memref<80xi32, #tpu.memory_space<vmem>>)
    %dma_start3A_50 = arith.constant 0 : i32
    %dma_start3A_51 = arith.constant 0 : i32
    %dma_start3A_52 = tpu.memref_slice %arg2[%dma_start3A_50, %dma_start3A_51] : memref<10000x128xf32, #tpu.memory_space<hbm>> -> memref<10000x128xf32, #tpu.memory_space<hbm>>
    tpu.enqueue_indirect_dma source(%dma_start3A_52 : memref<10000x128xf32, #tpu.memory_space<hbm>>) target(%arg6 : memref<80x128xf32, #tpu.memory_space<vmem>>) offsets(%arg10 : memref<80xi32, #tpu.memory_space<vmem>>) semaphore(%arg19 : memref<!tpu.dma_semaphore, #tpu.memory_space<semaphore_mem>>)
    %dma_wait3A_53 = arith.constant 0 : i32
    %dma_wait3A_54 = tpu.memref_slice %arg3[%dma_wait3A_53] : memref<640000xi32, #tpu.memory_space<hbm>> -> memref<80xi32, #tpu.memory_space<hbm>>
    %dma_wait3A_55 = arith.constant 0 : i32
    %dma_wait3A_56 = tpu.memref_slice %arg3[%dma_wait3A_55] : memref<640000xi32, #tpu.memory_space<hbm>> -> memref<80xi32, #tpu.memory_space<hbm>>
    tpu.wait_dma2 semaphore(%arg28 : memref<!tpu.dma_semaphore, #tpu.memory_space<semaphore_mem>>) src(%dma_wait3A_56 : memref<80xi32, #tpu.memory_space<hbm>>) dst(%arg11 : memref<80xi32, #tpu.memory_space<vmem>>)
    %dma_start3A_57 = arith.constant 0 : i32
    %dma_start3A_58 = arith.constant 0 : i32
    %dma_start3A_59 = tpu.memref_slice %arg2[%dma_start3A_57, %dma_start3A_58] : memref<10000x128xf32, #tpu.memory_space<hbm>> -> memref<10000x128xf32, #tpu.memory_space<hbm>>
    tpu.enqueue_indirect_dma source(%dma_start3A_59 : memref<10000x128xf32, #tpu.memory_space<hbm>>) target(%arg7 : memref<80x128xf32, #tpu.memory_space<vmem>>) offsets(%arg11 : memref<80xi32, #tpu.memory_space<vmem>>) semaphore(%arg20 : memref<!tpu.dma_semaphore, #tpu.memory_space<semaphore_mem>>)
    %dma_wait3A_60 = arith.constant 0 : i32
    %dma_wait3A_61 = tpu.memref_slice %arg3[%dma_wait3A_60] : memref<640000xi32, #tpu.memory_space<hbm>> -> memref<80xi32, #tpu.memory_space<hbm>>
    %dma_wait3A_62 = arith.constant 0 : i32
    %dma_wait3A_63 = tpu.memref_slice %arg3[%dma_wait3A_62] : memref<640000xi32, #tpu.memory_space<hbm>> -> memref<80xi32, #tpu.memory_space<hbm>>
    tpu.wait_dma2 semaphore(%arg29 : memref<!tpu.dma_semaphore, #tpu.memory_space<semaphore_mem>>) src(%dma_wait3A_63 : memref<80xi32, #tpu.memory_space<hbm>>) dst(%arg12 : memref<80xi32, #tpu.memory_space<vmem>>)
    %dma_start3A_64 = arith.constant 0 : i32
    %dma_start3A_65 = arith.constant 0 : i32
    %dma_start3A_66 = tpu.memref_slice %arg2[%dma_start3A_64, %dma_start3A_65] : memref<10000x128xf32, #tpu.memory_space<hbm>> -> memref<10000x128xf32, #tpu.memory_space<hbm>>
    tpu.enqueue_indirect_dma source(%dma_start3A_66 : memref<10000x128xf32, #tpu.memory_space<hbm>>) target(%arg8 : memref<80x128xf32, #tpu.memory_space<vmem>>) offsets(%arg12 : memref<80xi32, #tpu.memory_space<vmem>>) semaphore(%arg21 : memref<!tpu.dma_semaphore, #tpu.memory_space<semaphore_mem>>)
    %add3A_67 = arith.constant 320000 : i32
    %add3A_68 = arith.addi %add3A_67, %mul3A_2 : i32
    %add3A_69 = arith.constant 160 : i32
    %add3A_70 = arith.addi %add3A_68, %add3A_69 : i32
    %dma_start3A_71 = tpu.memref_slice %arg3[%add3A_70] : memref<640000xi32, #tpu.memory_space<hbm>> -> memref<80xi32, #tpu.memory_space<hbm>>
    %dma_start3A_72 = tpu.memref_slice %arg3[%add3A_70] : memref<640000xi32, #tpu.memory_space<hbm>> -> memref<80xi32, #tpu.memory_space<hbm>>
    tpu.enqueue_dma source(%dma_start3A_72 : memref<80xi32, #tpu.memory_space<hbm>>) target(%arg16 : memref<80xi32, #tpu.memory_space<vmem>>) target_semaphore(%arg33 : memref<!tpu.dma_semaphore, #tpu.memory_space<semaphore_mem>>)
    %dma_wait3A_73 = arith.constant 0 : i32
    %dma_wait3A_74 = arith.constant 0 : i32
    %dma_wait3A_75 = tpu.memref_slice %arg2[%dma_wait3A_73, %dma_wait3A_74] : memref<10000x128xf32, #tpu.memory_space<hbm>> -> memref<10000x128xf32, #tpu.memory_space<hbm>>
    tpu.wait_indirect_dma semaphore(%arg19 : memref<!tpu.dma_semaphore, #tpu.memory_space<semaphore_mem>>) src(%dma_wait3A_75 : memref<10000x128xf32, #tpu.memory_space<hbm>>) dst(%arg6 : memref<80x128xf32, #tpu.memory_space<vmem>>)
    %min3A_76 = arith.constant 4 : i32
    %min3A_77 = arith.constant 124 : i32
    %min3A_78 = arith.minsi %min3A_76, %min3A_77 : i32
    %mul3A_79 = arith.constant 80 : i32
    %mul3A_80 = arith.muli %min3A_78, %mul3A_79 : i32
    %add3A_81 = arith.addi %mul3A_2, %mul3A_80 : i32
    %dma_start3A_82 = tpu.memref_slice %arg3[%add3A_81] : memref<640000xi32, #tpu.memory_space<hbm>> -> memref<80xi32, #tpu.memory_space<hbm>>
    %dma_start3A_83 = tpu.memref_slice %arg3[%add3A_81] : memref<640000xi32, #tpu.memory_space<hbm>> -> memref<80xi32, #tpu.memory_space<hbm>>
    tpu.enqueue_dma source(%dma_start3A_83 : memref<80xi32, #tpu.memory_space<hbm>>) target(%arg10 : memref<80xi32, #tpu.memory_space<vmem>>) target_semaphore(%arg27 : memref<!tpu.dma_semaphore, #tpu.memory_space<semaphore_mem>>)
    %dma_wait3A_84 = arith.constant 0 : i32
    %dma_wait3A_85 = tpu.memref_slice %arg3[%dma_wait3A_84] : memref<640000xi32, #tpu.memory_space<hbm>> -> memref<80xi32, #tpu.memory_space<hbm>>
    %dma_wait3A_86 = arith.constant 0 : i32
    %dma_wait3A_87 = tpu.memref_slice %arg3[%dma_wait3A_86] : memref<640000xi32, #tpu.memory_space<hbm>> -> memref<80xi32, #tpu.memory_space<hbm>>
    tpu.wait_dma2 semaphore(%arg31 : memref<!tpu.dma_semaphore, #tpu.memory_space<semaphore_mem>>) src(%dma_wait3A_87 : memref<80xi32, #tpu.memory_space<hbm>>) dst(%arg14 : memref<80xi32, #tpu.memory_space<vmem>>)
    %dma_start3A_88 = arith.constant 0 : i32
    %dma_start3A_89 = arith.constant 0 : i32
    %dma_start3A_90 = tpu.memref_slice %arg18[%dma_start3A_88, %dma_start3A_89] : memref<10112x128xf32, #tpu.memory_space<vmem_shared>> -> memref<10112x128xf32, #tpu.memory_space<vmem_shared>>
    tpu.enqueue_indirect_dma source(%arg6 : memref<80x128xf32, #tpu.memory_space<vmem>>) target(%dma_start3A_90 : memref<10112x128xf32, #tpu.memory_space<vmem_shared>>) offsets(%arg14 : memref<80xi32, #tpu.memory_space<vmem>>) semaphore(%arg23 : memref<!tpu.dma_semaphore, #tpu.memory_space<semaphore_mem>>) {add = true}
    %dma_wait3A_91 = arith.constant 0 : i32
    %dma_wait3A_92 = tpu.memref_slice %arg3[%dma_wait3A_91] : memref<640000xi32, #tpu.memory_space<hbm>> -> memref<80xi32, #tpu.memory_space<hbm>>
    %dma_wait3A_93 = arith.constant 0 : i32
    %dma_wait3A_94 = tpu.memref_slice %arg3[%dma_wait3A_93] : memref<640000xi32, #tpu.memory_space<hbm>> -> memref<80xi32, #tpu.memory_space<hbm>>
    tpu.wait_dma2 semaphore(%arg30 : memref<!tpu.dma_semaphore, #tpu.memory_space<semaphore_mem>>) src(%dma_wait3A_94 : memref<80xi32, #tpu.memory_space<hbm>>) dst(%arg13 : memref<80xi32, #tpu.memory_space<vmem>>)
    %dma_start3A_95 = arith.constant 0 : i32
    %dma_start3A_96 = arith.constant 0 : i32
    %dma_start3A_97 = tpu.memref_slice %arg2[%dma_start3A_95, %dma_start3A_96] : memref<10000x128xf32, #tpu.memory_space<hbm>> -> memref<10000x128xf32, #tpu.memory_space<hbm>>
    tpu.enqueue_indirect_dma source(%dma_start3A_97 : memref<10000x128xf32, #tpu.memory_space<hbm>>) target(%arg9 : memref<80x128xf32, #tpu.memory_space<vmem>>) offsets(%arg13 : memref<80xi32, #tpu.memory_space<vmem>>) semaphore(%arg22 : memref<!tpu.dma_semaphore, #tpu.memory_space<semaphore_mem>>)
    %add3A_98 = arith.constant 320000 : i32
    %add3A_99 = arith.addi %add3A_98, %mul3A_2 : i32
    %add3A_100 = arith.constant 240 : i32
    %add3A_101 = arith.addi %add3A_99, %add3A_100 : i32
    %dma_start3A_102 = tpu.memref_slice %arg3[%add3A_101] : memref<640000xi32, #tpu.memory_space<hbm>> -> memref<80xi32, #tpu.memory_space<hbm>>
    %dma_start3A_103 = tpu.memref_slice %arg3[%add3A_101] : memref<640000xi32, #tpu.memory_space<hbm>> -> memref<80xi32, #tpu.memory_space<hbm>>
    tpu.enqueue_dma source(%dma_start3A_103 : memref<80xi32, #tpu.memory_space<hbm>>) target(%arg17 : memref<80xi32, #tpu.memory_space<vmem>>) target_semaphore(%arg34 : memref<!tpu.dma_semaphore, #tpu.memory_space<semaphore_mem>>)
    %dma_wait3A_104 = arith.constant 0 : i32
    %dma_wait3A_105 = arith.constant 0 : i32
    %dma_wait3A_106 = tpu.memref_slice %arg2[%dma_wait3A_104, %dma_wait3A_105] : memref<10000x128xf32, #tpu.memory_space<hbm>> -> memref<10000x128xf32, #tpu.memory_space<hbm>>
    tpu.wait_indirect_dma semaphore(%arg20 : memref<!tpu.dma_semaphore, #tpu.memory_space<semaphore_mem>>) src(%dma_wait3A_106 : memref<10000x128xf32, #tpu.memory_space<hbm>>) dst(%arg7 : memref<80x128xf32, #tpu.memory_space<vmem>>)
    %min3A_107 = arith.constant 5 : i32
    %min3A_108 = arith.constant 124 : i32
    %min3A_109 = arith.minsi %min3A_107, %min3A_108 : i32
    %mul3A_110 = arith.constant 80 : i32
    %mul3A_111 = arith.muli %min3A_109, %mul3A_110 : i32
    %add3A_112 = arith.addi %mul3A_2, %mul3A_111 : i32
    %dma_start3A_113 = tpu.memref_slice %arg3[%add3A_112] : memref<640000xi32, #tpu.memory_space<hbm>> -> memref<80xi32, #tpu.memory_space<hbm>>
    %dma_start3A_114 = tpu.memref_slice %arg3[%add3A_112] : memref<640000xi32, #tpu.memory_space<hbm>> -> memref<80xi32, #tpu.memory_space<hbm>>
    tpu.enqueue_dma source(%dma_start3A_114 : memref<80xi32, #tpu.memory_space<hbm>>) target(%arg11 : memref<80xi32, #tpu.memory_space<vmem>>) target_semaphore(%arg28 : memref<!tpu.dma_semaphore, #tpu.memory_space<semaphore_mem>>)
    %dma_wait3A_115 = arith.constant 0 : i32
    %dma_wait3A_116 = tpu.memref_slice %arg3[%dma_wait3A_115] : memref<640000xi32, #tpu.memory_space<hbm>> -> memref<80xi32, #tpu.memory_space<hbm>>
    %dma_wait3A_117 = arith.constant 0 : i32
    %dma_wait3A_118 = tpu.memref_slice %arg3[%dma_wait3A_117] : memref<640000xi32, #tpu.memory_space<hbm>> -> memref<80xi32, #tpu.memory_space<hbm>>
    tpu.wait_dma2 semaphore(%arg32 : memref<!tpu.dma_semaphore, #tpu.memory_space<semaphore_mem>>) src(%dma_wait3A_118 : memref<80xi32, #tpu.memory_space<hbm>>) dst(%arg15 : memref<80xi32, #tpu.memory_space<vmem>>)
    %dma_start3A_119 = arith.constant 0 : i32
    %dma_start3A_120 = arith.constant 0 : i32
    %dma_start3A_121 = tpu.memref_slice %arg18[%dma_start3A_119, %dma_start3A_120] : memref<10112x128xf32, #tpu.memory_space<vmem_shared>> -> memref<10112x128xf32, #tpu.memory_space<vmem_shared>>
    tpu.enqueue_indirect_dma source(%arg7 : memref<80x128xf32, #tpu.memory_space<vmem>>) target(%dma_start3A_121 : memref<10112x128xf32, #tpu.memory_space<vmem_shared>>) offsets(%arg15 : memref<80xi32, #tpu.memory_space<vmem>>) semaphore(%arg24 : memref<!tpu.dma_semaphore, #tpu.memory_space<semaphore_mem>>) {add = true}
    %scan3A = arith.constant 0 : i32
    %scan3A_122 = arith.constant 30 : i32
    %scan3A_123 = arith.addi %scan3A, %scan3A_122 : i32
    %scan3A_124 = arith.constant 1 : i32
    scf.for %scan3A_193 = %scan3A to %scan3A_123 step %scan3A_124  : i32 {
      %mul3A_194 = arith.constant 4 : i32
      %mul3A_195 = arith.muli %scan3A_193, %mul3A_194 : i32
      %add3A_196 = arith.constant 2 : i32
      %add3A_197 = arith.addi %add3A_196, %mul3A_195 : i32
      %dma_wait3A_198 = arith.constant 0 : i32
      %dma_wait3A_199 = arith.constant 0 : i32
      %dma_wait3A_200 = tpu.memref_slice %arg18[%dma_wait3A_198, %dma_wait3A_199] : memref<10112x128xf32, #tpu.memory_space<vmem_shared>> -> memref<10112x128xf32, #tpu.memory_space<vmem_shared>>
      tpu.wait_indirect_dma semaphore(%arg23 : memref<!tpu.dma_semaphore, #tpu.memory_space<semaphore_mem>>) src(%arg6 : memref<80x128xf32, #tpu.memory_space<vmem>>) dst(%dma_wait3A_200 : memref<10112x128xf32, #tpu.memory_space<vmem_shared>>)
      %dma_wait3A_201 = arith.constant 0 : i32
      %dma_wait3A_202 = tpu.memref_slice %arg3[%dma_wait3A_201] : memref<640000xi32, #tpu.memory_space<hbm>> -> memref<80xi32, #tpu.memory_space<hbm>>
      %dma_wait3A_203 = arith.constant 0 : i32
      %dma_wait3A_204 = tpu.memref_slice %arg3[%dma_wait3A_203] : memref<640000xi32, #tpu.memory_space<hbm>> -> memref<80xi32, #tpu.memory_space<hbm>>
      tpu.wait_dma2 semaphore(%arg27 : memref<!tpu.dma_semaphore, #tpu.memory_space<semaphore_mem>>) src(%dma_wait3A_204 : memref<80xi32, #tpu.memory_space<hbm>>) dst(%arg10 : memref<80xi32, #tpu.memory_space<vmem>>)
      %dma_start3A_205 = arith.constant 0 : i32
      %dma_start3A_206 = arith.constant 0 : i32
      %dma_start3A_207 = tpu.memref_slice %arg2[%dma_start3A_205, %dma_start3A_206] : memref<10000x128xf32, #tpu.memory_space<hbm>> -> memref<10000x128xf32, #tpu.memory_space<hbm>>
      tpu.enqueue_indirect_dma source(%dma_start3A_207 : memref<10000x128xf32, #tpu.memory_space<hbm>>) target(%arg6 : memref<80x128xf32, #tpu.memory_space<vmem>>) offsets(%arg10 : memref<80xi32, #tpu.memory_space<vmem>>) semaphore(%arg19 : memref<!tpu.dma_semaphore, #tpu.memory_space<semaphore_mem>>)
      %add3A_208 = arith.constant 2 : i32
      %add3A_209 = arith.addi %add3A_197, %add3A_208 : i32
      %add3A_210 = arith.constant 320000 : i32
      %add3A_211 = arith.addi %add3A_210, %mul3A_2 : i32
      %mul3A_212 = arith.constant 80 : i32
      %mul3A_213 = arith.muli %add3A_209, %mul3A_212 : i32
      %add3A_214 = arith.addi %add3A_211, %mul3A_213 : i32
      %dma_start3A_215 = tpu.memref_slice %arg3[%add3A_214] : memref<640000xi32, #tpu.memory_space<hbm>> -> memref<80xi32, #tpu.memory_space<hbm>>
      %dma_start3A_216 = tpu.memref_slice %arg3[%add3A_214] : memref<640000xi32, #tpu.memory_space<hbm>> -> memref<80xi32, #tpu.memory_space<hbm>>
      tpu.enqueue_dma source(%dma_start3A_216 : memref<80xi32, #tpu.memory_space<hbm>>) target(%arg14 : memref<80xi32, #tpu.memory_space<vmem>>) target_semaphore(%arg31 : memref<!tpu.dma_semaphore, #tpu.memory_space<semaphore_mem>>)
      %dma_wait3A_217 = arith.constant 0 : i32
      %dma_wait3A_218 = arith.constant 0 : i32
      %dma_wait3A_219 = tpu.memref_slice %arg2[%dma_wait3A_217, %dma_wait3A_218] : memref<10000x128xf32, #tpu.memory_space<hbm>> -> memref<10000x128xf32, #tpu.memory_space<hbm>>
      tpu.wait_indirect_dma semaphore(%arg21 : memref<!tpu.dma_semaphore, #tpu.memory_space<semaphore_mem>>) src(%dma_wait3A_219 : memref<10000x128xf32, #tpu.memory_space<hbm>>) dst(%arg8 : memref<80x128xf32, #tpu.memory_space<vmem>>)
      %add3A_220 = arith.constant 4 : i32
      %add3A_221 = arith.addi %add3A_197, %add3A_220 : i32
      %min3A_222 = arith.constant 124 : i32
      %min3A_223 = arith.minsi %add3A_221, %min3A_222 : i32
      %mul3A_224 = arith.constant 80 : i32
      %mul3A_225 = arith.muli %min3A_223, %mul3A_224 : i32
      %add3A_226 = arith.addi %mul3A_2, %mul3A_225 : i32
      %dma_start3A_227 = tpu.memref_slice %arg3[%add3A_226] : memref<640000xi32, #tpu.memory_space<hbm>> -> memref<80xi32, #tpu.memory_space<hbm>>
      %dma_start3A_228 = tpu.memref_slice %arg3[%add3A_226] : memref<640000xi32, #tpu.memory_space<hbm>> -> memref<80xi32, #tpu.memory_space<hbm>>
      tpu.enqueue_dma source(%dma_start3A_228 : memref<80xi32, #tpu.memory_space<hbm>>) target(%arg12 : memref<80xi32, #tpu.memory_space<vmem>>) target_semaphore(%arg29 : memref<!tpu.dma_semaphore, #tpu.memory_space<semaphore_mem>>)
      %dma_wait3A_229 = arith.constant 0 : i32
      %dma_wait3A_230 = tpu.memref_slice %arg3[%dma_wait3A_229] : memref<640000xi32, #tpu.memory_space<hbm>> -> memref<80xi32, #tpu.memory_space<hbm>>
      %dma_wait3A_231 = arith.constant 0 : i32
      %dma_wait3A_232 = tpu.memref_slice %arg3[%dma_wait3A_231] : memref<640000xi32, #tpu.memory_space<hbm>> -> memref<80xi32, #tpu.memory_space<hbm>>
      tpu.wait_dma2 semaphore(%arg33 : memref<!tpu.dma_semaphore, #tpu.memory_space<semaphore_mem>>) src(%dma_wait3A_232 : memref<80xi32, #tpu.memory_space<hbm>>) dst(%arg16 : memref<80xi32, #tpu.memory_space<vmem>>)
      %dma_start3A_233 = arith.constant 0 : i32
      %dma_start3A_234 = arith.constant 0 : i32
      %dma_start3A_235 = tpu.memref_slice %arg18[%dma_start3A_233, %dma_start3A_234] : memref<10112x128xf32, #tpu.memory_space<vmem_shared>> -> memref<10112x128xf32, #tpu.memory_space<vmem_shared>>
      tpu.enqueue_indirect_dma source(%arg8 : memref<80x128xf32, #tpu.memory_space<vmem>>) target(%dma_start3A_235 : memref<10112x128xf32, #tpu.memory_space<vmem_shared>>) offsets(%arg16 : memref<80xi32, #tpu.memory_space<vmem>>) semaphore(%arg25 : memref<!tpu.dma_semaphore, #tpu.memory_space<semaphore_mem>>) {add = true}
      %add3A_236 = arith.constant 1 : i32
      %add3A_237 = arith.addi %add3A_197, %add3A_236 : i32
      %dma_wait3A_238 = arith.constant 0 : i32
      %dma_wait3A_239 = arith.constant 0 : i32
      %dma_wait3A_240 = tpu.memref_slice %arg18[%dma_wait3A_238, %dma_wait3A_239] : memref<10112x128xf32, #tpu.memory_space<vmem_shared>> -> memref<10112x128xf32, #tpu.memory_space<vmem_shared>>
      tpu.wait_indirect_dma semaphore(%arg24 : memref<!tpu.dma_semaphore, #tpu.memory_space<semaphore_mem>>) src(%arg7 : memref<80x128xf32, #tpu.memory_space<vmem>>) dst(%dma_wait3A_240 : memref<10112x128xf32, #tpu.memory_space<vmem_shared>>)
      %dma_wait3A_241 = arith.constant 0 : i32
      %dma_wait3A_242 = tpu.memref_slice %arg3[%dma_wait3A_241] : memref<640000xi32, #tpu.memory_space<hbm>> -> memref<80xi32, #tpu.memory_space<hbm>>
      %dma_wait3A_243 = arith.constant 0 : i32
      %dma_wait3A_244 = tpu.memref_slice %arg3[%dma_wait3A_243] : memref<640000xi32, #tpu.memory_space<hbm>> -> memref<80xi32, #tpu.memory_space<hbm>>
      tpu.wait_dma2 semaphore(%arg28 : memref<!tpu.dma_semaphore, #tpu.memory_space<semaphore_mem>>) src(%dma_wait3A_244 : memref<80xi32, #tpu.memory_space<hbm>>) dst(%arg11 : memref<80xi32, #tpu.memory_space<vmem>>)
      %dma_start3A_245 = arith.constant 0 : i32
      %dma_start3A_246 = arith.constant 0 : i32
      %dma_start3A_247 = tpu.memref_slice %arg2[%dma_start3A_245, %dma_start3A_246] : memref<10000x128xf32, #tpu.memory_space<hbm>> -> memref<10000x128xf32, #tpu.memory_space<hbm>>
      tpu.enqueue_indirect_dma source(%dma_start3A_247 : memref<10000x128xf32, #tpu.memory_space<hbm>>) target(%arg7 : memref<80x128xf32, #tpu.memory_space<vmem>>) offsets(%arg11 : memref<80xi32, #tpu.memory_space<vmem>>) semaphore(%arg20 : memref<!tpu.dma_semaphore, #tpu.memory_space<semaphore_mem>>)
      %add3A_248 = arith.constant 2 : i32
      %add3A_249 = arith.addi %add3A_237, %add3A_248 : i32
      %add3A_250 = arith.constant 320000 : i32
      %add3A_251 = arith.addi %add3A_250, %mul3A_2 : i32
      %mul3A_252 = arith.constant 80 : i32
      %mul3A_253 = arith.muli %add3A_249, %mul3A_252 : i32
      %add3A_254 = arith.addi %add3A_251, %mul3A_253 : i32
      %dma_start3A_255 = tpu.memref_slice %arg3[%add3A_254] : memref<640000xi32, #tpu.memory_space<hbm>> -> memref<80xi32, #tpu.memory_space<hbm>>
      %dma_start3A_256 = tpu.memref_slice %arg3[%add3A_254] : memref<640000xi32, #tpu.memory_space<hbm>> -> memref<80xi32, #tpu.memory_space<hbm>>
      tpu.enqueue_dma source(%dma_start3A_256 : memref<80xi32, #tpu.memory_space<hbm>>) target(%arg15 : memref<80xi32, #tpu.memory_space<vmem>>) target_semaphore(%arg32 : memref<!tpu.dma_semaphore, #tpu.memory_space<semaphore_mem>>)
      %dma_wait3A_257 = arith.constant 0 : i32
      %dma_wait3A_258 = arith.constant 0 : i32
      %dma_wait3A_259 = tpu.memref_slice %arg2[%dma_wait3A_257, %dma_wait3A_258] : memref<10000x128xf32, #tpu.memory_space<hbm>> -> memref<10000x128xf32, #tpu.memory_space<hbm>>
      tpu.wait_indirect_dma semaphore(%arg22 : memref<!tpu.dma_semaphore, #tpu.memory_space<semaphore_mem>>) src(%dma_wait3A_259 : memref<10000x128xf32, #tpu.memory_space<hbm>>) dst(%arg9 : memref<80x128xf32, #tpu.memory_space<vmem>>)
      %add3A_260 = arith.constant 4 : i32
      %add3A_261 = arith.addi %add3A_237, %add3A_260 : i32
      %min3A_262 = arith.constant 124 : i32
      %min3A_263 = arith.minsi %add3A_261, %min3A_262 : i32
      %mul3A_264 = arith.constant 80 : i32
      %mul3A_265 = arith.muli %min3A_263, %mul3A_264 : i32
      %add3A_266 = arith.addi %mul3A_2, %mul3A_265 : i32
      %dma_start3A_267 = tpu.memref_slice %arg3[%add3A_266] : memref<640000xi32, #tpu.memory_space<hbm>> -> memref<80xi32, #tpu.memory_space<hbm>>
      %dma_start3A_268 = tpu.memref_slice %arg3[%add3A_266] : memref<640000xi32, #tpu.memory_space<hbm>> -> memref<80xi32, #tpu.memory_space<hbm>>
      tpu.enqueue_dma source(%dma_start3A_268 : memref<80xi32, #tpu.memory_space<hbm>>) target(%arg13 : memref<80xi32, #tpu.memory_space<vmem>>) target_semaphore(%arg30 : memref<!tpu.dma_semaphore, #tpu.memory_space<semaphore_mem>>)
      %dma_wait3A_269 = arith.constant 0 : i32
      %dma_wait3A_270 = tpu.memref_slice %arg3[%dma_wait3A_269] : memref<640000xi32, #tpu.memory_space<hbm>> -> memref<80xi32, #tpu.memory_space<hbm>>
      %dma_wait3A_271 = arith.constant 0 : i32
      %dma_wait3A_272 = tpu.memref_slice %arg3[%dma_wait3A_271] : memref<640000xi32, #tpu.memory_space<hbm>> -> memref<80xi32, #tpu.memory_space<hbm>>
      tpu.wait_dma2 semaphore(%arg34 : memref<!tpu.dma_semaphore, #tpu.memory_space<semaphore_mem>>) src(%dma_wait3A_272 : memref<80xi32, #tpu.memory_space<hbm>>) dst(%arg17 : memref<80xi32, #tpu.memory_space<vmem>>)
      %dma_start3A_273 = arith.constant 0 : i32
      %dma_start3A_274 = arith.constant 0 : i32
      %dma_start3A_275 = tpu.memref_slice %arg18[%dma_start3A_273, %dma_start3A_274] : memref<10112x128xf32, #tpu.memory_space<vmem_shared>> -> memref<10112x128xf32, #tpu.memory_space<vmem_shared>>
      tpu.enqueue_indirect_dma source(%arg9 : memref<80x128xf32, #tpu.memory_space<vmem>>) target(%dma_start3A_275 : memref<10112x128xf32, #tpu.memory_space<vmem_shared>>) offsets(%arg17 : memref<80xi32, #tpu.memory_space<vmem>>) semaphore(%arg26 : memref<!tpu.dma_semaphore, #tpu.memory_space<semaphore_mem>>) {add = true}
      %add3A_276 = arith.constant 2 : i32
      %add3A_277 = arith.addi %add3A_197, %add3A_276 : i32
      %dma_wait3A_278 = arith.constant 0 : i32
      %dma_wait3A_279 = arith.constant 0 : i32
      %dma_wait3A_280 = tpu.memref_slice %arg18[%dma_wait3A_278, %dma_wait3A_279] : memref<10112x128xf32, #tpu.memory_space<vmem_shared>> -> memref<10112x128xf32, #tpu.memory_space<vmem_shared>>
      tpu.wait_indirect_dma semaphore(%arg25 : memref<!tpu.dma_semaphore, #tpu.memory_space<semaphore_mem>>) src(%arg8 : memref<80x128xf32, #tpu.memory_space<vmem>>) dst(%dma_wait3A_280 : memref<10112x128xf32, #tpu.memory_space<vmem_shared>>)
      %dma_wait3A_281 = arith.constant 0 : i32
      %dma_wait3A_282 = tpu.memref_slice %arg3[%dma_wait3A_281] : memref<640000xi32, #tpu.memory_space<hbm>> -> memref<80xi32, #tpu.memory_space<hbm>>
      %dma_wait3A_283 = arith.constant 0 : i32
      %dma_wait3A_284 = tpu.memref_slice %arg3[%dma_wait3A_283] : memref<640000xi32, #tpu.memory_space<hbm>> -> memref<80xi32, #tpu.memory_space<hbm>>
      tpu.wait_dma2 semaphore(%arg29 : memref<!tpu.dma_semaphore, #tpu.memory_space<semaphore_mem>>) src(%dma_wait3A_284 : memref<80xi32, #tpu.memory_space<hbm>>) dst(%arg12 : memref<80xi32, #tpu.memory_space<vmem>>)
      %dma_start3A_285 = arith.constant 0 : i32
      %dma_start3A_286 = arith.constant 0 : i32
      %dma_start3A_287 = tpu.memref_slice %arg2[%dma_start3A_285, %dma_start3A_286] : memref<10000x128xf32, #tpu.memory_space<hbm>> -> memref<10000x128xf32, #tpu.memory_space<hbm>>
      tpu.enqueue_indirect_dma source(%dma_start3A_287 : memref<10000x128xf32, #tpu.memory_space<hbm>>) target(%arg8 : memref<80x128xf32, #tpu.memory_space<vmem>>) offsets(%arg12 : memref<80xi32, #tpu.memory_space<vmem>>) semaphore(%arg21 : memref<!tpu.dma_semaphore, #tpu.memory_space<semaphore_mem>>)
      %add3A_288 = arith.constant 2 : i32
      %add3A_289 = arith.addi %add3A_277, %add3A_288 : i32
      %add3A_290 = arith.constant 320000 : i32
      %add3A_291 = arith.addi %add3A_290, %mul3A_2 : i32
      %mul3A_292 = arith.constant 80 : i32
      %mul3A_293 = arith.muli %add3A_289, %mul3A_292 : i32
      %add3A_294 = arith.addi %add3A_291, %mul3A_293 : i32
      %dma_start3A_295 = tpu.memref_slice %arg3[%add3A_294] : memref<640000xi32, #tpu.memory_space<hbm>> -> memref<80xi32, #tpu.memory_space<hbm>>
      %dma_start3A_296 = tpu.memref_slice %arg3[%add3A_294] : memref<640000xi32, #tpu.memory_space<hbm>> -> memref<80xi32, #tpu.memory_space<hbm>>
      tpu.enqueue_dma source(%dma_start3A_296 : memref<80xi32, #tpu.memory_space<hbm>>) target(%arg16 : memref<80xi32, #tpu.memory_space<vmem>>) target_semaphore(%arg33 : memref<!tpu.dma_semaphore, #tpu.memory_space<semaphore_mem>>)
      %dma_wait3A_297 = arith.constant 0 : i32
      %dma_wait3A_298 = arith.constant 0 : i32
      %dma_wait3A_299 = tpu.memref_slice %arg2[%dma_wait3A_297, %dma_wait3A_298] : memref<10000x128xf32, #tpu.memory_space<hbm>> -> memref<10000x128xf32, #tpu.memory_space<hbm>>
      tpu.wait_indirect_dma semaphore(%arg19 : memref<!tpu.dma_semaphore, #tpu.memory_space<semaphore_mem>>) src(%dma_wait3A_299 : memref<10000x128xf32, #tpu.memory_space<hbm>>) dst(%arg6 : memref<80x128xf32, #tpu.memory_space<vmem>>)
      %add3A_300 = arith.constant 4 : i32
      %add3A_301 = arith.addi %add3A_277, %add3A_300 : i32
      %min3A_302 = arith.constant 124 : i32
      %min3A_303 = arith.minsi %add3A_301, %min3A_302 : i32
      %mul3A_304 = arith.constant 80 : i32
      %mul3A_305 = arith.muli %min3A_303, %mul3A_304 : i32
      %add3A_306 = arith.addi %mul3A_2, %mul3A_305 : i32
      %dma_start3A_307 = tpu.memref_slice %arg3[%add3A_306] : memref<640000xi32, #tpu.memory_space<hbm>> -> memref<80xi32, #tpu.memory_space<hbm>>
      %dma_start3A_308 = tpu.memref_slice %arg3[%add3A_306] : memref<640000xi32, #tpu.memory_space<hbm>> -> memref<80xi32, #tpu.memory_space<hbm>>
      tpu.enqueue_dma source(%dma_start3A_308 : memref<80xi32, #tpu.memory_space<hbm>>) target(%arg10 : memref<80xi32, #tpu.memory_space<vmem>>) target_semaphore(%arg27 : memref<!tpu.dma_semaphore, #tpu.memory_space<semaphore_mem>>)
      %dma_wait3A_309 = arith.constant 0 : i32
      %dma_wait3A_310 = tpu.memref_slice %arg3[%dma_wait3A_309] : memref<640000xi32, #tpu.memory_space<hbm>> -> memref<80xi32, #tpu.memory_space<hbm>>
      %dma_wait3A_311 = arith.constant 0 : i32
      %dma_wait3A_312 = tpu.memref_slice %arg3[%dma_wait3A_311] : memref<640000xi32, #tpu.memory_space<hbm>> -> memref<80xi32, #tpu.memory_space<hbm>>
      tpu.wait_dma2 semaphore(%arg31 : memref<!tpu.dma_semaphore, #tpu.memory_space<semaphore_mem>>) src(%dma_wait3A_312 : memref<80xi32, #tpu.memory_space<hbm>>) dst(%arg14 : memref<80xi32, #tpu.memory_space<vmem>>)
      %dma_start3A_313 = arith.constant 0 : i32
      %dma_start3A_314 = arith.constant 0 : i32
      %dma_start3A_315 = tpu.memref_slice %arg18[%dma_start3A_313, %dma_start3A_314] : memref<10112x128xf32, #tpu.memory_space<vmem_shared>> -> memref<10112x128xf32, #tpu.memory_space<vmem_shared>>
      tpu.enqueue_indirect_dma source(%arg6 : memref<80x128xf32, #tpu.memory_space<vmem>>) target(%dma_start3A_315 : memref<10112x128xf32, #tpu.memory_space<vmem_shared>>) offsets(%arg14 : memref<80xi32, #tpu.memory_space<vmem>>) semaphore(%arg23 : memref<!tpu.dma_semaphore, #tpu.memory_space<semaphore_mem>>) {add = true}
      %add3A_316 = arith.constant 3 : i32
      %add3A_317 = arith.addi %add3A_197, %add3A_316 : i32
      %dma_wait3A_318 = arith.constant 0 : i32
      %dma_wait3A_319 = arith.constant 0 : i32
      %dma_wait3A_320 = tpu.memref_slice %arg18[%dma_wait3A_318, %dma_wait3A_319] : memref<10112x128xf32, #tpu.memory_space<vmem_shared>> -> memref<10112x128xf32, #tpu.memory_space<vmem_shared>>
      tpu.wait_indirect_dma semaphore(%arg26 : memref<!tpu.dma_semaphore, #tpu.memory_space<semaphore_mem>>) src(%arg9 : memref<80x128xf32, #tpu.memory_space<vmem>>) dst(%dma_wait3A_320 : memref<10112x128xf32, #tpu.memory_space<vmem_shared>>)
      %dma_wait3A_321 = arith.constant 0 : i32
      %dma_wait3A_322 = tpu.memref_slice %arg3[%dma_wait3A_321] : memref<640000xi32, #tpu.memory_space<hbm>> -> memref<80xi32, #tpu.memory_space<hbm>>
      %dma_wait3A_323 = arith.constant 0 : i32
      %dma_wait3A_324 = tpu.memref_slice %arg3[%dma_wait3A_323] : memref<640000xi32, #tpu.memory_space<hbm>> -> memref<80xi32, #tpu.memory_space<hbm>>
      tpu.wait_dma2 semaphore(%arg30 : memref<!tpu.dma_semaphore, #tpu.memory_space<semaphore_mem>>) src(%dma_wait3A_324 : memref<80xi32, #tpu.memory_space<hbm>>) dst(%arg13 : memref<80xi32, #tpu.memory_space<vmem>>)
      %dma_start3A_325 = arith.constant 0 : i32
      %dma_start3A_326 = arith.constant 0 : i32
      %dma_start3A_327 = tpu.memref_slice %arg2[%dma_start3A_325, %dma_start3A_326] : memref<10000x128xf32, #tpu.memory_space<hbm>> -> memref<10000x128xf32, #tpu.memory_space<hbm>>
      tpu.enqueue_indirect_dma source(%dma_start3A_327 : memref<10000x128xf32, #tpu.memory_space<hbm>>) target(%arg9 : memref<80x128xf32, #tpu.memory_space<vmem>>) offsets(%arg13 : memref<80xi32, #tpu.memory_space<vmem>>) semaphore(%arg22 : memref<!tpu.dma_semaphore, #tpu.memory_space<semaphore_mem>>)
      %add3A_328 = arith.constant 2 : i32
      %add3A_329 = arith.addi %add3A_317, %add3A_328 : i32
      %add3A_330 = arith.constant 320000 : i32
      %add3A_331 = arith.addi %add3A_330, %mul3A_2 : i32
      %mul3A_332 = arith.constant 80 : i32
      %mul3A_333 = arith.muli %add3A_329, %mul3A_332 : i32
      %add3A_334 = arith.addi %add3A_331, %mul3A_333 : i32
      %dma_start3A_335 = tpu.memref_slice %arg3[%add3A_334] : memref<640000xi32, #tpu.memory_space<hbm>> -> memref<80xi32, #tpu.memory_space<hbm>>
      %dma_start3A_336 = tpu.memref_slice %arg3[%add3A_334] : memref<640000xi32, #tpu.memory_space<hbm>> -> memref<80xi32, #tpu.memory_space<hbm>>
      tpu.enqueue_dma source(%dma_start3A_336 : memref<80xi32, #tpu.memory_space<hbm>>) target(%arg17 : memref<80xi32, #tpu.memory_space<vmem>>) target_semaphore(%arg34 : memref<!tpu.dma_semaphore, #tpu.memory_space<semaphore_mem>>)
      %dma_wait3A_337 = arith.constant 0 : i32
      %dma_wait3A_338 = arith.constant 0 : i32
      %dma_wait3A_339 = tpu.memref_slice %arg2[%dma_wait3A_337, %dma_wait3A_338] : memref<10000x128xf32, #tpu.memory_space<hbm>> -> memref<10000x128xf32, #tpu.memory_space<hbm>>
      tpu.wait_indirect_dma semaphore(%arg20 : memref<!tpu.dma_semaphore, #tpu.memory_space<semaphore_mem>>) src(%dma_wait3A_339 : memref<10000x128xf32, #tpu.memory_space<hbm>>) dst(%arg7 : memref<80x128xf32, #tpu.memory_space<vmem>>)
      %add3A_340 = arith.constant 4 : i32
      %add3A_341 = arith.addi %add3A_317, %add3A_340 : i32
      %min3A_342 = arith.constant 124 : i32
      %min3A_343 = arith.minsi %add3A_341, %min3A_342 : i32
      %mul3A_344 = arith.constant 80 : i32
      %mul3A_345 = arith.muli %min3A_343, %mul3A_344 : i32
      %add3A_346 = arith.addi %mul3A_2, %mul3A_345 : i32
      %dma_start3A_347 = tpu.memref_slice %arg3[%add3A_346] : memref<640000xi32, #tpu.memory_space<hbm>> -> memref<80xi32, #tpu.memory_space<hbm>>
      %dma_start3A_348 = tpu.memref_slice %arg3[%add3A_346] : memref<640000xi32, #tpu.memory_space<hbm>> -> memref<80xi32, #tpu.memory_space<hbm>>
      tpu.enqueue_dma source(%dma_start3A_348 : memref<80xi32, #tpu.memory_space<hbm>>) target(%arg11 : memref<80xi32, #tpu.memory_space<vmem>>) target_semaphore(%arg28 : memref<!tpu.dma_semaphore, #tpu.memory_space<semaphore_mem>>)
      %dma_wait3A_349 = arith.constant 0 : i32
      %dma_wait3A_350 = tpu.memref_slice %arg3[%dma_wait3A_349] : memref<640000xi32, #tpu.memory_space<hbm>> -> memref<80xi32, #tpu.memory_space<hbm>>
      %dma_wait3A_351 = arith.constant 0 : i32
      %dma_wait3A_352 = tpu.memref_slice %arg3[%dma_wait3A_351] : memref<640000xi32, #tpu.memory_space<hbm>> -> memref<80xi32, #tpu.memory_space<hbm>>
      tpu.wait_dma2 semaphore(%arg32 : memref<!tpu.dma_semaphore, #tpu.memory_space<semaphore_mem>>) src(%dma_wait3A_352 : memref<80xi32, #tpu.memory_space<hbm>>) dst(%arg15 : memref<80xi32, #tpu.memory_space<vmem>>)
      %dma_start3A_353 = arith.constant 0 : i32
      %dma_start3A_354 = arith.constant 0 : i32
      %dma_start3A_355 = tpu.memref_slice %arg18[%dma_start3A_353, %dma_start3A_354] : memref<10112x128xf32, #tpu.memory_space<vmem_shared>> -> memref<10112x128xf32, #tpu.memory_space<vmem_shared>>
      tpu.enqueue_indirect_dma source(%arg7 : memref<80x128xf32, #tpu.memory_space<vmem>>) target(%dma_start3A_355 : memref<10112x128xf32, #tpu.memory_space<vmem_shared>>) offsets(%arg15 : memref<80xi32, #tpu.memory_space<vmem>>) semaphore(%arg24 : memref<!tpu.dma_semaphore, #tpu.memory_space<semaphore_mem>>) {add = true}
    }
    %scan3A_125 = arith.constant 30 : i32
    %dma_wait3A_126 = arith.constant 0 : i32
    %dma_wait3A_127 = arith.constant 0 : i32
    %dma_wait3A_128 = tpu.memref_slice %arg18[%dma_wait3A_126, %dma_wait3A_127] : memref<10112x128xf32, #tpu.memory_space<vmem_shared>> -> memref<10112x128xf32, #tpu.memory_space<vmem_shared>>
    tpu.wait_indirect_dma semaphore(%arg23 : memref<!tpu.dma_semaphore, #tpu.memory_space<semaphore_mem>>) src(%arg6 : memref<80x128xf32, #tpu.memory_space<vmem>>) dst(%dma_wait3A_128 : memref<10112x128xf32, #tpu.memory_space<vmem_shared>>)
    %dma_wait3A_129 = arith.constant 0 : i32
    %dma_wait3A_130 = tpu.memref_slice %arg3[%dma_wait3A_129] : memref<640000xi32, #tpu.memory_space<hbm>> -> memref<80xi32, #tpu.memory_space<hbm>>
    %dma_wait3A_131 = arith.constant 0 : i32
    %dma_wait3A_132 = tpu.memref_slice %arg3[%dma_wait3A_131] : memref<640000xi32, #tpu.memory_space<hbm>> -> memref<80xi32, #tpu.memory_space<hbm>>
    tpu.wait_dma2 semaphore(%arg27 : memref<!tpu.dma_semaphore, #tpu.memory_space<semaphore_mem>>) src(%dma_wait3A_132 : memref<80xi32, #tpu.memory_space<hbm>>) dst(%arg10 : memref<80xi32, #tpu.memory_space<vmem>>)
    %dma_start3A_133 = arith.constant 0 : i32
    %dma_start3A_134 = arith.constant 0 : i32
    %dma_start3A_135 = tpu.memref_slice %arg2[%dma_start3A_133, %dma_start3A_134] : memref<10000x128xf32, #tpu.memory_space<hbm>> -> memref<10000x128xf32, #tpu.memory_space<hbm>>
    tpu.enqueue_indirect_dma source(%dma_start3A_135 : memref<10000x128xf32, #tpu.memory_space<hbm>>) target(%arg6 : memref<80x128xf32, #tpu.memory_space<vmem>>) offsets(%arg10 : memref<80xi32, #tpu.memory_space<vmem>>) semaphore(%arg19 : memref<!tpu.dma_semaphore, #tpu.memory_space<semaphore_mem>>)
    %add3A_136 = arith.constant 320000 : i32
    %add3A_137 = arith.addi %add3A_136, %mul3A_2 : i32
    %add3A_138 = arith.constant 9920 : i32
    %add3A_139 = arith.addi %add3A_137, %add3A_138 : i32
    %dma_start3A_140 = tpu.memref_slice %arg3[%add3A_139] : memref<640000xi32, #tpu.memory_space<hbm>> -> memref<80xi32, #tpu.memory_space<hbm>>
    %dma_start3A_141 = tpu.memref_slice %arg3[%add3A_139] : memref<640000xi32, #tpu.memory_space<hbm>> -> memref<80xi32, #tpu.memory_space<hbm>>
    tpu.enqueue_dma source(%dma_start3A_141 : memref<80xi32, #tpu.memory_space<hbm>>) target(%arg14 : memref<80xi32, #tpu.memory_space<vmem>>) target_semaphore(%arg31 : memref<!tpu.dma_semaphore, #tpu.memory_space<semaphore_mem>>)
    %dma_wait3A_142 = arith.constant 0 : i32
    %dma_wait3A_143 = arith.constant 0 : i32
    %dma_wait3A_144 = tpu.memref_slice %arg2[%dma_wait3A_142, %dma_wait3A_143] : memref<10000x128xf32, #tpu.memory_space<hbm>> -> memref<10000x128xf32, #tpu.memory_space<hbm>>
    tpu.wait_indirect_dma semaphore(%arg21 : memref<!tpu.dma_semaphore, #tpu.memory_space<semaphore_mem>>) src(%dma_wait3A_144 : memref<10000x128xf32, #tpu.memory_space<hbm>>) dst(%arg8 : memref<80x128xf32, #tpu.memory_space<vmem>>)
    %dma_wait3A_145 = arith.constant 0 : i32
    %dma_wait3A_146 = tpu.memref_slice %arg3[%dma_wait3A_145] : memref<640000xi32, #tpu.memory_space<hbm>> -> memref<80xi32, #tpu.memory_space<hbm>>
    %dma_wait3A_147 = arith.constant 0 : i32
    %dma_wait3A_148 = tpu.memref_slice %arg3[%dma_wait3A_147] : memref<640000xi32, #tpu.memory_space<hbm>> -> memref<80xi32, #tpu.memory_space<hbm>>
    tpu.wait_dma2 semaphore(%arg33 : memref<!tpu.dma_semaphore, #tpu.memory_space<semaphore_mem>>) src(%dma_wait3A_148 : memref<80xi32, #tpu.memory_space<hbm>>) dst(%arg16 : memref<80xi32, #tpu.memory_space<vmem>>)
    %dma_start3A_149 = arith.constant 0 : i32
    %dma_start3A_150 = arith.constant 0 : i32
    %dma_start3A_151 = tpu.memref_slice %arg18[%dma_start3A_149, %dma_start3A_150] : memref<10112x128xf32, #tpu.memory_space<vmem_shared>> -> memref<10112x128xf32, #tpu.memory_space<vmem_shared>>
    tpu.enqueue_indirect_dma source(%arg8 : memref<80x128xf32, #tpu.memory_space<vmem>>) target(%dma_start3A_151 : memref<10112x128xf32, #tpu.memory_space<vmem_shared>>) offsets(%arg16 : memref<80xi32, #tpu.memory_space<vmem>>) semaphore(%arg25 : memref<!tpu.dma_semaphore, #tpu.memory_space<semaphore_mem>>) {add = true}
    %dma_wait3A_152 = arith.constant 0 : i32
    %dma_wait3A_153 = arith.constant 0 : i32
    %dma_wait3A_154 = tpu.memref_slice %arg18[%dma_wait3A_152, %dma_wait3A_153] : memref<10112x128xf32, #tpu.memory_space<vmem_shared>> -> memref<10112x128xf32, #tpu.memory_space<vmem_shared>>
    tpu.wait_indirect_dma semaphore(%arg24 : memref<!tpu.dma_semaphore, #tpu.memory_space<semaphore_mem>>) src(%arg7 : memref<80x128xf32, #tpu.memory_space<vmem>>) dst(%dma_wait3A_154 : memref<10112x128xf32, #tpu.memory_space<vmem_shared>>)
    %dma_wait3A_155 = arith.constant 0 : i32
    %dma_wait3A_156 = arith.constant 0 : i32
    %dma_wait3A_157 = tpu.memref_slice %arg2[%dma_wait3A_155, %dma_wait3A_156] : memref<10000x128xf32, #tpu.memory_space<hbm>> -> memref<10000x128xf32, #tpu.memory_space<hbm>>
    tpu.wait_indirect_dma semaphore(%arg22 : memref<!tpu.dma_semaphore, #tpu.memory_space<semaphore_mem>>) src(%dma_wait3A_157 : memref<10000x128xf32, #tpu.memory_space<hbm>>) dst(%arg9 : memref<80x128xf32, #tpu.memory_space<vmem>>)
    %dma_wait3A_158 = arith.constant 0 : i32
    %dma_wait3A_159 = tpu.memref_slice %arg3[%dma_wait3A_158] : memref<640000xi32, #tpu.memory_space<hbm>> -> memref<80xi32, #tpu.memory_space<hbm>>
    %dma_wait3A_160 = arith.constant 0 : i32
    %dma_wait3A_161 = tpu.memref_slice %arg3[%dma_wait3A_160] : memref<640000xi32, #tpu.memory_space<hbm>> -> memref<80xi32, #tpu.memory_space<hbm>>
    tpu.wait_dma2 semaphore(%arg34 : memref<!tpu.dma_semaphore, #tpu.memory_space<semaphore_mem>>) src(%dma_wait3A_161 : memref<80xi32, #tpu.memory_space<hbm>>) dst(%arg17 : memref<80xi32, #tpu.memory_space<vmem>>)
    %dma_start3A_162 = arith.constant 0 : i32
    %dma_start3A_163 = arith.constant 0 : i32
    %dma_start3A_164 = tpu.memref_slice %arg18[%dma_start3A_162, %dma_start3A_163] : memref<10112x128xf32, #tpu.memory_space<vmem_shared>> -> memref<10112x128xf32, #tpu.memory_space<vmem_shared>>
    tpu.enqueue_indirect_dma source(%arg9 : memref<80x128xf32, #tpu.memory_space<vmem>>) target(%dma_start3A_164 : memref<10112x128xf32, #tpu.memory_space<vmem_shared>>) offsets(%arg17 : memref<80xi32, #tpu.memory_space<vmem>>) semaphore(%arg26 : memref<!tpu.dma_semaphore, #tpu.memory_space<semaphore_mem>>) {add = true}
    %dma_wait3A_165 = arith.constant 0 : i32
    %dma_wait3A_166 = arith.constant 0 : i32
    %dma_wait3A_167 = tpu.memref_slice %arg18[%dma_wait3A_165, %dma_wait3A_166] : memref<10112x128xf32, #tpu.memory_space<vmem_shared>> -> memref<10112x128xf32, #tpu.memory_space<vmem_shared>>
    tpu.wait_indirect_dma semaphore(%arg25 : memref<!tpu.dma_semaphore, #tpu.memory_space<semaphore_mem>>) src(%arg8 : memref<80x128xf32, #tpu.memory_space<vmem>>) dst(%dma_wait3A_167 : memref<10112x128xf32, #tpu.memory_space<vmem_shared>>)
    %dma_wait3A_168 = arith.constant 0 : i32
    %dma_wait3A_169 = arith.constant 0 : i32
    %dma_wait3A_170 = tpu.memref_slice %arg2[%dma_wait3A_168, %dma_wait3A_169] : memref<10000x128xf32, #tpu.memory_space<hbm>> -> memref<10000x128xf32, #tpu.memory_space<hbm>>
    tpu.wait_indirect_dma semaphore(%arg19 : memref<!tpu.dma_semaphore, #tpu.memory_space<semaphore_mem>>) src(%dma_wait3A_170 : memref<10000x128xf32, #tpu.memory_space<hbm>>) dst(%arg6 : memref<80x128xf32, #tpu.memory_space<vmem>>)
    %dma_wait3A_171 = arith.constant 0 : i32
    %dma_wait3A_172 = tpu.memref_slice %arg3[%dma_wait3A_171] : memref<640000xi32, #tpu.memory_space<hbm>> -> memref<80xi32, #tpu.memory_space<hbm>>
    %dma_wait3A_173 = arith.constant 0 : i32
    %dma_wait3A_174 = tpu.memref_slice %arg3[%dma_wait3A_173] : memref<640000xi32, #tpu.memory_space<hbm>> -> memref<80xi32, #tpu.memory_space<hbm>>
    tpu.wait_dma2 semaphore(%arg31 : memref<!tpu.dma_semaphore, #tpu.memory_space<semaphore_mem>>) src(%dma_wait3A_174 : memref<80xi32, #tpu.memory_space<hbm>>) dst(%arg14 : memref<80xi32, #tpu.memory_space<vmem>>)
    %dma_start3A_175 = arith.constant 0 : i32
    %dma_start3A_176 = arith.constant 0 : i32
    %dma_start3A_177 = tpu.memref_slice %arg18[%dma_start3A_175, %dma_start3A_176] : memref<10112x128xf32, #tpu.memory_space<vmem_shared>> -> memref<10112x128xf32, #tpu.memory_space<vmem_shared>>
    tpu.enqueue_indirect_dma source(%arg6 : memref<80x128xf32, #tpu.memory_space<vmem>>) target(%dma_start3A_177 : memref<10112x128xf32, #tpu.memory_space<vmem_shared>>) offsets(%arg14 : memref<80xi32, #tpu.memory_space<vmem>>) semaphore(%arg23 : memref<!tpu.dma_semaphore, #tpu.memory_space<semaphore_mem>>) {add = true}
    %dma_wait3A_178 = arith.constant 0 : i32
    %dma_wait3A_179 = arith.constant 0 : i32
    %dma_wait3A_180 = tpu.memref_slice %arg18[%dma_wait3A_178, %dma_wait3A_179] : memref<10112x128xf32, #tpu.memory_space<vmem_shared>> -> memref<10112x128xf32, #tpu.memory_space<vmem_shared>>
    tpu.wait_indirect_dma semaphore(%arg26 : memref<!tpu.dma_semaphore, #tpu.memory_space<semaphore_mem>>) src(%arg9 : memref<80x128xf32, #tpu.memory_space<vmem>>) dst(%dma_wait3A_180 : memref<10112x128xf32, #tpu.memory_space<vmem_shared>>)
    %dma_wait3A_181 = arith.constant 0 : i32
    %dma_wait3A_182 = arith.constant 0 : i32
    %dma_wait3A_183 = tpu.memref_slice %arg18[%dma_wait3A_181, %dma_wait3A_182] : memref<10112x128xf32, #tpu.memory_space<vmem_shared>> -> memref<10112x128xf32, #tpu.memory_space<vmem_shared>>
    tpu.wait_indirect_dma semaphore(%arg23 : memref<!tpu.dma_semaphore, #tpu.memory_space<semaphore_mem>>) src(%arg6 : memref<80x128xf32, #tpu.memory_space<vmem>>) dst(%dma_wait3A_183 : memref<10112x128xf32, #tpu.memory_space<vmem_shared>>)
    %dma_wait3A_184 = arith.constant 0 : i32
    %dma_wait3A_185 = tpu.memref_slice %arg3[%dma_wait3A_184] : memref<640000xi32, #tpu.memory_space<hbm>> -> memref<80xi32, #tpu.memory_space<hbm>>
    %dma_wait3A_186 = arith.constant 0 : i32
    %dma_wait3A_187 = tpu.memref_slice %arg3[%dma_wait3A_186] : memref<640000xi32, #tpu.memory_space<hbm>> -> memref<80xi32, #tpu.memory_space<hbm>>
    tpu.wait_dma2 semaphore(%arg28 : memref<!tpu.dma_semaphore, #tpu.memory_space<semaphore_mem>>) src(%dma_wait3A_187 : memref<80xi32, #tpu.memory_space<hbm>>) dst(%arg11 : memref<80xi32, #tpu.memory_space<vmem>>)
    %barrier3A_188 = arith.constant 0 : index
    tpu.barrier barrier_id(%barrier3A_188)
    %mul3A_189 = arith.constant 632 : i32
    %mul3A_190 = arith.muli %arg1, %mul3A_189 : i32
    %mul3A_191 = arith.constant 632 : i32
    %mul3A_192 = arith.muli %arg1, %mul3A_191 : i32
    "tpu.region"() ({
      %run_scoped3A = tpu.sem_alloc : memref<!tpu.dma_semaphore, #tpu.memory_space<semaphore_mem>>
      %dma_start3A_193 = arith.constant 0 : i32
      %dma_start3A_194 = arith.constant 0 : i32
      %dma_start3A_195 = tpu.memref_slice %arg5[%arg0, %dma_start3A_193, %dma_start3A_194] : memref<2x10112x128xf32, #tpu.memory_space<hbm>> -> memref<1x10112x128xf32, #tpu.memory_space<hbm>>
      %dma_start3A_196 = tpu.memref_squeeze %dma_start3A_195 : memref<1x10112x128xf32, #tpu.memory_space<hbm>> -> memref<10112x128xf32, #tpu.memory_space<hbm>>
      %dma_start3A_197 = arith.constant 0 : i32
      %dma_start3A_198 = tpu.memref_slice %dma_start3A_196[%mul3A_192, %dma_start3A_197] : memref<10112x128xf32, #tpu.memory_space<hbm>> -> memref<632x128xf32, #tpu.memory_space<hbm>>
      %dma_start3A_199 = arith.constant 0 : i32
      %dma_start3A_200 = tpu.memref_slice %arg18[%mul3A_190, %dma_start3A_199] : memref<10112x128xf32, #tpu.memory_space<vmem_shared>> -> memref<632x128xf32, #tpu.memory_space<vmem_shared>>
      tpu.enqueue_dma source(%dma_start3A_200 : memref<632x128xf32, #tpu.memory_space<vmem_shared>>) target(%dma_start3A_198 : memref<632x128xf32, #tpu.memory_space<hbm>>) target_semaphore(%run_scoped3A : memref<!tpu.dma_semaphore, #tpu.memory_space<semaphore_mem>>)
      %dma_wait3A_201 = arith.constant 0 : i32
      %dma_wait3A_202 = arith.constant 0 : i32
      %dma_wait3A_203 = tpu.memref_slice %arg5[%arg0, %dma_wait3A_201, %dma_wait3A_202] : memref<2x10112x128xf32, #tpu.memory_space<hbm>> -> memref<1x10112x128xf32, #tpu.memory_space<hbm>>
      %dma_wait3A_204 = tpu.memref_squeeze %dma_wait3A_203 : memref<1x10112x128xf32, #tpu.memory_space<hbm>> -> memref<10112x128xf32, #tpu.memory_space<hbm>>
      %dma_wait3A_205 = arith.constant 0 : i32
      %dma_wait3A_206 = tpu.memref_slice %dma_wait3A_204[%mul3A_192, %dma_wait3A_205] : memref<10112x128xf32, #tpu.memory_space<hbm>> -> memref<632x128xf32, #tpu.memory_space<hbm>>
      %dma_wait3A_207 = arith.constant 0 : i32
      %dma_wait3A_208 = tpu.memref_slice %arg18[%mul3A_190, %dma_wait3A_207] : memref<10112x128xf32, #tpu.memory_space<vmem_shared>> -> memref<632x128xf32, #tpu.memory_space<vmem_shared>>
      tpu.wait_dma2 semaphore(%run_scoped3A : memref<!tpu.dma_semaphore, #tpu.memory_space<semaphore_mem>>) src(%dma_wait3A_208 : memref<632x128xf32, #tpu.memory_space<vmem_shared>>) dst(%dma_wait3A_206 : memref<632x128xf32, #tpu.memory_space<hbm>>)
      tpu.yield
    }) : () -> ()
    return
  }
}

#map = affine_map<(d0, d1) -> (0, 0)>
#map1 = affine_map<(d0, d1) -> (0)>
#map2 = affine_map<(d0, d1) -> (0, 0, 0)>
module attributes {stable_mosaic.version = 14 : i64} {
  func.func @_agg(%arg0: i32, %arg1: i32, %arg2: memref<10000x128xf32, #tpu.memory_space<hbm>>, %arg3: memref<640000xi32, #tpu.memory_space<hbm>>, %arg4: memref<632x128xf32, #tpu.memory_space<hbm>>, %arg5: memref<2x10112x128xf32, #tpu.memory_space<hbm>>, %arg6: memref<80x128xf32, #tpu.memory_space<vmem>>, %arg7: memref<80x128xf32, #tpu.memory_space<vmem>>, %arg8: memref<80x128xf32, #tpu.memory_space<vmem>>, %arg9: memref<80x128xf32, #tpu.memory_space<vmem>>, %arg10: memref<80xi32, #tpu.memory_space<vmem>>, %arg11: memref<80xi32, #tpu.memory_space<vmem>>, %arg12: memref<80xi32, #tpu.memory_space<vmem>>, %arg13: memref<80xi32, #tpu.memory_space<vmem>>, %arg14: memref<80xi32, #tpu.memory_space<vmem>>, %arg15: memref<80xi32, #tpu.memory_space<vmem>>, %arg16: memref<80xi32, #tpu.memory_space<vmem>>, %arg17: memref<80xi32, #tpu.memory_space<vmem>>, %arg18: memref<10112x128xf32, #tpu.memory_space<vmem_shared>>, %arg19: memref<!tpu.dma_semaphore, #tpu.memory_space<semaphore_mem>>, %arg20: memref<!tpu.dma_semaphore, #tpu.memory_space<semaphore_mem>>, %arg21: memref<!tpu.dma_semaphore, #tpu.memory_space<semaphore_mem>>, %arg22: memref<!tpu.dma_semaphore, #tpu.memory_space<semaphore_mem>>, %arg23: memref<!tpu.dma_semaphore, #tpu.memory_space<semaphore_mem>>, %arg24: memref<!tpu.dma_semaphore, #tpu.memory_space<semaphore_mem>>, %arg25: memref<!tpu.dma_semaphore, #tpu.memory_space<semaphore_mem>>, %arg26: memref<!tpu.dma_semaphore, #tpu.memory_space<semaphore_mem>>, %arg27: memref<!tpu.dma_semaphore, #tpu.memory_space<semaphore_mem>>, %arg28: memref<!tpu.dma_semaphore, #tpu.memory_space<semaphore_mem>>, %arg29: memref<!tpu.dma_semaphore, #tpu.memory_space<semaphore_mem>>, %arg30: memref<!tpu.dma_semaphore, #tpu.memory_space<semaphore_mem>>, %arg31: memref<!tpu.dma_semaphore, #tpu.memory_space<semaphore_mem>>, %arg32: memref<!tpu.dma_semaphore, #tpu.memory_space<semaphore_mem>>, %arg33: memref<!tpu.dma_semaphore, #tpu.memory_space<semaphore_mem>>, %arg34: memref<!tpu.dma_semaphore, #tpu.memory_space<semaphore_mem>>) attributes {dimension_semantics = [#tpu.dimension_semantics<core_parallel>, #tpu.dimension_semantics<subcore_parallel>], iteration_bounds = array<i64: 2, 16>, scalar_prefetch = 0 : i64, scratch_operands = 29 : i64, tpu.core_type = #tpu.core_type<sc_vector_subcore>, window_params = [{transform_indices = #map}, {transform_indices = #map1}, {transform_indices = #map}, {transform_indices = #map2}]} {
    %mul3A = arith.constant 16 : i32
    %mul3A_0 = arith.muli %arg0, %mul3A : i32
    %add3A = arith.addi %mul3A_0, %arg1 : i32
    %mul3A_1 = arith.constant 10000 : i32
    %mul3A_2 = arith.muli %add3A, %mul3A_1 : i32
    %mul3A_3 = arith.constant 632 : i32
    %mul3A_4 = arith.muli %arg1, %mul3A_3 : i32
    "tpu.region"() ({
      %run_scoped3A = tpu.sem_alloc : memref<!tpu.dma_semaphore, #tpu.memory_space<semaphore_mem>>
      %dma_start3A_193 = arith.constant 0 : i32
      %dma_start3A_194 = tpu.memref_slice %arg18[%mul3A_4, %dma_start3A_193] : memref<10112x128xf32, #tpu.memory_space<vmem_shared>> -> memref<632x128xf32, #tpu.memory_space<vmem_shared>>
      tpu.enqueue_dma source(%arg4 : memref<632x128xf32, #tpu.memory_space<hbm>>) target(%dma_start3A_194 : memref<632x128xf32, #tpu.memory_space<vmem_shared>>) target_semaphore(%run_scoped3A : memref<!tpu.dma_semaphore, #tpu.memory_space<semaphore_mem>>)
      %dma_wait3A_195 = arith.constant 0 : i32
      %dma_wait3A_196 = tpu.memref_slice %arg18[%mul3A_4, %dma_wait3A_195] : memref<10112x128xf32, #tpu.memory_space<vmem_shared>> -> memref<632x128xf32, #tpu.memory_space<vmem_shared>>
      tpu.wait_dma2 semaphore(%run_scoped3A : memref<!tpu.dma_semaphore, #tpu.memory_space<semaphore_mem>>) src(%arg4 : memref<632x128xf32, #tpu.memory_space<hbm>>) dst(%dma_wait3A_196 : memref<632x128xf32, #tpu.memory_space<vmem_shared>>)
      tpu.yield
    }) : () -> ()
    %barrier3A = arith.constant 0 : index
    tpu.barrier barrier_id(%barrier3A)
    %min3A = arith.constant 0 : i32
    %min3A_5 = arith.constant 124 : i32
    %min3A_6 = arith.minsi %min3A, %min3A_5 : i32
    %mul3A_7 = arith.constant 80 : i32
    %mul3A_8 = arith.muli %min3A_6, %mul3A_7 : i32
    %add3A_9 = arith.addi %mul3A_2, %mul3A_8 : i32
    %dma_start3A = tpu.memref_slice %arg3[%add3A_9] : memref<640000xi32, #tpu.memory_space<hbm>> -> memref<80xi32, #tpu.memory_space<hbm>>
    %dma_start3A_10 = tpu.memref_slice %arg3[%add3A_9] : memref<640000xi32, #tpu.memory_space<hbm>> -> memref<80xi32, #tpu.memory_space<hbm>>
    tpu.enqueue_dma source(%dma_start3A_10 : memref<80xi32, #tpu.memory_space<hbm>>) target(%arg10 : memref<80xi32, #tpu.memory_space<vmem>>) target_semaphore(%arg27 : memref<!tpu.dma_semaphore, #tpu.memory_space<semaphore_mem>>)
    %min3A_11 = arith.constant 1 : i32
    %min3A_12 = arith.constant 124 : i32
    %min3A_13 = arith.minsi %min3A_11, %min3A_12 : i32
    %mul3A_14 = arith.constant 80 : i32
    %mul3A_15 = arith.muli %min3A_13, %mul3A_14 : i32
    %add3A_16 = arith.addi %mul3A_2, %mul3A_15 : i32
    %dma_start3A_17 = tpu.memref_slice %arg3[%add3A_16] : memref<640000xi32, #tpu.memory_space<hbm>> -> memref<80xi32, #tpu.memory_space<hbm>>
    %dma_start3A_18 = tpu.memref_slice %arg3[%add3A_16] : memref<640000xi32, #tpu.memory_space<hbm>> -> memref<80xi32, #tpu.memory_space<hbm>>
    tpu.enqueue_dma source(%dma_start3A_18 : memref<80xi32, #tpu.memory_space<hbm>>) target(%arg11 : memref<80xi32, #tpu.memory_space<vmem>>) target_semaphore(%arg28 : memref<!tpu.dma_semaphore, #tpu.memory_space<semaphore_mem>>)
    %min3A_19 = arith.constant 2 : i32
    %min3A_20 = arith.constant 124 : i32
    %min3A_21 = arith.minsi %min3A_19, %min3A_20 : i32
    %mul3A_22 = arith.constant 80 : i32
    %mul3A_23 = arith.muli %min3A_21, %mul3A_22 : i32
    %add3A_24 = arith.addi %mul3A_2, %mul3A_23 : i32
    %dma_start3A_25 = tpu.memref_slice %arg3[%add3A_24] : memref<640000xi32, #tpu.memory_space<hbm>> -> memref<80xi32, #tpu.memory_space<hbm>>
    %dma_start3A_26 = tpu.memref_slice %arg3[%add3A_24] : memref<640000xi32, #tpu.memory_space<hbm>> -> memref<80xi32, #tpu.memory_space<hbm>>
    tpu.enqueue_dma source(%dma_start3A_26 : memref<80xi32, #tpu.memory_space<hbm>>) target(%arg12 : memref<80xi32, #tpu.memory_space<vmem>>) target_semaphore(%arg29 : memref<!tpu.dma_semaphore, #tpu.memory_space<semaphore_mem>>)
    %min3A_27 = arith.constant 3 : i32
    %min3A_28 = arith.constant 124 : i32
    %min3A_29 = arith.minsi %min3A_27, %min3A_28 : i32
    %mul3A_30 = arith.constant 80 : i32
    %mul3A_31 = arith.muli %min3A_29, %mul3A_30 : i32
    %add3A_32 = arith.addi %mul3A_2, %mul3A_31 : i32
    %dma_start3A_33 = tpu.memref_slice %arg3[%add3A_32] : memref<640000xi32, #tpu.memory_space<hbm>> -> memref<80xi32, #tpu.memory_space<hbm>>
    %dma_start3A_34 = tpu.memref_slice %arg3[%add3A_32] : memref<640000xi32, #tpu.memory_space<hbm>> -> memref<80xi32, #tpu.memory_space<hbm>>
    tpu.enqueue_dma source(%dma_start3A_34 : memref<80xi32, #tpu.memory_space<hbm>>) target(%arg13 : memref<80xi32, #tpu.memory_space<vmem>>) target_semaphore(%arg30 : memref<!tpu.dma_semaphore, #tpu.memory_space<semaphore_mem>>)
    %add3A_35 = arith.constant 320000 : i32
    %add3A_36 = arith.addi %add3A_35, %mul3A_2 : i32
    %add3A_37 = arith.constant 0 : i32
    %add3A_38 = arith.addi %add3A_36, %add3A_37 : i32
    %dma_start3A_39 = tpu.memref_slice %arg3[%add3A_38] : memref<640000xi32, #tpu.memory_space<hbm>> -> memref<80xi32, #tpu.memory_space<hbm>>
    %dma_start3A_40 = tpu.memref_slice %arg3[%add3A_38] : memref<640000xi32, #tpu.memory_space<hbm>> -> memref<80xi32, #tpu.memory_space<hbm>>
    tpu.enqueue_dma source(%dma_start3A_40 : memref<80xi32, #tpu.memory_space<hbm>>) target(%arg14 : memref<80xi32, #tpu.memory_space<vmem>>) target_semaphore(%arg31 : memref<!tpu.dma_semaphore, #tpu.memory_space<semaphore_mem>>)
    %add3A_41 = arith.constant 320000 : i32
    %add3A_42 = arith.addi %add3A_41, %mul3A_2 : i32
    %add3A_43 = arith.constant 80 : i32
    %add3A_44 = arith.addi %add3A_42, %add3A_43 : i32
    %dma_start3A_45 = tpu.memref_slice %arg3[%add3A_44] : memref<640000xi32, #tpu.memory_space<hbm>> -> memref<80xi32, #tpu.memory_space<hbm>>
    %dma_start3A_46 = tpu.memref_slice %arg3[%add3A_44] : memref<640000xi32, #tpu.memory_space<hbm>> -> memref<80xi32, #tpu.memory_space<hbm>>
    tpu.enqueue_dma source(%dma_start3A_46 : memref<80xi32, #tpu.memory_space<hbm>>) target(%arg15 : memref<80xi32, #tpu.memory_space<vmem>>) target_semaphore(%arg32 : memref<!tpu.dma_semaphore, #tpu.memory_space<semaphore_mem>>)
    %dma_wait3A = arith.constant 0 : i32
    %dma_wait3A_47 = tpu.memref_slice %arg3[%dma_wait3A] : memref<640000xi32, #tpu.memory_space<hbm>> -> memref<80xi32, #tpu.memory_space<hbm>>
    %dma_wait3A_48 = arith.constant 0 : i32
    %dma_wait3A_49 = tpu.memref_slice %arg3[%dma_wait3A_48] : memref<640000xi32, #tpu.memory_space<hbm>> -> memref<80xi32, #tpu.memory_space<hbm>>
    tpu.wait_dma2 semaphore(%arg27 : memref<!tpu.dma_semaphore, #tpu.memory_space<semaphore_mem>>) src(%dma_wait3A_49 : memref<80xi32, #tpu.memory_space<hbm>>) dst(%arg10 : memref<80xi32, #tpu.memory_space<vmem>>)
    %dma_start3A_50 = arith.constant 0 : i32
    %dma_start3A_51 = arith.constant 0 : i32
    %dma_start3A_52 = tpu.memref_slice %arg2[%dma_start3A_50, %dma_start3A_51] : memref<10000x128xf32, #tpu.memory_space<hbm>> -> memref<10000x128xf32, #tpu.memory_space<hbm>>
    tpu.enqueue_indirect_dma source(%dma_start3A_52 : memref<10000x128xf32, #tpu.memory_space<hbm>>) target(%arg6 : memref<80x128xf32, #tpu.memory_space<vmem>>) offsets(%arg10 : memref<80xi32, #tpu.memory_space<vmem>>) semaphore(%arg19 : memref<!tpu.dma_semaphore, #tpu.memory_space<semaphore_mem>>)
    %dma_wait3A_53 = arith.constant 0 : i32
    %dma_wait3A_54 = tpu.memref_slice %arg3[%dma_wait3A_53] : memref<640000xi32, #tpu.memory_space<hbm>> -> memref<80xi32, #tpu.memory_space<hbm>>
    %dma_wait3A_55 = arith.constant 0 : i32
    %dma_wait3A_56 = tpu.memref_slice %arg3[%dma_wait3A_55] : memref<640000xi32, #tpu.memory_space<hbm>> -> memref<80xi32, #tpu.memory_space<hbm>>
    tpu.wait_dma2 semaphore(%arg28 : memref<!tpu.dma_semaphore, #tpu.memory_space<semaphore_mem>>) src(%dma_wait3A_56 : memref<80xi32, #tpu.memory_space<hbm>>) dst(%arg11 : memref<80xi32, #tpu.memory_space<vmem>>)
    %dma_start3A_57 = arith.constant 0 : i32
    %dma_start3A_58 = arith.constant 0 : i32
    %dma_start3A_59 = tpu.memref_slice %arg2[%dma_start3A_57, %dma_start3A_58] : memref<10000x128xf32, #tpu.memory_space<hbm>> -> memref<10000x128xf32, #tpu.memory_space<hbm>>
    tpu.enqueue_indirect_dma source(%dma_start3A_59 : memref<10000x128xf32, #tpu.memory_space<hbm>>) target(%arg7 : memref<80x128xf32, #tpu.memory_space<vmem>>) offsets(%arg11 : memref<80xi32, #tpu.memory_space<vmem>>) semaphore(%arg20 : memref<!tpu.dma_semaphore, #tpu.memory_space<semaphore_mem>>)
    %dma_wait3A_60 = arith.constant 0 : i32
    %dma_wait3A_61 = tpu.memref_slice %arg3[%dma_wait3A_60] : memref<640000xi32, #tpu.memory_space<hbm>> -> memref<80xi32, #tpu.memory_space<hbm>>
    %dma_wait3A_62 = arith.constant 0 : i32
    %dma_wait3A_63 = tpu.memref_slice %arg3[%dma_wait3A_62] : memref<640000xi32, #tpu.memory_space<hbm>> -> memref<80xi32, #tpu.memory_space<hbm>>
    tpu.wait_dma2 semaphore(%arg29 : memref<!tpu.dma_semaphore, #tpu.memory_space<semaphore_mem>>) src(%dma_wait3A_63 : memref<80xi32, #tpu.memory_space<hbm>>) dst(%arg12 : memref<80xi32, #tpu.memory_space<vmem>>)
    %dma_start3A_64 = arith.constant 0 : i32
    %dma_start3A_65 = arith.constant 0 : i32
    %dma_start3A_66 = tpu.memref_slice %arg2[%dma_start3A_64, %dma_start3A_65] : memref<10000x128xf32, #tpu.memory_space<hbm>> -> memref<10000x128xf32, #tpu.memory_space<hbm>>
    tpu.enqueue_indirect_dma source(%dma_start3A_66 : memref<10000x128xf32, #tpu.memory_space<hbm>>) target(%arg8 : memref<80x128xf32, #tpu.memory_space<vmem>>) offsets(%arg12 : memref<80xi32, #tpu.memory_space<vmem>>) semaphore(%arg21 : memref<!tpu.dma_semaphore, #tpu.memory_space<semaphore_mem>>)
    %add3A_67 = arith.constant 320000 : i32
    %add3A_68 = arith.addi %add3A_67, %mul3A_2 : i32
    %add3A_69 = arith.constant 160 : i32
    %add3A_70 = arith.addi %add3A_68, %add3A_69 : i32
    %dma_start3A_71 = tpu.memref_slice %arg3[%add3A_70] : memref<640000xi32, #tpu.memory_space<hbm>> -> memref<80xi32, #tpu.memory_space<hbm>>
    %dma_start3A_72 = tpu.memref_slice %arg3[%add3A_70] : memref<640000xi32, #tpu.memory_space<hbm>> -> memref<80xi32, #tpu.memory_space<hbm>>
    tpu.enqueue_dma source(%dma_start3A_72 : memref<80xi32, #tpu.memory_space<hbm>>) target(%arg16 : memref<80xi32, #tpu.memory_space<vmem>>) target_semaphore(%arg33 : memref<!tpu.dma_semaphore, #tpu.memory_space<semaphore_mem>>)
    %dma_wait3A_73 = arith.constant 0 : i32
    %dma_wait3A_74 = arith.constant 0 : i32
    %dma_wait3A_75 = tpu.memref_slice %arg2[%dma_wait3A_73, %dma_wait3A_74] : memref<10000x128xf32, #tpu.memory_space<hbm>> -> memref<10000x128xf32, #tpu.memory_space<hbm>>
    tpu.wait_indirect_dma semaphore(%arg19 : memref<!tpu.dma_semaphore, #tpu.memory_space<semaphore_mem>>) src(%dma_wait3A_75 : memref<10000x128xf32, #tpu.memory_space<hbm>>) dst(%arg6 : memref<80x128xf32, #tpu.memory_space<vmem>>)
    %min3A_76 = arith.constant 4 : i32
    %min3A_77 = arith.constant 124 : i32
    %min3A_78 = arith.minsi %min3A_76, %min3A_77 : i32
    %mul3A_79 = arith.constant 80 : i32
    %mul3A_80 = arith.muli %min3A_78, %mul3A_79 : i32
    %add3A_81 = arith.addi %mul3A_2, %mul3A_80 : i32
    %dma_start3A_82 = tpu.memref_slice %arg3[%add3A_81] : memref<640000xi32, #tpu.memory_space<hbm>> -> memref<80xi32, #tpu.memory_space<hbm>>
    %dma_start3A_83 = tpu.memref_slice %arg3[%add3A_81] : memref<640000xi32, #tpu.memory_space<hbm>> -> memref<80xi32, #tpu.memory_space<hbm>>
    tpu.enqueue_dma source(%dma_start3A_83 : memref<80xi32, #tpu.memory_space<hbm>>) target(%arg10 : memref<80xi32, #tpu.memory_space<vmem>>) target_semaphore(%arg27 : memref<!tpu.dma_semaphore, #tpu.memory_space<semaphore_mem>>)
    %dma_wait3A_84 = arith.constant 0 : i32
    %dma_wait3A_85 = tpu.memref_slice %arg3[%dma_wait3A_84] : memref<640000xi32, #tpu.memory_space<hbm>> -> memref<80xi32, #tpu.memory_space<hbm>>
    %dma_wait3A_86 = arith.constant 0 : i32
    %dma_wait3A_87 = tpu.memref_slice %arg3[%dma_wait3A_86] : memref<640000xi32, #tpu.memory_space<hbm>> -> memref<80xi32, #tpu.memory_space<hbm>>
    tpu.wait_dma2 semaphore(%arg31 : memref<!tpu.dma_semaphore, #tpu.memory_space<semaphore_mem>>) src(%dma_wait3A_87 : memref<80xi32, #tpu.memory_space<hbm>>) dst(%arg14 : memref<80xi32, #tpu.memory_space<vmem>>)
    %dma_start3A_88 = arith.constant 0 : i32
    %dma_start3A_89 = arith.constant 0 : i32
    %dma_start3A_90 = tpu.memref_slice %arg18[%dma_start3A_88, %dma_start3A_89] : memref<10112x128xf32, #tpu.memory_space<vmem_shared>> -> memref<10112x128xf32, #tpu.memory_space<vmem_shared>>
    tpu.enqueue_indirect_dma source(%arg6 : memref<80x128xf32, #tpu.memory_space<vmem>>) target(%dma_start3A_90 : memref<10112x128xf32, #tpu.memory_space<vmem_shared>>) offsets(%arg14 : memref<80xi32, #tpu.memory_space<vmem>>) semaphore(%arg23 : memref<!tpu.dma_semaphore, #tpu.memory_space<semaphore_mem>>) {add = true}
    %dma_wait3A_91 = arith.constant 0 : i32
    %dma_wait3A_92 = tpu.memref_slice %arg3[%dma_wait3A_91] : memref<640000xi32, #tpu.memory_space<hbm>> -> memref<80xi32, #tpu.memory_space<hbm>>
    %dma_wait3A_93 = arith.constant 0 : i32
    %dma_wait3A_94 = tpu.memref_slice %arg3[%dma_wait3A_93] : memref<640000xi32, #tpu.memory_space<hbm>> -> memref<80xi32, #tpu.memory_space<hbm>>
    tpu.wait_dma2 semaphore(%arg30 : memref<!tpu.dma_semaphore, #tpu.memory_space<semaphore_mem>>) src(%dma_wait3A_94 : memref<80xi32, #tpu.memory_space<hbm>>) dst(%arg13 : memref<80xi32, #tpu.memory_space<vmem>>)
    %dma_start3A_95 = arith.constant 0 : i32
    %dma_start3A_96 = arith.constant 0 : i32
    %dma_start3A_97 = tpu.memref_slice %arg2[%dma_start3A_95, %dma_start3A_96] : memref<10000x128xf32, #tpu.memory_space<hbm>> -> memref<10000x128xf32, #tpu.memory_space<hbm>>
    tpu.enqueue_indirect_dma source(%dma_start3A_97 : memref<10000x128xf32, #tpu.memory_space<hbm>>) target(%arg9 : memref<80x128xf32, #tpu.memory_space<vmem>>) offsets(%arg13 : memref<80xi32, #tpu.memory_space<vmem>>) semaphore(%arg22 : memref<!tpu.dma_semaphore, #tpu.memory_space<semaphore_mem>>)
    %add3A_98 = arith.constant 320000 : i32
    %add3A_99 = arith.addi %add3A_98, %mul3A_2 : i32
    %add3A_100 = arith.constant 240 : i32
    %add3A_101 = arith.addi %add3A_99, %add3A_100 : i32
    %dma_start3A_102 = tpu.memref_slice %arg3[%add3A_101] : memref<640000xi32, #tpu.memory_space<hbm>> -> memref<80xi32, #tpu.memory_space<hbm>>
    %dma_start3A_103 = tpu.memref_slice %arg3[%add3A_101] : memref<640000xi32, #tpu.memory_space<hbm>> -> memref<80xi32, #tpu.memory_space<hbm>>
    tpu.enqueue_dma source(%dma_start3A_103 : memref<80xi32, #tpu.memory_space<hbm>>) target(%arg17 : memref<80xi32, #tpu.memory_space<vmem>>) target_semaphore(%arg34 : memref<!tpu.dma_semaphore, #tpu.memory_space<semaphore_mem>>)
    %dma_wait3A_104 = arith.constant 0 : i32
    %dma_wait3A_105 = arith.constant 0 : i32
    %dma_wait3A_106 = tpu.memref_slice %arg2[%dma_wait3A_104, %dma_wait3A_105] : memref<10000x128xf32, #tpu.memory_space<hbm>> -> memref<10000x128xf32, #tpu.memory_space<hbm>>
    tpu.wait_indirect_dma semaphore(%arg20 : memref<!tpu.dma_semaphore, #tpu.memory_space<semaphore_mem>>) src(%dma_wait3A_106 : memref<10000x128xf32, #tpu.memory_space<hbm>>) dst(%arg7 : memref<80x128xf32, #tpu.memory_space<vmem>>)
    %min3A_107 = arith.constant 5 : i32
    %min3A_108 = arith.constant 124 : i32
    %min3A_109 = arith.minsi %min3A_107, %min3A_108 : i32
    %mul3A_110 = arith.constant 80 : i32
    %mul3A_111 = arith.muli %min3A_109, %mul3A_110 : i32
    %add3A_112 = arith.addi %mul3A_2, %mul3A_111 : i32
    %dma_start3A_113 = tpu.memref_slice %arg3[%add3A_112] : memref<640000xi32, #tpu.memory_space<hbm>> -> memref<80xi32, #tpu.memory_space<hbm>>
    %dma_start3A_114 = tpu.memref_slice %arg3[%add3A_112] : memref<640000xi32, #tpu.memory_space<hbm>> -> memref<80xi32, #tpu.memory_space<hbm>>
    tpu.enqueue_dma source(%dma_start3A_114 : memref<80xi32, #tpu.memory_space<hbm>>) target(%arg11 : memref<80xi32, #tpu.memory_space<vmem>>) target_semaphore(%arg28 : memref<!tpu.dma_semaphore, #tpu.memory_space<semaphore_mem>>)
    %dma_wait3A_115 = arith.constant 0 : i32
    %dma_wait3A_116 = tpu.memref_slice %arg3[%dma_wait3A_115] : memref<640000xi32, #tpu.memory_space<hbm>> -> memref<80xi32, #tpu.memory_space<hbm>>
    %dma_wait3A_117 = arith.constant 0 : i32
    %dma_wait3A_118 = tpu.memref_slice %arg3[%dma_wait3A_117] : memref<640000xi32, #tpu.memory_space<hbm>> -> memref<80xi32, #tpu.memory_space<hbm>>
    tpu.wait_dma2 semaphore(%arg32 : memref<!tpu.dma_semaphore, #tpu.memory_space<semaphore_mem>>) src(%dma_wait3A_118 : memref<80xi32, #tpu.memory_space<hbm>>) dst(%arg15 : memref<80xi32, #tpu.memory_space<vmem>>)
    %dma_start3A_119 = arith.constant 0 : i32
    %dma_start3A_120 = arith.constant 0 : i32
    %dma_start3A_121 = tpu.memref_slice %arg18[%dma_start3A_119, %dma_start3A_120] : memref<10112x128xf32, #tpu.memory_space<vmem_shared>> -> memref<10112x128xf32, #tpu.memory_space<vmem_shared>>
    tpu.enqueue_indirect_dma source(%arg7 : memref<80x128xf32, #tpu.memory_space<vmem>>) target(%dma_start3A_121 : memref<10112x128xf32, #tpu.memory_space<vmem_shared>>) offsets(%arg15 : memref<80xi32, #tpu.memory_space<vmem>>) semaphore(%arg24 : memref<!tpu.dma_semaphore, #tpu.memory_space<semaphore_mem>>) {add = true}
    %scan3A = arith.constant 0 : i32
    %scan3A_122 = arith.constant 30 : i32
    %scan3A_123 = arith.addi %scan3A, %scan3A_122 : i32
    %scan3A_124 = arith.constant 1 : i32
    scf.for %scan3A_193 = %scan3A to %scan3A_123 step %scan3A_124  : i32 {
      %mul3A_194 = arith.constant 4 : i32
      %mul3A_195 = arith.muli %scan3A_193, %mul3A_194 : i32
      %add3A_196 = arith.constant 2 : i32
      %add3A_197 = arith.addi %add3A_196, %mul3A_195 : i32
      %dma_wait3A_198 = arith.constant 0 : i32
      %dma_wait3A_199 = arith.constant 0 : i32
      %dma_wait3A_200 = tpu.memref_slice %arg18[%dma_wait3A_198, %dma_wait3A_199] : memref<10112x128xf32, #tpu.memory_space<vmem_shared>> -> memref<10112x128xf32, #tpu.memory_space<vmem_shared>>
      tpu.wait_indirect_dma semaphore(%arg23 : memref<!tpu.dma_semaphore, #tpu.memory_space<semaphore_mem>>) src(%arg6 : memref<80x128xf32, #tpu.memory_space<vmem>>) dst(%dma_wait3A_200 : memref<10112x128xf32, #tpu.memory_space<vmem_shared>>)
      %dma_wait3A_201 = arith.constant 0 : i32
      %dma_wait3A_202 = tpu.memref_slice %arg3[%dma_wait3A_201] : memref<640000xi32, #tpu.memory_space<hbm>> -> memref<80xi32, #tpu.memory_space<hbm>>
      %dma_wait3A_203 = arith.constant 0 : i32
      %dma_wait3A_204 = tpu.memref_slice %arg3[%dma_wait3A_203] : memref<640000xi32, #tpu.memory_space<hbm>> -> memref<80xi32, #tpu.memory_space<hbm>>
      tpu.wait_dma2 semaphore(%arg27 : memref<!tpu.dma_semaphore, #tpu.memory_space<semaphore_mem>>) src(%dma_wait3A_204 : memref<80xi32, #tpu.memory_space<hbm>>) dst(%arg10 : memref<80xi32, #tpu.memory_space<vmem>>)
      %dma_start3A_205 = arith.constant 0 : i32
      %dma_start3A_206 = arith.constant 0 : i32
      %dma_start3A_207 = tpu.memref_slice %arg2[%dma_start3A_205, %dma_start3A_206] : memref<10000x128xf32, #tpu.memory_space<hbm>> -> memref<10000x128xf32, #tpu.memory_space<hbm>>
      tpu.enqueue_indirect_dma source(%dma_start3A_207 : memref<10000x128xf32, #tpu.memory_space<hbm>>) target(%arg6 : memref<80x128xf32, #tpu.memory_space<vmem>>) offsets(%arg10 : memref<80xi32, #tpu.memory_space<vmem>>) semaphore(%arg19 : memref<!tpu.dma_semaphore, #tpu.memory_space<semaphore_mem>>)
      %add3A_208 = arith.constant 2 : i32
      %add3A_209 = arith.addi %add3A_197, %add3A_208 : i32
      %add3A_210 = arith.constant 320000 : i32
      %add3A_211 = arith.addi %add3A_210, %mul3A_2 : i32
      %mul3A_212 = arith.constant 80 : i32
      %mul3A_213 = arith.muli %add3A_209, %mul3A_212 : i32
      %add3A_214 = arith.addi %add3A_211, %mul3A_213 : i32
      %dma_start3A_215 = tpu.memref_slice %arg3[%add3A_214] : memref<640000xi32, #tpu.memory_space<hbm>> -> memref<80xi32, #tpu.memory_space<hbm>>
      %dma_start3A_216 = tpu.memref_slice %arg3[%add3A_214] : memref<640000xi32, #tpu.memory_space<hbm>> -> memref<80xi32, #tpu.memory_space<hbm>>
      tpu.enqueue_dma source(%dma_start3A_216 : memref<80xi32, #tpu.memory_space<hbm>>) target(%arg14 : memref<80xi32, #tpu.memory_space<vmem>>) target_semaphore(%arg31 : memref<!tpu.dma_semaphore, #tpu.memory_space<semaphore_mem>>)
      %dma_wait3A_217 = arith.constant 0 : i32
      %dma_wait3A_218 = arith.constant 0 : i32
      %dma_wait3A_219 = tpu.memref_slice %arg2[%dma_wait3A_217, %dma_wait3A_218] : memref<10000x128xf32, #tpu.memory_space<hbm>> -> memref<10000x128xf32, #tpu.memory_space<hbm>>
      tpu.wait_indirect_dma semaphore(%arg21 : memref<!tpu.dma_semaphore, #tpu.memory_space<semaphore_mem>>) src(%dma_wait3A_219 : memref<10000x128xf32, #tpu.memory_space<hbm>>) dst(%arg8 : memref<80x128xf32, #tpu.memory_space<vmem>>)
      %add3A_220 = arith.constant 4 : i32
      %add3A_221 = arith.addi %add3A_197, %add3A_220 : i32
      %min3A_222 = arith.constant 124 : i32
      %min3A_223 = arith.minsi %add3A_221, %min3A_222 : i32
      %mul3A_224 = arith.constant 80 : i32
      %mul3A_225 = arith.muli %min3A_223, %mul3A_224 : i32
      %add3A_226 = arith.addi %mul3A_2, %mul3A_225 : i32
      %dma_start3A_227 = tpu.memref_slice %arg3[%add3A_226] : memref<640000xi32, #tpu.memory_space<hbm>> -> memref<80xi32, #tpu.memory_space<hbm>>
      %dma_start3A_228 = tpu.memref_slice %arg3[%add3A_226] : memref<640000xi32, #tpu.memory_space<hbm>> -> memref<80xi32, #tpu.memory_space<hbm>>
      tpu.enqueue_dma source(%dma_start3A_228 : memref<80xi32, #tpu.memory_space<hbm>>) target(%arg12 : memref<80xi32, #tpu.memory_space<vmem>>) target_semaphore(%arg29 : memref<!tpu.dma_semaphore, #tpu.memory_space<semaphore_mem>>)
      %dma_wait3A_229 = arith.constant 0 : i32
      %dma_wait3A_230 = tpu.memref_slice %arg3[%dma_wait3A_229] : memref<640000xi32, #tpu.memory_space<hbm>> -> memref<80xi32, #tpu.memory_space<hbm>>
      %dma_wait3A_231 = arith.constant 0 : i32
      %dma_wait3A_232 = tpu.memref_slice %arg3[%dma_wait3A_231] : memref<640000xi32, #tpu.memory_space<hbm>> -> memref<80xi32, #tpu.memory_space<hbm>>
      tpu.wait_dma2 semaphore(%arg33 : memref<!tpu.dma_semaphore, #tpu.memory_space<semaphore_mem>>) src(%dma_wait3A_232 : memref<80xi32, #tpu.memory_space<hbm>>) dst(%arg16 : memref<80xi32, #tpu.memory_space<vmem>>)
      %dma_start3A_233 = arith.constant 0 : i32
      %dma_start3A_234 = arith.constant 0 : i32
      %dma_start3A_235 = tpu.memref_slice %arg18[%dma_start3A_233, %dma_start3A_234] : memref<10112x128xf32, #tpu.memory_space<vmem_shared>> -> memref<10112x128xf32, #tpu.memory_space<vmem_shared>>
      tpu.enqueue_indirect_dma source(%arg8 : memref<80x128xf32, #tpu.memory_space<vmem>>) target(%dma_start3A_235 : memref<10112x128xf32, #tpu.memory_space<vmem_shared>>) offsets(%arg16 : memref<80xi32, #tpu.memory_space<vmem>>) semaphore(%arg25 : memref<!tpu.dma_semaphore, #tpu.memory_space<semaphore_mem>>) {add = true}
      %add3A_236 = arith.constant 1 : i32
      %add3A_237 = arith.addi %add3A_197, %add3A_236 : i32
      %dma_wait3A_238 = arith.constant 0 : i32
      %dma_wait3A_239 = arith.constant 0 : i32
      %dma_wait3A_240 = tpu.memref_slice %arg18[%dma_wait3A_238, %dma_wait3A_239] : memref<10112x128xf32, #tpu.memory_space<vmem_shared>> -> memref<10112x128xf32, #tpu.memory_space<vmem_shared>>
      tpu.wait_indirect_dma semaphore(%arg24 : memref<!tpu.dma_semaphore, #tpu.memory_space<semaphore_mem>>) src(%arg7 : memref<80x128xf32, #tpu.memory_space<vmem>>) dst(%dma_wait3A_240 : memref<10112x128xf32, #tpu.memory_space<vmem_shared>>)
      %dma_wait3A_241 = arith.constant 0 : i32
      %dma_wait3A_242 = tpu.memref_slice %arg3[%dma_wait3A_241] : memref<640000xi32, #tpu.memory_space<hbm>> -> memref<80xi32, #tpu.memory_space<hbm>>
      %dma_wait3A_243 = arith.constant 0 : i32
      %dma_wait3A_244 = tpu.memref_slice %arg3[%dma_wait3A_243] : memref<640000xi32, #tpu.memory_space<hbm>> -> memref<80xi32, #tpu.memory_space<hbm>>
      tpu.wait_dma2 semaphore(%arg28 : memref<!tpu.dma_semaphore, #tpu.memory_space<semaphore_mem>>) src(%dma_wait3A_244 : memref<80xi32, #tpu.memory_space<hbm>>) dst(%arg11 : memref<80xi32, #tpu.memory_space<vmem>>)
      %dma_start3A_245 = arith.constant 0 : i32
      %dma_start3A_246 = arith.constant 0 : i32
      %dma_start3A_247 = tpu.memref_slice %arg2[%dma_start3A_245, %dma_start3A_246] : memref<10000x128xf32, #tpu.memory_space<hbm>> -> memref<10000x128xf32, #tpu.memory_space<hbm>>
      tpu.enqueue_indirect_dma source(%dma_start3A_247 : memref<10000x128xf32, #tpu.memory_space<hbm>>) target(%arg7 : memref<80x128xf32, #tpu.memory_space<vmem>>) offsets(%arg11 : memref<80xi32, #tpu.memory_space<vmem>>) semaphore(%arg20 : memref<!tpu.dma_semaphore, #tpu.memory_space<semaphore_mem>>)
      %add3A_248 = arith.constant 2 : i32
      %add3A_249 = arith.addi %add3A_237, %add3A_248 : i32
      %add3A_250 = arith.constant 320000 : i32
      %add3A_251 = arith.addi %add3A_250, %mul3A_2 : i32
      %mul3A_252 = arith.constant 80 : i32
      %mul3A_253 = arith.muli %add3A_249, %mul3A_252 : i32
      %add3A_254 = arith.addi %add3A_251, %mul3A_253 : i32
      %dma_start3A_255 = tpu.memref_slice %arg3[%add3A_254] : memref<640000xi32, #tpu.memory_space<hbm>> -> memref<80xi32, #tpu.memory_space<hbm>>
      %dma_start3A_256 = tpu.memref_slice %arg3[%add3A_254] : memref<640000xi32, #tpu.memory_space<hbm>> -> memref<80xi32, #tpu.memory_space<hbm>>
      tpu.enqueue_dma source(%dma_start3A_256 : memref<80xi32, #tpu.memory_space<hbm>>) target(%arg15 : memref<80xi32, #tpu.memory_space<vmem>>) target_semaphore(%arg32 : memref<!tpu.dma_semaphore, #tpu.memory_space<semaphore_mem>>)
      %dma_wait3A_257 = arith.constant 0 : i32
      %dma_wait3A_258 = arith.constant 0 : i32
      %dma_wait3A_259 = tpu.memref_slice %arg2[%dma_wait3A_257, %dma_wait3A_258] : memref<10000x128xf32, #tpu.memory_space<hbm>> -> memref<10000x128xf32, #tpu.memory_space<hbm>>
      tpu.wait_indirect_dma semaphore(%arg22 : memref<!tpu.dma_semaphore, #tpu.memory_space<semaphore_mem>>) src(%dma_wait3A_259 : memref<10000x128xf32, #tpu.memory_space<hbm>>) dst(%arg9 : memref<80x128xf32, #tpu.memory_space<vmem>>)
      %add3A_260 = arith.constant 4 : i32
      %add3A_261 = arith.addi %add3A_237, %add3A_260 : i32
      %min3A_262 = arith.constant 124 : i32
      %min3A_263 = arith.minsi %add3A_261, %min3A_262 : i32
      %mul3A_264 = arith.constant 80 : i32
      %mul3A_265 = arith.muli %min3A_263, %mul3A_264 : i32
      %add3A_266 = arith.addi %mul3A_2, %mul3A_265 : i32
      %dma_start3A_267 = tpu.memref_slice %arg3[%add3A_266] : memref<640000xi32, #tpu.memory_space<hbm>> -> memref<80xi32, #tpu.memory_space<hbm>>
      %dma_start3A_268 = tpu.memref_slice %arg3[%add3A_266] : memref<640000xi32, #tpu.memory_space<hbm>> -> memref<80xi32, #tpu.memory_space<hbm>>
      tpu.enqueue_dma source(%dma_start3A_268 : memref<80xi32, #tpu.memory_space<hbm>>) target(%arg13 : memref<80xi32, #tpu.memory_space<vmem>>) target_semaphore(%arg30 : memref<!tpu.dma_semaphore, #tpu.memory_space<semaphore_mem>>)
      %dma_wait3A_269 = arith.constant 0 : i32
      %dma_wait3A_270 = tpu.memref_slice %arg3[%dma_wait3A_269] : memref<640000xi32, #tpu.memory_space<hbm>> -> memref<80xi32, #tpu.memory_space<hbm>>
      %dma_wait3A_271 = arith.constant 0 : i32
      %dma_wait3A_272 = tpu.memref_slice %arg3[%dma_wait3A_271] : memref<640000xi32, #tpu.memory_space<hbm>> -> memref<80xi32, #tpu.memory_space<hbm>>
      tpu.wait_dma2 semaphore(%arg34 : memref<!tpu.dma_semaphore, #tpu.memory_space<semaphore_mem>>) src(%dma_wait3A_272 : memref<80xi32, #tpu.memory_space<hbm>>) dst(%arg17 : memref<80xi32, #tpu.memory_space<vmem>>)
      %dma_start3A_273 = arith.constant 0 : i32
      %dma_start3A_274 = arith.constant 0 : i32
      %dma_start3A_275 = tpu.memref_slice %arg18[%dma_start3A_273, %dma_start3A_274] : memref<10112x128xf32, #tpu.memory_space<vmem_shared>> -> memref<10112x128xf32, #tpu.memory_space<vmem_shared>>
      tpu.enqueue_indirect_dma source(%arg9 : memref<80x128xf32, #tpu.memory_space<vmem>>) target(%dma_start3A_275 : memref<10112x128xf32, #tpu.memory_space<vmem_shared>>) offsets(%arg17 : memref<80xi32, #tpu.memory_space<vmem>>) semaphore(%arg26 : memref<!tpu.dma_semaphore, #tpu.memory_space<semaphore_mem>>) {add = true}
      %add3A_276 = arith.constant 2 : i32
      %add3A_277 = arith.addi %add3A_197, %add3A_276 : i32
      %dma_wait3A_278 = arith.constant 0 : i32
      %dma_wait3A_279 = arith.constant 0 : i32
      %dma_wait3A_280 = tpu.memref_slice %arg18[%dma_wait3A_278, %dma_wait3A_279] : memref<10112x128xf32, #tpu.memory_space<vmem_shared>> -> memref<10112x128xf32, #tpu.memory_space<vmem_shared>>
      tpu.wait_indirect_dma semaphore(%arg25 : memref<!tpu.dma_semaphore, #tpu.memory_space<semaphore_mem>>) src(%arg8 : memref<80x128xf32, #tpu.memory_space<vmem>>) dst(%dma_wait3A_280 : memref<10112x128xf32, #tpu.memory_space<vmem_shared>>)
      %dma_wait3A_281 = arith.constant 0 : i32
      %dma_wait3A_282 = tpu.memref_slice %arg3[%dma_wait3A_281] : memref<640000xi32, #tpu.memory_space<hbm>> -> memref<80xi32, #tpu.memory_space<hbm>>
      %dma_wait3A_283 = arith.constant 0 : i32
      %dma_wait3A_284 = tpu.memref_slice %arg3[%dma_wait3A_283] : memref<640000xi32, #tpu.memory_space<hbm>> -> memref<80xi32, #tpu.memory_space<hbm>>
      tpu.wait_dma2 semaphore(%arg29 : memref<!tpu.dma_semaphore, #tpu.memory_space<semaphore_mem>>) src(%dma_wait3A_284 : memref<80xi32, #tpu.memory_space<hbm>>) dst(%arg12 : memref<80xi32, #tpu.memory_space<vmem>>)
      %dma_start3A_285 = arith.constant 0 : i32
      %dma_start3A_286 = arith.constant 0 : i32
      %dma_start3A_287 = tpu.memref_slice %arg2[%dma_start3A_285, %dma_start3A_286] : memref<10000x128xf32, #tpu.memory_space<hbm>> -> memref<10000x128xf32, #tpu.memory_space<hbm>>
      tpu.enqueue_indirect_dma source(%dma_start3A_287 : memref<10000x128xf32, #tpu.memory_space<hbm>>) target(%arg8 : memref<80x128xf32, #tpu.memory_space<vmem>>) offsets(%arg12 : memref<80xi32, #tpu.memory_space<vmem>>) semaphore(%arg21 : memref<!tpu.dma_semaphore, #tpu.memory_space<semaphore_mem>>)
      %add3A_288 = arith.constant 2 : i32
      %add3A_289 = arith.addi %add3A_277, %add3A_288 : i32
      %add3A_290 = arith.constant 320000 : i32
      %add3A_291 = arith.addi %add3A_290, %mul3A_2 : i32
      %mul3A_292 = arith.constant 80 : i32
      %mul3A_293 = arith.muli %add3A_289, %mul3A_292 : i32
      %add3A_294 = arith.addi %add3A_291, %mul3A_293 : i32
      %dma_start3A_295 = tpu.memref_slice %arg3[%add3A_294] : memref<640000xi32, #tpu.memory_space<hbm>> -> memref<80xi32, #tpu.memory_space<hbm>>
      %dma_start3A_296 = tpu.memref_slice %arg3[%add3A_294] : memref<640000xi32, #tpu.memory_space<hbm>> -> memref<80xi32, #tpu.memory_space<hbm>>
      tpu.enqueue_dma source(%dma_start3A_296 : memref<80xi32, #tpu.memory_space<hbm>>) target(%arg16 : memref<80xi32, #tpu.memory_space<vmem>>) target_semaphore(%arg33 : memref<!tpu.dma_semaphore, #tpu.memory_space<semaphore_mem>>)
      %dma_wait3A_297 = arith.constant 0 : i32
      %dma_wait3A_298 = arith.constant 0 : i32
      %dma_wait3A_299 = tpu.memref_slice %arg2[%dma_wait3A_297, %dma_wait3A_298] : memref<10000x128xf32, #tpu.memory_space<hbm>> -> memref<10000x128xf32, #tpu.memory_space<hbm>>
      tpu.wait_indirect_dma semaphore(%arg19 : memref<!tpu.dma_semaphore, #tpu.memory_space<semaphore_mem>>) src(%dma_wait3A_299 : memref<10000x128xf32, #tpu.memory_space<hbm>>) dst(%arg6 : memref<80x128xf32, #tpu.memory_space<vmem>>)
      %add3A_300 = arith.constant 4 : i32
      %add3A_301 = arith.addi %add3A_277, %add3A_300 : i32
      %min3A_302 = arith.constant 124 : i32
      %min3A_303 = arith.minsi %add3A_301, %min3A_302 : i32
      %mul3A_304 = arith.constant 80 : i32
      %mul3A_305 = arith.muli %min3A_303, %mul3A_304 : i32
      %add3A_306 = arith.addi %mul3A_2, %mul3A_305 : i32
      %dma_start3A_307 = tpu.memref_slice %arg3[%add3A_306] : memref<640000xi32, #tpu.memory_space<hbm>> -> memref<80xi32, #tpu.memory_space<hbm>>
      %dma_start3A_308 = tpu.memref_slice %arg3[%add3A_306] : memref<640000xi32, #tpu.memory_space<hbm>> -> memref<80xi32, #tpu.memory_space<hbm>>
      tpu.enqueue_dma source(%dma_start3A_308 : memref<80xi32, #tpu.memory_space<hbm>>) target(%arg10 : memref<80xi32, #tpu.memory_space<vmem>>) target_semaphore(%arg27 : memref<!tpu.dma_semaphore, #tpu.memory_space<semaphore_mem>>)
      %dma_wait3A_309 = arith.constant 0 : i32
      %dma_wait3A_310 = tpu.memref_slice %arg3[%dma_wait3A_309] : memref<640000xi32, #tpu.memory_space<hbm>> -> memref<80xi32, #tpu.memory_space<hbm>>
      %dma_wait3A_311 = arith.constant 0 : i32
      %dma_wait3A_312 = tpu.memref_slice %arg3[%dma_wait3A_311] : memref<640000xi32, #tpu.memory_space<hbm>> -> memref<80xi32, #tpu.memory_space<hbm>>
      tpu.wait_dma2 semaphore(%arg31 : memref<!tpu.dma_semaphore, #tpu.memory_space<semaphore_mem>>) src(%dma_wait3A_312 : memref<80xi32, #tpu.memory_space<hbm>>) dst(%arg14 : memref<80xi32, #tpu.memory_space<vmem>>)
      %dma_start3A_313 = arith.constant 0 : i32
      %dma_start3A_314 = arith.constant 0 : i32
      %dma_start3A_315 = tpu.memref_slice %arg18[%dma_start3A_313, %dma_start3A_314] : memref<10112x128xf32, #tpu.memory_space<vmem_shared>> -> memref<10112x128xf32, #tpu.memory_space<vmem_shared>>
      tpu.enqueue_indirect_dma source(%arg6 : memref<80x128xf32, #tpu.memory_space<vmem>>) target(%dma_start3A_315 : memref<10112x128xf32, #tpu.memory_space<vmem_shared>>) offsets(%arg14 : memref<80xi32, #tpu.memory_space<vmem>>) semaphore(%arg23 : memref<!tpu.dma_semaphore, #tpu.memory_space<semaphore_mem>>) {add = true}
      %add3A_316 = arith.constant 3 : i32
      %add3A_317 = arith.addi %add3A_197, %add3A_316 : i32
      %dma_wait3A_318 = arith.constant 0 : i32
      %dma_wait3A_319 = arith.constant 0 : i32
      %dma_wait3A_320 = tpu.memref_slice %arg18[%dma_wait3A_318, %dma_wait3A_319] : memref<10112x128xf32, #tpu.memory_space<vmem_shared>> -> memref<10112x128xf32, #tpu.memory_space<vmem_shared>>
      tpu.wait_indirect_dma semaphore(%arg26 : memref<!tpu.dma_semaphore, #tpu.memory_space<semaphore_mem>>) src(%arg9 : memref<80x128xf32, #tpu.memory_space<vmem>>) dst(%dma_wait3A_320 : memref<10112x128xf32, #tpu.memory_space<vmem_shared>>)
      %dma_wait3A_321 = arith.constant 0 : i32
      %dma_wait3A_322 = tpu.memref_slice %arg3[%dma_wait3A_321] : memref<640000xi32, #tpu.memory_space<hbm>> -> memref<80xi32, #tpu.memory_space<hbm>>
      %dma_wait3A_323 = arith.constant 0 : i32
      %dma_wait3A_324 = tpu.memref_slice %arg3[%dma_wait3A_323] : memref<640000xi32, #tpu.memory_space<hbm>> -> memref<80xi32, #tpu.memory_space<hbm>>
      tpu.wait_dma2 semaphore(%arg30 : memref<!tpu.dma_semaphore, #tpu.memory_space<semaphore_mem>>) src(%dma_wait3A_324 : memref<80xi32, #tpu.memory_space<hbm>>) dst(%arg13 : memref<80xi32, #tpu.memory_space<vmem>>)
      %dma_start3A_325 = arith.constant 0 : i32
      %dma_start3A_326 = arith.constant 0 : i32
      %dma_start3A_327 = tpu.memref_slice %arg2[%dma_start3A_325, %dma_start3A_326] : memref<10000x128xf32, #tpu.memory_space<hbm>> -> memref<10000x128xf32, #tpu.memory_space<hbm>>
      tpu.enqueue_indirect_dma source(%dma_start3A_327 : memref<10000x128xf32, #tpu.memory_space<hbm>>) target(%arg9 : memref<80x128xf32, #tpu.memory_space<vmem>>) offsets(%arg13 : memref<80xi32, #tpu.memory_space<vmem>>) semaphore(%arg22 : memref<!tpu.dma_semaphore, #tpu.memory_space<semaphore_mem>>)
      %add3A_328 = arith.constant 2 : i32
      %add3A_329 = arith.addi %add3A_317, %add3A_328 : i32
      %add3A_330 = arith.constant 320000 : i32
      %add3A_331 = arith.addi %add3A_330, %mul3A_2 : i32
      %mul3A_332 = arith.constant 80 : i32
      %mul3A_333 = arith.muli %add3A_329, %mul3A_332 : i32
      %add3A_334 = arith.addi %add3A_331, %mul3A_333 : i32
      %dma_start3A_335 = tpu.memref_slice %arg3[%add3A_334] : memref<640000xi32, #tpu.memory_space<hbm>> -> memref<80xi32, #tpu.memory_space<hbm>>
      %dma_start3A_336 = tpu.memref_slice %arg3[%add3A_334] : memref<640000xi32, #tpu.memory_space<hbm>> -> memref<80xi32, #tpu.memory_space<hbm>>
      tpu.enqueue_dma source(%dma_start3A_336 : memref<80xi32, #tpu.memory_space<hbm>>) target(%arg17 : memref<80xi32, #tpu.memory_space<vmem>>) target_semaphore(%arg34 : memref<!tpu.dma_semaphore, #tpu.memory_space<semaphore_mem>>)
      %dma_wait3A_337 = arith.constant 0 : i32
      %dma_wait3A_338 = arith.constant 0 : i32
      %dma_wait3A_339 = tpu.memref_slice %arg2[%dma_wait3A_337, %dma_wait3A_338] : memref<10000x128xf32, #tpu.memory_space<hbm>> -> memref<10000x128xf32, #tpu.memory_space<hbm>>
      tpu.wait_indirect_dma semaphore(%arg20 : memref<!tpu.dma_semaphore, #tpu.memory_space<semaphore_mem>>) src(%dma_wait3A_339 : memref<10000x128xf32, #tpu.memory_space<hbm>>) dst(%arg7 : memref<80x128xf32, #tpu.memory_space<vmem>>)
      %add3A_340 = arith.constant 4 : i32
      %add3A_341 = arith.addi %add3A_317, %add3A_340 : i32
      %min3A_342 = arith.constant 124 : i32
      %min3A_343 = arith.minsi %add3A_341, %min3A_342 : i32
      %mul3A_344 = arith.constant 80 : i32
      %mul3A_345 = arith.muli %min3A_343, %mul3A_344 : i32
      %add3A_346 = arith.addi %mul3A_2, %mul3A_345 : i32
      %dma_start3A_347 = tpu.memref_slice %arg3[%add3A_346] : memref<640000xi32, #tpu.memory_space<hbm>> -> memref<80xi32, #tpu.memory_space<hbm>>
      %dma_start3A_348 = tpu.memref_slice %arg3[%add3A_346] : memref<640000xi32, #tpu.memory_space<hbm>> -> memref<80xi32, #tpu.memory_space<hbm>>
      tpu.enqueue_dma source(%dma_start3A_348 : memref<80xi32, #tpu.memory_space<hbm>>) target(%arg11 : memref<80xi32, #tpu.memory_space<vmem>>) target_semaphore(%arg28 : memref<!tpu.dma_semaphore, #tpu.memory_space<semaphore_mem>>)
      %dma_wait3A_349 = arith.constant 0 : i32
      %dma_wait3A_350 = tpu.memref_slice %arg3[%dma_wait3A_349] : memref<640000xi32, #tpu.memory_space<hbm>> -> memref<80xi32, #tpu.memory_space<hbm>>
      %dma_wait3A_351 = arith.constant 0 : i32
      %dma_wait3A_352 = tpu.memref_slice %arg3[%dma_wait3A_351] : memref<640000xi32, #tpu.memory_space<hbm>> -> memref<80xi32, #tpu.memory_space<hbm>>
      tpu.wait_dma2 semaphore(%arg32 : memref<!tpu.dma_semaphore, #tpu.memory_space<semaphore_mem>>) src(%dma_wait3A_352 : memref<80xi32, #tpu.memory_space<hbm>>) dst(%arg15 : memref<80xi32, #tpu.memory_space<vmem>>)
      %dma_start3A_353 = arith.constant 0 : i32
      %dma_start3A_354 = arith.constant 0 : i32
      %dma_start3A_355 = tpu.memref_slice %arg18[%dma_start3A_353, %dma_start3A_354] : memref<10112x128xf32, #tpu.memory_space<vmem_shared>> -> memref<10112x128xf32, #tpu.memory_space<vmem_shared>>
      tpu.enqueue_indirect_dma source(%arg7 : memref<80x128xf32, #tpu.memory_space<vmem>>) target(%dma_start3A_355 : memref<10112x128xf32, #tpu.memory_space<vmem_shared>>) offsets(%arg15 : memref<80xi32, #tpu.memory_space<vmem>>) semaphore(%arg24 : memref<!tpu.dma_semaphore, #tpu.memory_space<semaphore_mem>>) {add = true}
    }
    %scan3A_125 = arith.constant 30 : i32
    %dma_wait3A_126 = arith.constant 0 : i32
    %dma_wait3A_127 = arith.constant 0 : i32
    %dma_wait3A_128 = tpu.memref_slice %arg18[%dma_wait3A_126, %dma_wait3A_127] : memref<10112x128xf32, #tpu.memory_space<vmem_shared>> -> memref<10112x128xf32, #tpu.memory_space<vmem_shared>>
    tpu.wait_indirect_dma semaphore(%arg23 : memref<!tpu.dma_semaphore, #tpu.memory_space<semaphore_mem>>) src(%arg6 : memref<80x128xf32, #tpu.memory_space<vmem>>) dst(%dma_wait3A_128 : memref<10112x128xf32, #tpu.memory_space<vmem_shared>>)
    %dma_wait3A_129 = arith.constant 0 : i32
    %dma_wait3A_130 = tpu.memref_slice %arg3[%dma_wait3A_129] : memref<640000xi32, #tpu.memory_space<hbm>> -> memref<80xi32, #tpu.memory_space<hbm>>
    %dma_wait3A_131 = arith.constant 0 : i32
    %dma_wait3A_132 = tpu.memref_slice %arg3[%dma_wait3A_131] : memref<640000xi32, #tpu.memory_space<hbm>> -> memref<80xi32, #tpu.memory_space<hbm>>
    tpu.wait_dma2 semaphore(%arg27 : memref<!tpu.dma_semaphore, #tpu.memory_space<semaphore_mem>>) src(%dma_wait3A_132 : memref<80xi32, #tpu.memory_space<hbm>>) dst(%arg10 : memref<80xi32, #tpu.memory_space<vmem>>)
    %dma_start3A_133 = arith.constant 0 : i32
    %dma_start3A_134 = arith.constant 0 : i32
    %dma_start3A_135 = tpu.memref_slice %arg2[%dma_start3A_133, %dma_start3A_134] : memref<10000x128xf32, #tpu.memory_space<hbm>> -> memref<10000x128xf32, #tpu.memory_space<hbm>>
    tpu.enqueue_indirect_dma source(%dma_start3A_135 : memref<10000x128xf32, #tpu.memory_space<hbm>>) target(%arg6 : memref<80x128xf32, #tpu.memory_space<vmem>>) offsets(%arg10 : memref<80xi32, #tpu.memory_space<vmem>>) semaphore(%arg19 : memref<!tpu.dma_semaphore, #tpu.memory_space<semaphore_mem>>)
    %add3A_136 = arith.constant 320000 : i32
    %add3A_137 = arith.addi %add3A_136, %mul3A_2 : i32
    %add3A_138 = arith.constant 9920 : i32
    %add3A_139 = arith.addi %add3A_137, %add3A_138 : i32
    %dma_start3A_140 = tpu.memref_slice %arg3[%add3A_139] : memref<640000xi32, #tpu.memory_space<hbm>> -> memref<80xi32, #tpu.memory_space<hbm>>
    %dma_start3A_141 = tpu.memref_slice %arg3[%add3A_139] : memref<640000xi32, #tpu.memory_space<hbm>> -> memref<80xi32, #tpu.memory_space<hbm>>
    tpu.enqueue_dma source(%dma_start3A_141 : memref<80xi32, #tpu.memory_space<hbm>>) target(%arg14 : memref<80xi32, #tpu.memory_space<vmem>>) target_semaphore(%arg31 : memref<!tpu.dma_semaphore, #tpu.memory_space<semaphore_mem>>)
    %dma_wait3A_142 = arith.constant 0 : i32
    %dma_wait3A_143 = arith.constant 0 : i32
    %dma_wait3A_144 = tpu.memref_slice %arg2[%dma_wait3A_142, %dma_wait3A_143] : memref<10000x128xf32, #tpu.memory_space<hbm>> -> memref<10000x128xf32, #tpu.memory_space<hbm>>
    tpu.wait_indirect_dma semaphore(%arg21 : memref<!tpu.dma_semaphore, #tpu.memory_space<semaphore_mem>>) src(%dma_wait3A_144 : memref<10000x128xf32, #tpu.memory_space<hbm>>) dst(%arg8 : memref<80x128xf32, #tpu.memory_space<vmem>>)
    %dma_wait3A_145 = arith.constant 0 : i32
    %dma_wait3A_146 = tpu.memref_slice %arg3[%dma_wait3A_145] : memref<640000xi32, #tpu.memory_space<hbm>> -> memref<80xi32, #tpu.memory_space<hbm>>
    %dma_wait3A_147 = arith.constant 0 : i32
    %dma_wait3A_148 = tpu.memref_slice %arg3[%dma_wait3A_147] : memref<640000xi32, #tpu.memory_space<hbm>> -> memref<80xi32, #tpu.memory_space<hbm>>
    tpu.wait_dma2 semaphore(%arg33 : memref<!tpu.dma_semaphore, #tpu.memory_space<semaphore_mem>>) src(%dma_wait3A_148 : memref<80xi32, #tpu.memory_space<hbm>>) dst(%arg16 : memref<80xi32, #tpu.memory_space<vmem>>)
    %dma_start3A_149 = arith.constant 0 : i32
    %dma_start3A_150 = arith.constant 0 : i32
    %dma_start3A_151 = tpu.memref_slice %arg18[%dma_start3A_149, %dma_start3A_150] : memref<10112x128xf32, #tpu.memory_space<vmem_shared>> -> memref<10112x128xf32, #tpu.memory_space<vmem_shared>>
    tpu.enqueue_indirect_dma source(%arg8 : memref<80x128xf32, #tpu.memory_space<vmem>>) target(%dma_start3A_151 : memref<10112x128xf32, #tpu.memory_space<vmem_shared>>) offsets(%arg16 : memref<80xi32, #tpu.memory_space<vmem>>) semaphore(%arg25 : memref<!tpu.dma_semaphore, #tpu.memory_space<semaphore_mem>>) {add = true}
    %dma_wait3A_152 = arith.constant 0 : i32
    %dma_wait3A_153 = arith.constant 0 : i32
    %dma_wait3A_154 = tpu.memref_slice %arg18[%dma_wait3A_152, %dma_wait3A_153] : memref<10112x128xf32, #tpu.memory_space<vmem_shared>> -> memref<10112x128xf32, #tpu.memory_space<vmem_shared>>
    tpu.wait_indirect_dma semaphore(%arg24 : memref<!tpu.dma_semaphore, #tpu.memory_space<semaphore_mem>>) src(%arg7 : memref<80x128xf32, #tpu.memory_space<vmem>>) dst(%dma_wait3A_154 : memref<10112x128xf32, #tpu.memory_space<vmem_shared>>)
    %dma_wait3A_155 = arith.constant 0 : i32
    %dma_wait3A_156 = arith.constant 0 : i32
    %dma_wait3A_157 = tpu.memref_slice %arg2[%dma_wait3A_155, %dma_wait3A_156] : memref<10000x128xf32, #tpu.memory_space<hbm>> -> memref<10000x128xf32, #tpu.memory_space<hbm>>
    tpu.wait_indirect_dma semaphore(%arg22 : memref<!tpu.dma_semaphore, #tpu.memory_space<semaphore_mem>>) src(%dma_wait3A_157 : memref<10000x128xf32, #tpu.memory_space<hbm>>) dst(%arg9 : memref<80x128xf32, #tpu.memory_space<vmem>>)
    %dma_wait3A_158 = arith.constant 0 : i32
    %dma_wait3A_159 = tpu.memref_slice %arg3[%dma_wait3A_158] : memref<640000xi32, #tpu.memory_space<hbm>> -> memref<80xi32, #tpu.memory_space<hbm>>
    %dma_wait3A_160 = arith.constant 0 : i32
    %dma_wait3A_161 = tpu.memref_slice %arg3[%dma_wait3A_160] : memref<640000xi32, #tpu.memory_space<hbm>> -> memref<80xi32, #tpu.memory_space<hbm>>
    tpu.wait_dma2 semaphore(%arg34 : memref<!tpu.dma_semaphore, #tpu.memory_space<semaphore_mem>>) src(%dma_wait3A_161 : memref<80xi32, #tpu.memory_space<hbm>>) dst(%arg17 : memref<80xi32, #tpu.memory_space<vmem>>)
    %dma_start3A_162 = arith.constant 0 : i32
    %dma_start3A_163 = arith.constant 0 : i32
    %dma_start3A_164 = tpu.memref_slice %arg18[%dma_start3A_162, %dma_start3A_163] : memref<10112x128xf32, #tpu.memory_space<vmem_shared>> -> memref<10112x128xf32, #tpu.memory_space<vmem_shared>>
    tpu.enqueue_indirect_dma source(%arg9 : memref<80x128xf32, #tpu.memory_space<vmem>>) target(%dma_start3A_164 : memref<10112x128xf32, #tpu.memory_space<vmem_shared>>) offsets(%arg17 : memref<80xi32, #tpu.memory_space<vmem>>) semaphore(%arg26 : memref<!tpu.dma_semaphore, #tpu.memory_space<semaphore_mem>>) {add = true}
    %dma_wait3A_165 = arith.constant 0 : i32
    %dma_wait3A_166 = arith.constant 0 : i32
    %dma_wait3A_167 = tpu.memref_slice %arg18[%dma_wait3A_165, %dma_wait3A_166] : memref<10112x128xf32, #tpu.memory_space<vmem_shared>> -> memref<10112x128xf32, #tpu.memory_space<vmem_shared>>
    tpu.wait_indirect_dma semaphore(%arg25 : memref<!tpu.dma_semaphore, #tpu.memory_space<semaphore_mem>>) src(%arg8 : memref<80x128xf32, #tpu.memory_space<vmem>>) dst(%dma_wait3A_167 : memref<10112x128xf32, #tpu.memory_space<vmem_shared>>)
    %dma_wait3A_168 = arith.constant 0 : i32
    %dma_wait3A_169 = arith.constant 0 : i32
    %dma_wait3A_170 = tpu.memref_slice %arg2[%dma_wait3A_168, %dma_wait3A_169] : memref<10000x128xf32, #tpu.memory_space<hbm>> -> memref<10000x128xf32, #tpu.memory_space<hbm>>
    tpu.wait_indirect_dma semaphore(%arg19 : memref<!tpu.dma_semaphore, #tpu.memory_space<semaphore_mem>>) src(%dma_wait3A_170 : memref<10000x128xf32, #tpu.memory_space<hbm>>) dst(%arg6 : memref<80x128xf32, #tpu.memory_space<vmem>>)
    %dma_wait3A_171 = arith.constant 0 : i32
    %dma_wait3A_172 = tpu.memref_slice %arg3[%dma_wait3A_171] : memref<640000xi32, #tpu.memory_space<hbm>> -> memref<80xi32, #tpu.memory_space<hbm>>
    %dma_wait3A_173 = arith.constant 0 : i32
    %dma_wait3A_174 = tpu.memref_slice %arg3[%dma_wait3A_173] : memref<640000xi32, #tpu.memory_space<hbm>> -> memref<80xi32, #tpu.memory_space<hbm>>
    tpu.wait_dma2 semaphore(%arg31 : memref<!tpu.dma_semaphore, #tpu.memory_space<semaphore_mem>>) src(%dma_wait3A_174 : memref<80xi32, #tpu.memory_space<hbm>>) dst(%arg14 : memref<80xi32, #tpu.memory_space<vmem>>)
    %dma_start3A_175 = arith.constant 0 : i32
    %dma_start3A_176 = arith.constant 0 : i32
    %dma_start3A_177 = tpu.memref_slice %arg18[%dma_start3A_175, %dma_start3A_176] : memref<10112x128xf32, #tpu.memory_space<vmem_shared>> -> memref<10112x128xf32, #tpu.memory_space<vmem_shared>>
    tpu.enqueue_indirect_dma source(%arg6 : memref<80x128xf32, #tpu.memory_space<vmem>>) target(%dma_start3A_177 : memref<10112x128xf32, #tpu.memory_space<vmem_shared>>) offsets(%arg14 : memref<80xi32, #tpu.memory_space<vmem>>) semaphore(%arg23 : memref<!tpu.dma_semaphore, #tpu.memory_space<semaphore_mem>>) {add = true}
    %dma_wait3A_178 = arith.constant 0 : i32
    %dma_wait3A_179 = arith.constant 0 : i32
    %dma_wait3A_180 = tpu.memref_slice %arg18[%dma_wait3A_178, %dma_wait3A_179] : memref<10112x128xf32, #tpu.memory_space<vmem_shared>> -> memref<10112x128xf32, #tpu.memory_space<vmem_shared>>
    tpu.wait_indirect_dma semaphore(%arg26 : memref<!tpu.dma_semaphore, #tpu.memory_space<semaphore_mem>>) src(%arg9 : memref<80x128xf32, #tpu.memory_space<vmem>>) dst(%dma_wait3A_180 : memref<10112x128xf32, #tpu.memory_space<vmem_shared>>)
    %dma_wait3A_181 = arith.constant 0 : i32
    %dma_wait3A_182 = arith.constant 0 : i32
    %dma_wait3A_183 = tpu.memref_slice %arg18[%dma_wait3A_181, %dma_wait3A_182] : memref<10112x128xf32, #tpu.memory_space<vmem_shared>> -> memref<10112x128xf32, #tpu.memory_space<vmem_shared>>
    tpu.wait_indirect_dma semaphore(%arg23 : memref<!tpu.dma_semaphore, #tpu.memory_space<semaphore_mem>>) src(%arg6 : memref<80x128xf32, #tpu.memory_space<vmem>>) dst(%dma_wait3A_183 : memref<10112x128xf32, #tpu.memory_space<vmem_shared>>)
    %dma_wait3A_184 = arith.constant 0 : i32
    %dma_wait3A_185 = tpu.memref_slice %arg3[%dma_wait3A_184] : memref<640000xi32, #tpu.memory_space<hbm>> -> memref<80xi32, #tpu.memory_space<hbm>>
    %dma_wait3A_186 = arith.constant 0 : i32
    %dma_wait3A_187 = tpu.memref_slice %arg3[%dma_wait3A_186] : memref<640000xi32, #tpu.memory_space<hbm>> -> memref<80xi32, #tpu.memory_space<hbm>>
    tpu.wait_dma2 semaphore(%arg28 : memref<!tpu.dma_semaphore, #tpu.memory_space<semaphore_mem>>) src(%dma_wait3A_187 : memref<80xi32, #tpu.memory_space<hbm>>) dst(%arg11 : memref<80xi32, #tpu.memory_space<vmem>>)
    %barrier3A_188 = arith.constant 0 : index
    tpu.barrier barrier_id(%barrier3A_188)
    %mul3A_189 = arith.constant 632 : i32
    %mul3A_190 = arith.muli %arg1, %mul3A_189 : i32
    %mul3A_191 = arith.constant 632 : i32
    %mul3A_192 = arith.muli %arg1, %mul3A_191 : i32
    "tpu.region"() ({
      %run_scoped3A = tpu.sem_alloc : memref<!tpu.dma_semaphore, #tpu.memory_space<semaphore_mem>>
      %dma_start3A_193 = arith.constant 0 : i32
      %dma_start3A_194 = arith.constant 0 : i32
      %dma_start3A_195 = tpu.memref_slice %arg5[%arg0, %dma_start3A_193, %dma_start3A_194] : memref<2x10112x128xf32, #tpu.memory_space<hbm>> -> memref<1x10112x128xf32, #tpu.memory_space<hbm>>
      %dma_start3A_196 = tpu.memref_squeeze %dma_start3A_195 : memref<1x10112x128xf32, #tpu.memory_space<hbm>> -> memref<10112x128xf32, #tpu.memory_space<hbm>>
      %dma_start3A_197 = arith.constant 0 : i32
      %dma_start3A_198 = tpu.memref_slice %dma_start3A_196[%mul3A_192, %dma_start3A_197] : memref<10112x128xf32, #tpu.memory_space<hbm>> -> memref<632x128xf32, #tpu.memory_space<hbm>>
      %dma_start3A_199 = arith.constant 0 : i32
      %dma_start3A_200 = tpu.memref_slice %arg18[%mul3A_190, %dma_start3A_199] : memref<10112x128xf32, #tpu.memory_space<vmem_shared>> -> memref<632x128xf32, #tpu.memory_space<vmem_shared>>
      tpu.enqueue_dma source(%dma_start3A_200 : memref<632x128xf32, #tpu.memory_space<vmem_shared>>) target(%dma_start3A_198 : memref<632x128xf32, #tpu.memory_space<hbm>>) target_semaphore(%run_scoped3A : memref<!tpu.dma_semaphore, #tpu.memory_space<semaphore_mem>>)
      %dma_wait3A_201 = arith.constant 0 : i32
      %dma_wait3A_202 = arith.constant 0 : i32
      %dma_wait3A_203 = tpu.memref_slice %arg5[%arg0, %dma_wait3A_201, %dma_wait3A_202] : memref<2x10112x128xf32, #tpu.memory_space<hbm>> -> memref<1x10112x128xf32, #tpu.memory_space<hbm>>
      %dma_wait3A_204 = tpu.memref_squeeze %dma_wait3A_203 : memref<1x10112x128xf32, #tpu.memory_space<hbm>> -> memref<10112x128xf32, #tpu.memory_space<hbm>>
      %dma_wait3A_205 = arith.constant 0 : i32
      %dma_wait3A_206 = tpu.memref_slice %dma_wait3A_204[%mul3A_192, %dma_wait3A_205] : memref<10112x128xf32, #tpu.memory_space<hbm>> -> memref<632x128xf32, #tpu.memory_space<hbm>>
      %dma_wait3A_207 = arith.constant 0 : i32
      %dma_wait3A_208 = tpu.memref_slice %arg18[%mul3A_190, %dma_wait3A_207] : memref<10112x128xf32, #tpu.memory_space<vmem_shared>> -> memref<632x128xf32, #tpu.memory_space<vmem_shared>>
      tpu.wait_dma2 semaphore(%run_scoped3A : memref<!tpu.dma_semaphore, #tpu.memory_space<semaphore_mem>>) src(%dma_wait3A_208 : memref<632x128xf32, #tpu.memory_space<vmem_shared>>) dst(%dma_wait3A_206 : memref<632x128xf32, #tpu.memory_space<hbm>>)
      tpu.yield
    }) : () -> ()
    return
  }
}

#map = affine_map<(d0, d1) -> (0, 0)>
#map1 = affine_map<(d0, d1) -> (0)>
#map2 = affine_map<(d0, d1) -> (0, 0, 0)>
module attributes {stable_mosaic.version = 14 : i64} {
  func.func @_agg(%arg0: i32, %arg1: i32, %arg2: memref<10000x128xf32, #tpu.memory_space<hbm>>, %arg3: memref<640000xi32, #tpu.memory_space<hbm>>, %arg4: memref<632x128xf32, #tpu.memory_space<hbm>>, %arg5: memref<2x10112x128xf32, #tpu.memory_space<hbm>>, %arg6: memref<80x128xf32, #tpu.memory_space<vmem>>, %arg7: memref<80x128xf32, #tpu.memory_space<vmem>>, %arg8: memref<80x128xf32, #tpu.memory_space<vmem>>, %arg9: memref<80x128xf32, #tpu.memory_space<vmem>>, %arg10: memref<80xi32, #tpu.memory_space<vmem>>, %arg11: memref<80xi32, #tpu.memory_space<vmem>>, %arg12: memref<80xi32, #tpu.memory_space<vmem>>, %arg13: memref<80xi32, #tpu.memory_space<vmem>>, %arg14: memref<80xi32, #tpu.memory_space<vmem>>, %arg15: memref<80xi32, #tpu.memory_space<vmem>>, %arg16: memref<80xi32, #tpu.memory_space<vmem>>, %arg17: memref<80xi32, #tpu.memory_space<vmem>>, %arg18: memref<10112x128xf32, #tpu.memory_space<vmem_shared>>, %arg19: memref<!tpu.dma_semaphore, #tpu.memory_space<semaphore_mem>>, %arg20: memref<!tpu.dma_semaphore, #tpu.memory_space<semaphore_mem>>, %arg21: memref<!tpu.dma_semaphore, #tpu.memory_space<semaphore_mem>>, %arg22: memref<!tpu.dma_semaphore, #tpu.memory_space<semaphore_mem>>, %arg23: memref<!tpu.dma_semaphore, #tpu.memory_space<semaphore_mem>>, %arg24: memref<!tpu.dma_semaphore, #tpu.memory_space<semaphore_mem>>, %arg25: memref<!tpu.dma_semaphore, #tpu.memory_space<semaphore_mem>>, %arg26: memref<!tpu.dma_semaphore, #tpu.memory_space<semaphore_mem>>, %arg27: memref<!tpu.dma_semaphore, #tpu.memory_space<semaphore_mem>>, %arg28: memref<!tpu.dma_semaphore, #tpu.memory_space<semaphore_mem>>, %arg29: memref<!tpu.dma_semaphore, #tpu.memory_space<semaphore_mem>>, %arg30: memref<!tpu.dma_semaphore, #tpu.memory_space<semaphore_mem>>, %arg31: memref<!tpu.dma_semaphore, #tpu.memory_space<semaphore_mem>>, %arg32: memref<!tpu.dma_semaphore, #tpu.memory_space<semaphore_mem>>, %arg33: memref<!tpu.dma_semaphore, #tpu.memory_space<semaphore_mem>>, %arg34: memref<!tpu.dma_semaphore, #tpu.memory_space<semaphore_mem>>) attributes {dimension_semantics = [#tpu.dimension_semantics<core_parallel>, #tpu.dimension_semantics<subcore_parallel>], iteration_bounds = array<i64: 2, 16>, scalar_prefetch = 0 : i64, scratch_operands = 29 : i64, tpu.core_type = #tpu.core_type<sc_vector_subcore>, window_params = [{transform_indices = #map}, {transform_indices = #map1}, {transform_indices = #map}, {transform_indices = #map2}]} {
    %mul3A = arith.constant 16 : i32
    %mul3A_0 = arith.muli %arg0, %mul3A : i32
    %add3A = arith.addi %mul3A_0, %arg1 : i32
    %mul3A_1 = arith.constant 10000 : i32
    %mul3A_2 = arith.muli %add3A, %mul3A_1 : i32
    %mul3A_3 = arith.constant 632 : i32
    %mul3A_4 = arith.muli %arg1, %mul3A_3 : i32
    "tpu.region"() ({
      %run_scoped3A = tpu.sem_alloc : memref<!tpu.dma_semaphore, #tpu.memory_space<semaphore_mem>>
      %dma_start3A_193 = arith.constant 0 : i32
      %dma_start3A_194 = tpu.memref_slice %arg18[%mul3A_4, %dma_start3A_193] : memref<10112x128xf32, #tpu.memory_space<vmem_shared>> -> memref<632x128xf32, #tpu.memory_space<vmem_shared>>
      tpu.enqueue_dma source(%arg4 : memref<632x128xf32, #tpu.memory_space<hbm>>) target(%dma_start3A_194 : memref<632x128xf32, #tpu.memory_space<vmem_shared>>) target_semaphore(%run_scoped3A : memref<!tpu.dma_semaphore, #tpu.memory_space<semaphore_mem>>)
      %dma_wait3A_195 = arith.constant 0 : i32
      %dma_wait3A_196 = tpu.memref_slice %arg18[%mul3A_4, %dma_wait3A_195] : memref<10112x128xf32, #tpu.memory_space<vmem_shared>> -> memref<632x128xf32, #tpu.memory_space<vmem_shared>>
      tpu.wait_dma2 semaphore(%run_scoped3A : memref<!tpu.dma_semaphore, #tpu.memory_space<semaphore_mem>>) src(%arg4 : memref<632x128xf32, #tpu.memory_space<hbm>>) dst(%dma_wait3A_196 : memref<632x128xf32, #tpu.memory_space<vmem_shared>>)
      tpu.yield
    }) : () -> ()
    %barrier3A = arith.constant 0 : index
    tpu.barrier barrier_id(%barrier3A)
    %min3A = arith.constant 0 : i32
    %min3A_5 = arith.constant 124 : i32
    %min3A_6 = arith.minsi %min3A, %min3A_5 : i32
    %mul3A_7 = arith.constant 80 : i32
    %mul3A_8 = arith.muli %min3A_6, %mul3A_7 : i32
    %add3A_9 = arith.addi %mul3A_2, %mul3A_8 : i32
    %dma_start3A = tpu.memref_slice %arg3[%add3A_9] : memref<640000xi32, #tpu.memory_space<hbm>> -> memref<80xi32, #tpu.memory_space<hbm>>
    %dma_start3A_10 = tpu.memref_slice %arg3[%add3A_9] : memref<640000xi32, #tpu.memory_space<hbm>> -> memref<80xi32, #tpu.memory_space<hbm>>
    tpu.enqueue_dma source(%dma_start3A_10 : memref<80xi32, #tpu.memory_space<hbm>>) target(%arg10 : memref<80xi32, #tpu.memory_space<vmem>>) target_semaphore(%arg27 : memref<!tpu.dma_semaphore, #tpu.memory_space<semaphore_mem>>)
    %min3A_11 = arith.constant 1 : i32
    %min3A_12 = arith.constant 124 : i32
    %min3A_13 = arith.minsi %min3A_11, %min3A_12 : i32
    %mul3A_14 = arith.constant 80 : i32
    %mul3A_15 = arith.muli %min3A_13, %mul3A_14 : i32
    %add3A_16 = arith.addi %mul3A_2, %mul3A_15 : i32
    %dma_start3A_17 = tpu.memref_slice %arg3[%add3A_16] : memref<640000xi32, #tpu.memory_space<hbm>> -> memref<80xi32, #tpu.memory_space<hbm>>
    %dma_start3A_18 = tpu.memref_slice %arg3[%add3A_16] : memref<640000xi32, #tpu.memory_space<hbm>> -> memref<80xi32, #tpu.memory_space<hbm>>
    tpu.enqueue_dma source(%dma_start3A_18 : memref<80xi32, #tpu.memory_space<hbm>>) target(%arg11 : memref<80xi32, #tpu.memory_space<vmem>>) target_semaphore(%arg28 : memref<!tpu.dma_semaphore, #tpu.memory_space<semaphore_mem>>)
    %min3A_19 = arith.constant 2 : i32
    %min3A_20 = arith.constant 124 : i32
    %min3A_21 = arith.minsi %min3A_19, %min3A_20 : i32
    %mul3A_22 = arith.constant 80 : i32
    %mul3A_23 = arith.muli %min3A_21, %mul3A_22 : i32
    %add3A_24 = arith.addi %mul3A_2, %mul3A_23 : i32
    %dma_start3A_25 = tpu.memref_slice %arg3[%add3A_24] : memref<640000xi32, #tpu.memory_space<hbm>> -> memref<80xi32, #tpu.memory_space<hbm>>
    %dma_start3A_26 = tpu.memref_slice %arg3[%add3A_24] : memref<640000xi32, #tpu.memory_space<hbm>> -> memref<80xi32, #tpu.memory_space<hbm>>
    tpu.enqueue_dma source(%dma_start3A_26 : memref<80xi32, #tpu.memory_space<hbm>>) target(%arg12 : memref<80xi32, #tpu.memory_space<vmem>>) target_semaphore(%arg29 : memref<!tpu.dma_semaphore, #tpu.memory_space<semaphore_mem>>)
    %min3A_27 = arith.constant 3 : i32
    %min3A_28 = arith.constant 124 : i32
    %min3A_29 = arith.minsi %min3A_27, %min3A_28 : i32
    %mul3A_30 = arith.constant 80 : i32
    %mul3A_31 = arith.muli %min3A_29, %mul3A_30 : i32
    %add3A_32 = arith.addi %mul3A_2, %mul3A_31 : i32
    %dma_start3A_33 = tpu.memref_slice %arg3[%add3A_32] : memref<640000xi32, #tpu.memory_space<hbm>> -> memref<80xi32, #tpu.memory_space<hbm>>
    %dma_start3A_34 = tpu.memref_slice %arg3[%add3A_32] : memref<640000xi32, #tpu.memory_space<hbm>> -> memref<80xi32, #tpu.memory_space<hbm>>
    tpu.enqueue_dma source(%dma_start3A_34 : memref<80xi32, #tpu.memory_space<hbm>>) target(%arg13 : memref<80xi32, #tpu.memory_space<vmem>>) target_semaphore(%arg30 : memref<!tpu.dma_semaphore, #tpu.memory_space<semaphore_mem>>)
    %add3A_35 = arith.constant 320000 : i32
    %add3A_36 = arith.addi %add3A_35, %mul3A_2 : i32
    %add3A_37 = arith.constant 0 : i32
    %add3A_38 = arith.addi %add3A_36, %add3A_37 : i32
    %dma_start3A_39 = tpu.memref_slice %arg3[%add3A_38] : memref<640000xi32, #tpu.memory_space<hbm>> -> memref<80xi32, #tpu.memory_space<hbm>>
    %dma_start3A_40 = tpu.memref_slice %arg3[%add3A_38] : memref<640000xi32, #tpu.memory_space<hbm>> -> memref<80xi32, #tpu.memory_space<hbm>>
    tpu.enqueue_dma source(%dma_start3A_40 : memref<80xi32, #tpu.memory_space<hbm>>) target(%arg14 : memref<80xi32, #tpu.memory_space<vmem>>) target_semaphore(%arg31 : memref<!tpu.dma_semaphore, #tpu.memory_space<semaphore_mem>>)
    %add3A_41 = arith.constant 320000 : i32
    %add3A_42 = arith.addi %add3A_41, %mul3A_2 : i32
    %add3A_43 = arith.constant 80 : i32
    %add3A_44 = arith.addi %add3A_42, %add3A_43 : i32
    %dma_start3A_45 = tpu.memref_slice %arg3[%add3A_44] : memref<640000xi32, #tpu.memory_space<hbm>> -> memref<80xi32, #tpu.memory_space<hbm>>
    %dma_start3A_46 = tpu.memref_slice %arg3[%add3A_44] : memref<640000xi32, #tpu.memory_space<hbm>> -> memref<80xi32, #tpu.memory_space<hbm>>
    tpu.enqueue_dma source(%dma_start3A_46 : memref<80xi32, #tpu.memory_space<hbm>>) target(%arg15 : memref<80xi32, #tpu.memory_space<vmem>>) target_semaphore(%arg32 : memref<!tpu.dma_semaphore, #tpu.memory_space<semaphore_mem>>)
    %dma_wait3A = arith.constant 0 : i32
    %dma_wait3A_47 = tpu.memref_slice %arg3[%dma_wait3A] : memref<640000xi32, #tpu.memory_space<hbm>> -> memref<80xi32, #tpu.memory_space<hbm>>
    %dma_wait3A_48 = arith.constant 0 : i32
    %dma_wait3A_49 = tpu.memref_slice %arg3[%dma_wait3A_48] : memref<640000xi32, #tpu.memory_space<hbm>> -> memref<80xi32, #tpu.memory_space<hbm>>
    tpu.wait_dma2 semaphore(%arg27 : memref<!tpu.dma_semaphore, #tpu.memory_space<semaphore_mem>>) src(%dma_wait3A_49 : memref<80xi32, #tpu.memory_space<hbm>>) dst(%arg10 : memref<80xi32, #tpu.memory_space<vmem>>)
    %dma_start3A_50 = arith.constant 0 : i32
    %dma_start3A_51 = arith.constant 0 : i32
    %dma_start3A_52 = tpu.memref_slice %arg2[%dma_start3A_50, %dma_start3A_51] : memref<10000x128xf32, #tpu.memory_space<hbm>> -> memref<10000x128xf32, #tpu.memory_space<hbm>>
    tpu.enqueue_indirect_dma source(%dma_start3A_52 : memref<10000x128xf32, #tpu.memory_space<hbm>>) target(%arg6 : memref<80x128xf32, #tpu.memory_space<vmem>>) offsets(%arg10 : memref<80xi32, #tpu.memory_space<vmem>>) semaphore(%arg19 : memref<!tpu.dma_semaphore, #tpu.memory_space<semaphore_mem>>)
    %dma_wait3A_53 = arith.constant 0 : i32
    %dma_wait3A_54 = tpu.memref_slice %arg3[%dma_wait3A_53] : memref<640000xi32, #tpu.memory_space<hbm>> -> memref<80xi32, #tpu.memory_space<hbm>>
    %dma_wait3A_55 = arith.constant 0 : i32
    %dma_wait3A_56 = tpu.memref_slice %arg3[%dma_wait3A_55] : memref<640000xi32, #tpu.memory_space<hbm>> -> memref<80xi32, #tpu.memory_space<hbm>>
    tpu.wait_dma2 semaphore(%arg28 : memref<!tpu.dma_semaphore, #tpu.memory_space<semaphore_mem>>) src(%dma_wait3A_56 : memref<80xi32, #tpu.memory_space<hbm>>) dst(%arg11 : memref<80xi32, #tpu.memory_space<vmem>>)
    %dma_start3A_57 = arith.constant 0 : i32
    %dma_start3A_58 = arith.constant 0 : i32
    %dma_start3A_59 = tpu.memref_slice %arg2[%dma_start3A_57, %dma_start3A_58] : memref<10000x128xf32, #tpu.memory_space<hbm>> -> memref<10000x128xf32, #tpu.memory_space<hbm>>
    tpu.enqueue_indirect_dma source(%dma_start3A_59 : memref<10000x128xf32, #tpu.memory_space<hbm>>) target(%arg7 : memref<80x128xf32, #tpu.memory_space<vmem>>) offsets(%arg11 : memref<80xi32, #tpu.memory_space<vmem>>) semaphore(%arg20 : memref<!tpu.dma_semaphore, #tpu.memory_space<semaphore_mem>>)
    %dma_wait3A_60 = arith.constant 0 : i32
    %dma_wait3A_61 = tpu.memref_slice %arg3[%dma_wait3A_60] : memref<640000xi32, #tpu.memory_space<hbm>> -> memref<80xi32, #tpu.memory_space<hbm>>
    %dma_wait3A_62 = arith.constant 0 : i32
    %dma_wait3A_63 = tpu.memref_slice %arg3[%dma_wait3A_62] : memref<640000xi32, #tpu.memory_space<hbm>> -> memref<80xi32, #tpu.memory_space<hbm>>
    tpu.wait_dma2 semaphore(%arg29 : memref<!tpu.dma_semaphore, #tpu.memory_space<semaphore_mem>>) src(%dma_wait3A_63 : memref<80xi32, #tpu.memory_space<hbm>>) dst(%arg12 : memref<80xi32, #tpu.memory_space<vmem>>)
    %dma_start3A_64 = arith.constant 0 : i32
    %dma_start3A_65 = arith.constant 0 : i32
    %dma_start3A_66 = tpu.memref_slice %arg2[%dma_start3A_64, %dma_start3A_65] : memref<10000x128xf32, #tpu.memory_space<hbm>> -> memref<10000x128xf32, #tpu.memory_space<hbm>>
    tpu.enqueue_indirect_dma source(%dma_start3A_66 : memref<10000x128xf32, #tpu.memory_space<hbm>>) target(%arg8 : memref<80x128xf32, #tpu.memory_space<vmem>>) offsets(%arg12 : memref<80xi32, #tpu.memory_space<vmem>>) semaphore(%arg21 : memref<!tpu.dma_semaphore, #tpu.memory_space<semaphore_mem>>)
    %add3A_67 = arith.constant 320000 : i32
    %add3A_68 = arith.addi %add3A_67, %mul3A_2 : i32
    %add3A_69 = arith.constant 160 : i32
    %add3A_70 = arith.addi %add3A_68, %add3A_69 : i32
    %dma_start3A_71 = tpu.memref_slice %arg3[%add3A_70] : memref<640000xi32, #tpu.memory_space<hbm>> -> memref<80xi32, #tpu.memory_space<hbm>>
    %dma_start3A_72 = tpu.memref_slice %arg3[%add3A_70] : memref<640000xi32, #tpu.memory_space<hbm>> -> memref<80xi32, #tpu.memory_space<hbm>>
    tpu.enqueue_dma source(%dma_start3A_72 : memref<80xi32, #tpu.memory_space<hbm>>) target(%arg16 : memref<80xi32, #tpu.memory_space<vmem>>) target_semaphore(%arg33 : memref<!tpu.dma_semaphore, #tpu.memory_space<semaphore_mem>>)
    %dma_wait3A_73 = arith.constant 0 : i32
    %dma_wait3A_74 = arith.constant 0 : i32
    %dma_wait3A_75 = tpu.memref_slice %arg2[%dma_wait3A_73, %dma_wait3A_74] : memref<10000x128xf32, #tpu.memory_space<hbm>> -> memref<10000x128xf32, #tpu.memory_space<hbm>>
    tpu.wait_indirect_dma semaphore(%arg19 : memref<!tpu.dma_semaphore, #tpu.memory_space<semaphore_mem>>) src(%dma_wait3A_75 : memref<10000x128xf32, #tpu.memory_space<hbm>>) dst(%arg6 : memref<80x128xf32, #tpu.memory_space<vmem>>)
    %min3A_76 = arith.constant 4 : i32
    %min3A_77 = arith.constant 124 : i32
    %min3A_78 = arith.minsi %min3A_76, %min3A_77 : i32
    %mul3A_79 = arith.constant 80 : i32
    %mul3A_80 = arith.muli %min3A_78, %mul3A_79 : i32
    %add3A_81 = arith.addi %mul3A_2, %mul3A_80 : i32
    %dma_start3A_82 = tpu.memref_slice %arg3[%add3A_81] : memref<640000xi32, #tpu.memory_space<hbm>> -> memref<80xi32, #tpu.memory_space<hbm>>
    %dma_start3A_83 = tpu.memref_slice %arg3[%add3A_81] : memref<640000xi32, #tpu.memory_space<hbm>> -> memref<80xi32, #tpu.memory_space<hbm>>
    tpu.enqueue_dma source(%dma_start3A_83 : memref<80xi32, #tpu.memory_space<hbm>>) target(%arg10 : memref<80xi32, #tpu.memory_space<vmem>>) target_semaphore(%arg27 : memref<!tpu.dma_semaphore, #tpu.memory_space<semaphore_mem>>)
    %dma_wait3A_84 = arith.constant 0 : i32
    %dma_wait3A_85 = tpu.memref_slice %arg3[%dma_wait3A_84] : memref<640000xi32, #tpu.memory_space<hbm>> -> memref<80xi32, #tpu.memory_space<hbm>>
    %dma_wait3A_86 = arith.constant 0 : i32
    %dma_wait3A_87 = tpu.memref_slice %arg3[%dma_wait3A_86] : memref<640000xi32, #tpu.memory_space<hbm>> -> memref<80xi32, #tpu.memory_space<hbm>>
    tpu.wait_dma2 semaphore(%arg31 : memref<!tpu.dma_semaphore, #tpu.memory_space<semaphore_mem>>) src(%dma_wait3A_87 : memref<80xi32, #tpu.memory_space<hbm>>) dst(%arg14 : memref<80xi32, #tpu.memory_space<vmem>>)
    %dma_start3A_88 = arith.constant 0 : i32
    %dma_start3A_89 = arith.constant 0 : i32
    %dma_start3A_90 = tpu.memref_slice %arg18[%dma_start3A_88, %dma_start3A_89] : memref<10112x128xf32, #tpu.memory_space<vmem_shared>> -> memref<10112x128xf32, #tpu.memory_space<vmem_shared>>
    tpu.enqueue_indirect_dma source(%arg6 : memref<80x128xf32, #tpu.memory_space<vmem>>) target(%dma_start3A_90 : memref<10112x128xf32, #tpu.memory_space<vmem_shared>>) offsets(%arg14 : memref<80xi32, #tpu.memory_space<vmem>>) semaphore(%arg23 : memref<!tpu.dma_semaphore, #tpu.memory_space<semaphore_mem>>) {add = true}
    %dma_wait3A_91 = arith.constant 0 : i32
    %dma_wait3A_92 = tpu.memref_slice %arg3[%dma_wait3A_91] : memref<640000xi32, #tpu.memory_space<hbm>> -> memref<80xi32, #tpu.memory_space<hbm>>
    %dma_wait3A_93 = arith.constant 0 : i32
    %dma_wait3A_94 = tpu.memref_slice %arg3[%dma_wait3A_93] : memref<640000xi32, #tpu.memory_space<hbm>> -> memref<80xi32, #tpu.memory_space<hbm>>
    tpu.wait_dma2 semaphore(%arg30 : memref<!tpu.dma_semaphore, #tpu.memory_space<semaphore_mem>>) src(%dma_wait3A_94 : memref<80xi32, #tpu.memory_space<hbm>>) dst(%arg13 : memref<80xi32, #tpu.memory_space<vmem>>)
    %dma_start3A_95 = arith.constant 0 : i32
    %dma_start3A_96 = arith.constant 0 : i32
    %dma_start3A_97 = tpu.memref_slice %arg2[%dma_start3A_95, %dma_start3A_96] : memref<10000x128xf32, #tpu.memory_space<hbm>> -> memref<10000x128xf32, #tpu.memory_space<hbm>>
    tpu.enqueue_indirect_dma source(%dma_start3A_97 : memref<10000x128xf32, #tpu.memory_space<hbm>>) target(%arg9 : memref<80x128xf32, #tpu.memory_space<vmem>>) offsets(%arg13 : memref<80xi32, #tpu.memory_space<vmem>>) semaphore(%arg22 : memref<!tpu.dma_semaphore, #tpu.memory_space<semaphore_mem>>)
    %add3A_98 = arith.constant 320000 : i32
    %add3A_99 = arith.addi %add3A_98, %mul3A_2 : i32
    %add3A_100 = arith.constant 240 : i32
    %add3A_101 = arith.addi %add3A_99, %add3A_100 : i32
    %dma_start3A_102 = tpu.memref_slice %arg3[%add3A_101] : memref<640000xi32, #tpu.memory_space<hbm>> -> memref<80xi32, #tpu.memory_space<hbm>>
    %dma_start3A_103 = tpu.memref_slice %arg3[%add3A_101] : memref<640000xi32, #tpu.memory_space<hbm>> -> memref<80xi32, #tpu.memory_space<hbm>>
    tpu.enqueue_dma source(%dma_start3A_103 : memref<80xi32, #tpu.memory_space<hbm>>) target(%arg17 : memref<80xi32, #tpu.memory_space<vmem>>) target_semaphore(%arg34 : memref<!tpu.dma_semaphore, #tpu.memory_space<semaphore_mem>>)
    %dma_wait3A_104 = arith.constant 0 : i32
    %dma_wait3A_105 = arith.constant 0 : i32
    %dma_wait3A_106 = tpu.memref_slice %arg2[%dma_wait3A_104, %dma_wait3A_105] : memref<10000x128xf32, #tpu.memory_space<hbm>> -> memref<10000x128xf32, #tpu.memory_space<hbm>>
    tpu.wait_indirect_dma semaphore(%arg20 : memref<!tpu.dma_semaphore, #tpu.memory_space<semaphore_mem>>) src(%dma_wait3A_106 : memref<10000x128xf32, #tpu.memory_space<hbm>>) dst(%arg7 : memref<80x128xf32, #tpu.memory_space<vmem>>)
    %min3A_107 = arith.constant 5 : i32
    %min3A_108 = arith.constant 124 : i32
    %min3A_109 = arith.minsi %min3A_107, %min3A_108 : i32
    %mul3A_110 = arith.constant 80 : i32
    %mul3A_111 = arith.muli %min3A_109, %mul3A_110 : i32
    %add3A_112 = arith.addi %mul3A_2, %mul3A_111 : i32
    %dma_start3A_113 = tpu.memref_slice %arg3[%add3A_112] : memref<640000xi32, #tpu.memory_space<hbm>> -> memref<80xi32, #tpu.memory_space<hbm>>
    %dma_start3A_114 = tpu.memref_slice %arg3[%add3A_112] : memref<640000xi32, #tpu.memory_space<hbm>> -> memref<80xi32, #tpu.memory_space<hbm>>
    tpu.enqueue_dma source(%dma_start3A_114 : memref<80xi32, #tpu.memory_space<hbm>>) target(%arg11 : memref<80xi32, #tpu.memory_space<vmem>>) target_semaphore(%arg28 : memref<!tpu.dma_semaphore, #tpu.memory_space<semaphore_mem>>)
    %dma_wait3A_115 = arith.constant 0 : i32
    %dma_wait3A_116 = tpu.memref_slice %arg3[%dma_wait3A_115] : memref<640000xi32, #tpu.memory_space<hbm>> -> memref<80xi32, #tpu.memory_space<hbm>>
    %dma_wait3A_117 = arith.constant 0 : i32
    %dma_wait3A_118 = tpu.memref_slice %arg3[%dma_wait3A_117] : memref<640000xi32, #tpu.memory_space<hbm>> -> memref<80xi32, #tpu.memory_space<hbm>>
    tpu.wait_dma2 semaphore(%arg32 : memref<!tpu.dma_semaphore, #tpu.memory_space<semaphore_mem>>) src(%dma_wait3A_118 : memref<80xi32, #tpu.memory_space<hbm>>) dst(%arg15 : memref<80xi32, #tpu.memory_space<vmem>>)
    %dma_start3A_119 = arith.constant 0 : i32
    %dma_start3A_120 = arith.constant 0 : i32
    %dma_start3A_121 = tpu.memref_slice %arg18[%dma_start3A_119, %dma_start3A_120] : memref<10112x128xf32, #tpu.memory_space<vmem_shared>> -> memref<10112x128xf32, #tpu.memory_space<vmem_shared>>
    tpu.enqueue_indirect_dma source(%arg7 : memref<80x128xf32, #tpu.memory_space<vmem>>) target(%dma_start3A_121 : memref<10112x128xf32, #tpu.memory_space<vmem_shared>>) offsets(%arg15 : memref<80xi32, #tpu.memory_space<vmem>>) semaphore(%arg24 : memref<!tpu.dma_semaphore, #tpu.memory_space<semaphore_mem>>) {add = true}
    %scan3A = arith.constant 0 : i32
    %scan3A_122 = arith.constant 30 : i32
    %scan3A_123 = arith.addi %scan3A, %scan3A_122 : i32
    %scan3A_124 = arith.constant 1 : i32
    scf.for %scan3A_193 = %scan3A to %scan3A_123 step %scan3A_124  : i32 {
      %mul3A_194 = arith.constant 4 : i32
      %mul3A_195 = arith.muli %scan3A_193, %mul3A_194 : i32
      %add3A_196 = arith.constant 2 : i32
      %add3A_197 = arith.addi %add3A_196, %mul3A_195 : i32
      %dma_wait3A_198 = arith.constant 0 : i32
      %dma_wait3A_199 = arith.constant 0 : i32
      %dma_wait3A_200 = tpu.memref_slice %arg18[%dma_wait3A_198, %dma_wait3A_199] : memref<10112x128xf32, #tpu.memory_space<vmem_shared>> -> memref<10112x128xf32, #tpu.memory_space<vmem_shared>>
      tpu.wait_indirect_dma semaphore(%arg23 : memref<!tpu.dma_semaphore, #tpu.memory_space<semaphore_mem>>) src(%arg6 : memref<80x128xf32, #tpu.memory_space<vmem>>) dst(%dma_wait3A_200 : memref<10112x128xf32, #tpu.memory_space<vmem_shared>>)
      %dma_wait3A_201 = arith.constant 0 : i32
      %dma_wait3A_202 = tpu.memref_slice %arg3[%dma_wait3A_201] : memref<640000xi32, #tpu.memory_space<hbm>> -> memref<80xi32, #tpu.memory_space<hbm>>
      %dma_wait3A_203 = arith.constant 0 : i32
      %dma_wait3A_204 = tpu.memref_slice %arg3[%dma_wait3A_203] : memref<640000xi32, #tpu.memory_space<hbm>> -> memref<80xi32, #tpu.memory_space<hbm>>
      tpu.wait_dma2 semaphore(%arg27 : memref<!tpu.dma_semaphore, #tpu.memory_space<semaphore_mem>>) src(%dma_wait3A_204 : memref<80xi32, #tpu.memory_space<hbm>>) dst(%arg10 : memref<80xi32, #tpu.memory_space<vmem>>)
      %dma_start3A_205 = arith.constant 0 : i32
      %dma_start3A_206 = arith.constant 0 : i32
      %dma_start3A_207 = tpu.memref_slice %arg2[%dma_start3A_205, %dma_start3A_206] : memref<10000x128xf32, #tpu.memory_space<hbm>> -> memref<10000x128xf32, #tpu.memory_space<hbm>>
      tpu.enqueue_indirect_dma source(%dma_start3A_207 : memref<10000x128xf32, #tpu.memory_space<hbm>>) target(%arg6 : memref<80x128xf32, #tpu.memory_space<vmem>>) offsets(%arg10 : memref<80xi32, #tpu.memory_space<vmem>>) semaphore(%arg19 : memref<!tpu.dma_semaphore, #tpu.memory_space<semaphore_mem>>)
      %add3A_208 = arith.constant 2 : i32
      %add3A_209 = arith.addi %add3A_197, %add3A_208 : i32
      %add3A_210 = arith.constant 320000 : i32
      %add3A_211 = arith.addi %add3A_210, %mul3A_2 : i32
      %mul3A_212 = arith.constant 80 : i32
      %mul3A_213 = arith.muli %add3A_209, %mul3A_212 : i32
      %add3A_214 = arith.addi %add3A_211, %mul3A_213 : i32
      %dma_start3A_215 = tpu.memref_slice %arg3[%add3A_214] : memref<640000xi32, #tpu.memory_space<hbm>> -> memref<80xi32, #tpu.memory_space<hbm>>
      %dma_start3A_216 = tpu.memref_slice %arg3[%add3A_214] : memref<640000xi32, #tpu.memory_space<hbm>> -> memref<80xi32, #tpu.memory_space<hbm>>
      tpu.enqueue_dma source(%dma_start3A_216 : memref<80xi32, #tpu.memory_space<hbm>>) target(%arg14 : memref<80xi32, #tpu.memory_space<vmem>>) target_semaphore(%arg31 : memref<!tpu.dma_semaphore, #tpu.memory_space<semaphore_mem>>)
      %dma_wait3A_217 = arith.constant 0 : i32
      %dma_wait3A_218 = arith.constant 0 : i32
      %dma_wait3A_219 = tpu.memref_slice %arg2[%dma_wait3A_217, %dma_wait3A_218] : memref<10000x128xf32, #tpu.memory_space<hbm>> -> memref<10000x128xf32, #tpu.memory_space<hbm>>
      tpu.wait_indirect_dma semaphore(%arg21 : memref<!tpu.dma_semaphore, #tpu.memory_space<semaphore_mem>>) src(%dma_wait3A_219 : memref<10000x128xf32, #tpu.memory_space<hbm>>) dst(%arg8 : memref<80x128xf32, #tpu.memory_space<vmem>>)
      %add3A_220 = arith.constant 4 : i32
      %add3A_221 = arith.addi %add3A_197, %add3A_220 : i32
      %min3A_222 = arith.constant 124 : i32
      %min3A_223 = arith.minsi %add3A_221, %min3A_222 : i32
      %mul3A_224 = arith.constant 80 : i32
      %mul3A_225 = arith.muli %min3A_223, %mul3A_224 : i32
      %add3A_226 = arith.addi %mul3A_2, %mul3A_225 : i32
      %dma_start3A_227 = tpu.memref_slice %arg3[%add3A_226] : memref<640000xi32, #tpu.memory_space<hbm>> -> memref<80xi32, #tpu.memory_space<hbm>>
      %dma_start3A_228 = tpu.memref_slice %arg3[%add3A_226] : memref<640000xi32, #tpu.memory_space<hbm>> -> memref<80xi32, #tpu.memory_space<hbm>>
      tpu.enqueue_dma source(%dma_start3A_228 : memref<80xi32, #tpu.memory_space<hbm>>) target(%arg12 : memref<80xi32, #tpu.memory_space<vmem>>) target_semaphore(%arg29 : memref<!tpu.dma_semaphore, #tpu.memory_space<semaphore_mem>>)
      %dma_wait3A_229 = arith.constant 0 : i32
      %dma_wait3A_230 = tpu.memref_slice %arg3[%dma_wait3A_229] : memref<640000xi32, #tpu.memory_space<hbm>> -> memref<80xi32, #tpu.memory_space<hbm>>
      %dma_wait3A_231 = arith.constant 0 : i32
      %dma_wait3A_232 = tpu.memref_slice %arg3[%dma_wait3A_231] : memref<640000xi32, #tpu.memory_space<hbm>> -> memref<80xi32, #tpu.memory_space<hbm>>
      tpu.wait_dma2 semaphore(%arg33 : memref<!tpu.dma_semaphore, #tpu.memory_space<semaphore_mem>>) src(%dma_wait3A_232 : memref<80xi32, #tpu.memory_space<hbm>>) dst(%arg16 : memref<80xi32, #tpu.memory_space<vmem>>)
      %dma_start3A_233 = arith.constant 0 : i32
      %dma_start3A_234 = arith.constant 0 : i32
      %dma_start3A_235 = tpu.memref_slice %arg18[%dma_start3A_233, %dma_start3A_234] : memref<10112x128xf32, #tpu.memory_space<vmem_shared>> -> memref<10112x128xf32, #tpu.memory_space<vmem_shared>>
      tpu.enqueue_indirect_dma source(%arg8 : memref<80x128xf32, #tpu.memory_space<vmem>>) target(%dma_start3A_235 : memref<10112x128xf32, #tpu.memory_space<vmem_shared>>) offsets(%arg16 : memref<80xi32, #tpu.memory_space<vmem>>) semaphore(%arg25 : memref<!tpu.dma_semaphore, #tpu.memory_space<semaphore_mem>>) {add = true}
      %add3A_236 = arith.constant 1 : i32
      %add3A_237 = arith.addi %add3A_197, %add3A_236 : i32
      %dma_wait3A_238 = arith.constant 0 : i32
      %dma_wait3A_239 = arith.constant 0 : i32
      %dma_wait3A_240 = tpu.memref_slice %arg18[%dma_wait3A_238, %dma_wait3A_239] : memref<10112x128xf32, #tpu.memory_space<vmem_shared>> -> memref<10112x128xf32, #tpu.memory_space<vmem_shared>>
      tpu.wait_indirect_dma semaphore(%arg24 : memref<!tpu.dma_semaphore, #tpu.memory_space<semaphore_mem>>) src(%arg7 : memref<80x128xf32, #tpu.memory_space<vmem>>) dst(%dma_wait3A_240 : memref<10112x128xf32, #tpu.memory_space<vmem_shared>>)
      %dma_wait3A_241 = arith.constant 0 : i32
      %dma_wait3A_242 = tpu.memref_slice %arg3[%dma_wait3A_241] : memref<640000xi32, #tpu.memory_space<hbm>> -> memref<80xi32, #tpu.memory_space<hbm>>
      %dma_wait3A_243 = arith.constant 0 : i32
      %dma_wait3A_244 = tpu.memref_slice %arg3[%dma_wait3A_243] : memref<640000xi32, #tpu.memory_space<hbm>> -> memref<80xi32, #tpu.memory_space<hbm>>
      tpu.wait_dma2 semaphore(%arg28 : memref<!tpu.dma_semaphore, #tpu.memory_space<semaphore_mem>>) src(%dma_wait3A_244 : memref<80xi32, #tpu.memory_space<hbm>>) dst(%arg11 : memref<80xi32, #tpu.memory_space<vmem>>)
      %dma_start3A_245 = arith.constant 0 : i32
      %dma_start3A_246 = arith.constant 0 : i32
      %dma_start3A_247 = tpu.memref_slice %arg2[%dma_start3A_245, %dma_start3A_246] : memref<10000x128xf32, #tpu.memory_space<hbm>> -> memref<10000x128xf32, #tpu.memory_space<hbm>>
      tpu.enqueue_indirect_dma source(%dma_start3A_247 : memref<10000x128xf32, #tpu.memory_space<hbm>>) target(%arg7 : memref<80x128xf32, #tpu.memory_space<vmem>>) offsets(%arg11 : memref<80xi32, #tpu.memory_space<vmem>>) semaphore(%arg20 : memref<!tpu.dma_semaphore, #tpu.memory_space<semaphore_mem>>)
      %add3A_248 = arith.constant 2 : i32
      %add3A_249 = arith.addi %add3A_237, %add3A_248 : i32
      %add3A_250 = arith.constant 320000 : i32
      %add3A_251 = arith.addi %add3A_250, %mul3A_2 : i32
      %mul3A_252 = arith.constant 80 : i32
      %mul3A_253 = arith.muli %add3A_249, %mul3A_252 : i32
      %add3A_254 = arith.addi %add3A_251, %mul3A_253 : i32
      %dma_start3A_255 = tpu.memref_slice %arg3[%add3A_254] : memref<640000xi32, #tpu.memory_space<hbm>> -> memref<80xi32, #tpu.memory_space<hbm>>
      %dma_start3A_256 = tpu.memref_slice %arg3[%add3A_254] : memref<640000xi32, #tpu.memory_space<hbm>> -> memref<80xi32, #tpu.memory_space<hbm>>
      tpu.enqueue_dma source(%dma_start3A_256 : memref<80xi32, #tpu.memory_space<hbm>>) target(%arg15 : memref<80xi32, #tpu.memory_space<vmem>>) target_semaphore(%arg32 : memref<!tpu.dma_semaphore, #tpu.memory_space<semaphore_mem>>)
      %dma_wait3A_257 = arith.constant 0 : i32
      %dma_wait3A_258 = arith.constant 0 : i32
      %dma_wait3A_259 = tpu.memref_slice %arg2[%dma_wait3A_257, %dma_wait3A_258] : memref<10000x128xf32, #tpu.memory_space<hbm>> -> memref<10000x128xf32, #tpu.memory_space<hbm>>
      tpu.wait_indirect_dma semaphore(%arg22 : memref<!tpu.dma_semaphore, #tpu.memory_space<semaphore_mem>>) src(%dma_wait3A_259 : memref<10000x128xf32, #tpu.memory_space<hbm>>) dst(%arg9 : memref<80x128xf32, #tpu.memory_space<vmem>>)
      %add3A_260 = arith.constant 4 : i32
      %add3A_261 = arith.addi %add3A_237, %add3A_260 : i32
      %min3A_262 = arith.constant 124 : i32
      %min3A_263 = arith.minsi %add3A_261, %min3A_262 : i32
      %mul3A_264 = arith.constant 80 : i32
      %mul3A_265 = arith.muli %min3A_263, %mul3A_264 : i32
      %add3A_266 = arith.addi %mul3A_2, %mul3A_265 : i32
      %dma_start3A_267 = tpu.memref_slice %arg3[%add3A_266] : memref<640000xi32, #tpu.memory_space<hbm>> -> memref<80xi32, #tpu.memory_space<hbm>>
      %dma_start3A_268 = tpu.memref_slice %arg3[%add3A_266] : memref<640000xi32, #tpu.memory_space<hbm>> -> memref<80xi32, #tpu.memory_space<hbm>>
      tpu.enqueue_dma source(%dma_start3A_268 : memref<80xi32, #tpu.memory_space<hbm>>) target(%arg13 : memref<80xi32, #tpu.memory_space<vmem>>) target_semaphore(%arg30 : memref<!tpu.dma_semaphore, #tpu.memory_space<semaphore_mem>>)
      %dma_wait3A_269 = arith.constant 0 : i32
      %dma_wait3A_270 = tpu.memref_slice %arg3[%dma_wait3A_269] : memref<640000xi32, #tpu.memory_space<hbm>> -> memref<80xi32, #tpu.memory_space<hbm>>
      %dma_wait3A_271 = arith.constant 0 : i32
      %dma_wait3A_272 = tpu.memref_slice %arg3[%dma_wait3A_271] : memref<640000xi32, #tpu.memory_space<hbm>> -> memref<80xi32, #tpu.memory_space<hbm>>
      tpu.wait_dma2 semaphore(%arg34 : memref<!tpu.dma_semaphore, #tpu.memory_space<semaphore_mem>>) src(%dma_wait3A_272 : memref<80xi32, #tpu.memory_space<hbm>>) dst(%arg17 : memref<80xi32, #tpu.memory_space<vmem>>)
      %dma_start3A_273 = arith.constant 0 : i32
      %dma_start3A_274 = arith.constant 0 : i32
      %dma_start3A_275 = tpu.memref_slice %arg18[%dma_start3A_273, %dma_start3A_274] : memref<10112x128xf32, #tpu.memory_space<vmem_shared>> -> memref<10112x128xf32, #tpu.memory_space<vmem_shared>>
      tpu.enqueue_indirect_dma source(%arg9 : memref<80x128xf32, #tpu.memory_space<vmem>>) target(%dma_start3A_275 : memref<10112x128xf32, #tpu.memory_space<vmem_shared>>) offsets(%arg17 : memref<80xi32, #tpu.memory_space<vmem>>) semaphore(%arg26 : memref<!tpu.dma_semaphore, #tpu.memory_space<semaphore_mem>>) {add = true}
      %add3A_276 = arith.constant 2 : i32
      %add3A_277 = arith.addi %add3A_197, %add3A_276 : i32
      %dma_wait3A_278 = arith.constant 0 : i32
      %dma_wait3A_279 = arith.constant 0 : i32
      %dma_wait3A_280 = tpu.memref_slice %arg18[%dma_wait3A_278, %dma_wait3A_279] : memref<10112x128xf32, #tpu.memory_space<vmem_shared>> -> memref<10112x128xf32, #tpu.memory_space<vmem_shared>>
      tpu.wait_indirect_dma semaphore(%arg25 : memref<!tpu.dma_semaphore, #tpu.memory_space<semaphore_mem>>) src(%arg8 : memref<80x128xf32, #tpu.memory_space<vmem>>) dst(%dma_wait3A_280 : memref<10112x128xf32, #tpu.memory_space<vmem_shared>>)
      %dma_wait3A_281 = arith.constant 0 : i32
      %dma_wait3A_282 = tpu.memref_slice %arg3[%dma_wait3A_281] : memref<640000xi32, #tpu.memory_space<hbm>> -> memref<80xi32, #tpu.memory_space<hbm>>
      %dma_wait3A_283 = arith.constant 0 : i32
      %dma_wait3A_284 = tpu.memref_slice %arg3[%dma_wait3A_283] : memref<640000xi32, #tpu.memory_space<hbm>> -> memref<80xi32, #tpu.memory_space<hbm>>
      tpu.wait_dma2 semaphore(%arg29 : memref<!tpu.dma_semaphore, #tpu.memory_space<semaphore_mem>>) src(%dma_wait3A_284 : memref<80xi32, #tpu.memory_space<hbm>>) dst(%arg12 : memref<80xi32, #tpu.memory_space<vmem>>)
      %dma_start3A_285 = arith.constant 0 : i32
      %dma_start3A_286 = arith.constant 0 : i32
      %dma_start3A_287 = tpu.memref_slice %arg2[%dma_start3A_285, %dma_start3A_286] : memref<10000x128xf32, #tpu.memory_space<hbm>> -> memref<10000x128xf32, #tpu.memory_space<hbm>>
      tpu.enqueue_indirect_dma source(%dma_start3A_287 : memref<10000x128xf32, #tpu.memory_space<hbm>>) target(%arg8 : memref<80x128xf32, #tpu.memory_space<vmem>>) offsets(%arg12 : memref<80xi32, #tpu.memory_space<vmem>>) semaphore(%arg21 : memref<!tpu.dma_semaphore, #tpu.memory_space<semaphore_mem>>)
      %add3A_288 = arith.constant 2 : i32
      %add3A_289 = arith.addi %add3A_277, %add3A_288 : i32
      %add3A_290 = arith.constant 320000 : i32
      %add3A_291 = arith.addi %add3A_290, %mul3A_2 : i32
      %mul3A_292 = arith.constant 80 : i32
      %mul3A_293 = arith.muli %add3A_289, %mul3A_292 : i32
      %add3A_294 = arith.addi %add3A_291, %mul3A_293 : i32
      %dma_start3A_295 = tpu.memref_slice %arg3[%add3A_294] : memref<640000xi32, #tpu.memory_space<hbm>> -> memref<80xi32, #tpu.memory_space<hbm>>
      %dma_start3A_296 = tpu.memref_slice %arg3[%add3A_294] : memref<640000xi32, #tpu.memory_space<hbm>> -> memref<80xi32, #tpu.memory_space<hbm>>
      tpu.enqueue_dma source(%dma_start3A_296 : memref<80xi32, #tpu.memory_space<hbm>>) target(%arg16 : memref<80xi32, #tpu.memory_space<vmem>>) target_semaphore(%arg33 : memref<!tpu.dma_semaphore, #tpu.memory_space<semaphore_mem>>)
      %dma_wait3A_297 = arith.constant 0 : i32
      %dma_wait3A_298 = arith.constant 0 : i32
      %dma_wait3A_299 = tpu.memref_slice %arg2[%dma_wait3A_297, %dma_wait3A_298] : memref<10000x128xf32, #tpu.memory_space<hbm>> -> memref<10000x128xf32, #tpu.memory_space<hbm>>
      tpu.wait_indirect_dma semaphore(%arg19 : memref<!tpu.dma_semaphore, #tpu.memory_space<semaphore_mem>>) src(%dma_wait3A_299 : memref<10000x128xf32, #tpu.memory_space<hbm>>) dst(%arg6 : memref<80x128xf32, #tpu.memory_space<vmem>>)
      %add3A_300 = arith.constant 4 : i32
      %add3A_301 = arith.addi %add3A_277, %add3A_300 : i32
      %min3A_302 = arith.constant 124 : i32
      %min3A_303 = arith.minsi %add3A_301, %min3A_302 : i32
      %mul3A_304 = arith.constant 80 : i32
      %mul3A_305 = arith.muli %min3A_303, %mul3A_304 : i32
      %add3A_306 = arith.addi %mul3A_2, %mul3A_305 : i32
      %dma_start3A_307 = tpu.memref_slice %arg3[%add3A_306] : memref<640000xi32, #tpu.memory_space<hbm>> -> memref<80xi32, #tpu.memory_space<hbm>>
      %dma_start3A_308 = tpu.memref_slice %arg3[%add3A_306] : memref<640000xi32, #tpu.memory_space<hbm>> -> memref<80xi32, #tpu.memory_space<hbm>>
      tpu.enqueue_dma source(%dma_start3A_308 : memref<80xi32, #tpu.memory_space<hbm>>) target(%arg10 : memref<80xi32, #tpu.memory_space<vmem>>) target_semaphore(%arg27 : memref<!tpu.dma_semaphore, #tpu.memory_space<semaphore_mem>>)
      %dma_wait3A_309 = arith.constant 0 : i32
      %dma_wait3A_310 = tpu.memref_slice %arg3[%dma_wait3A_309] : memref<640000xi32, #tpu.memory_space<hbm>> -> memref<80xi32, #tpu.memory_space<hbm>>
      %dma_wait3A_311 = arith.constant 0 : i32
      %dma_wait3A_312 = tpu.memref_slice %arg3[%dma_wait3A_311] : memref<640000xi32, #tpu.memory_space<hbm>> -> memref<80xi32, #tpu.memory_space<hbm>>
      tpu.wait_dma2 semaphore(%arg31 : memref<!tpu.dma_semaphore, #tpu.memory_space<semaphore_mem>>) src(%dma_wait3A_312 : memref<80xi32, #tpu.memory_space<hbm>>) dst(%arg14 : memref<80xi32, #tpu.memory_space<vmem>>)
      %dma_start3A_313 = arith.constant 0 : i32
      %dma_start3A_314 = arith.constant 0 : i32
      %dma_start3A_315 = tpu.memref_slice %arg18[%dma_start3A_313, %dma_start3A_314] : memref<10112x128xf32, #tpu.memory_space<vmem_shared>> -> memref<10112x128xf32, #tpu.memory_space<vmem_shared>>
      tpu.enqueue_indirect_dma source(%arg6 : memref<80x128xf32, #tpu.memory_space<vmem>>) target(%dma_start3A_315 : memref<10112x128xf32, #tpu.memory_space<vmem_shared>>) offsets(%arg14 : memref<80xi32, #tpu.memory_space<vmem>>) semaphore(%arg23 : memref<!tpu.dma_semaphore, #tpu.memory_space<semaphore_mem>>) {add = true}
      %add3A_316 = arith.constant 3 : i32
      %add3A_317 = arith.addi %add3A_197, %add3A_316 : i32
      %dma_wait3A_318 = arith.constant 0 : i32
      %dma_wait3A_319 = arith.constant 0 : i32
      %dma_wait3A_320 = tpu.memref_slice %arg18[%dma_wait3A_318, %dma_wait3A_319] : memref<10112x128xf32, #tpu.memory_space<vmem_shared>> -> memref<10112x128xf32, #tpu.memory_space<vmem_shared>>
      tpu.wait_indirect_dma semaphore(%arg26 : memref<!tpu.dma_semaphore, #tpu.memory_space<semaphore_mem>>) src(%arg9 : memref<80x128xf32, #tpu.memory_space<vmem>>) dst(%dma_wait3A_320 : memref<10112x128xf32, #tpu.memory_space<vmem_shared>>)
      %dma_wait3A_321 = arith.constant 0 : i32
      %dma_wait3A_322 = tpu.memref_slice %arg3[%dma_wait3A_321] : memref<640000xi32, #tpu.memory_space<hbm>> -> memref<80xi32, #tpu.memory_space<hbm>>
      %dma_wait3A_323 = arith.constant 0 : i32
      %dma_wait3A_324 = tpu.memref_slice %arg3[%dma_wait3A_323] : memref<640000xi32, #tpu.memory_space<hbm>> -> memref<80xi32, #tpu.memory_space<hbm>>
      tpu.wait_dma2 semaphore(%arg30 : memref<!tpu.dma_semaphore, #tpu.memory_space<semaphore_mem>>) src(%dma_wait3A_324 : memref<80xi32, #tpu.memory_space<hbm>>) dst(%arg13 : memref<80xi32, #tpu.memory_space<vmem>>)
      %dma_start3A_325 = arith.constant 0 : i32
      %dma_start3A_326 = arith.constant 0 : i32
      %dma_start3A_327 = tpu.memref_slice %arg2[%dma_start3A_325, %dma_start3A_326] : memref<10000x128xf32, #tpu.memory_space<hbm>> -> memref<10000x128xf32, #tpu.memory_space<hbm>>
      tpu.enqueue_indirect_dma source(%dma_start3A_327 : memref<10000x128xf32, #tpu.memory_space<hbm>>) target(%arg9 : memref<80x128xf32, #tpu.memory_space<vmem>>) offsets(%arg13 : memref<80xi32, #tpu.memory_space<vmem>>) semaphore(%arg22 : memref<!tpu.dma_semaphore, #tpu.memory_space<semaphore_mem>>)
      %add3A_328 = arith.constant 2 : i32
      %add3A_329 = arith.addi %add3A_317, %add3A_328 : i32
      %add3A_330 = arith.constant 320000 : i32
      %add3A_331 = arith.addi %add3A_330, %mul3A_2 : i32
      %mul3A_332 = arith.constant 80 : i32
      %mul3A_333 = arith.muli %add3A_329, %mul3A_332 : i32
      %add3A_334 = arith.addi %add3A_331, %mul3A_333 : i32
      %dma_start3A_335 = tpu.memref_slice %arg3[%add3A_334] : memref<640000xi32, #tpu.memory_space<hbm>> -> memref<80xi32, #tpu.memory_space<hbm>>
      %dma_start3A_336 = tpu.memref_slice %arg3[%add3A_334] : memref<640000xi32, #tpu.memory_space<hbm>> -> memref<80xi32, #tpu.memory_space<hbm>>
      tpu.enqueue_dma source(%dma_start3A_336 : memref<80xi32, #tpu.memory_space<hbm>>) target(%arg17 : memref<80xi32, #tpu.memory_space<vmem>>) target_semaphore(%arg34 : memref<!tpu.dma_semaphore, #tpu.memory_space<semaphore_mem>>)
      %dma_wait3A_337 = arith.constant 0 : i32
      %dma_wait3A_338 = arith.constant 0 : i32
      %dma_wait3A_339 = tpu.memref_slice %arg2[%dma_wait3A_337, %dma_wait3A_338] : memref<10000x128xf32, #tpu.memory_space<hbm>> -> memref<10000x128xf32, #tpu.memory_space<hbm>>
      tpu.wait_indirect_dma semaphore(%arg20 : memref<!tpu.dma_semaphore, #tpu.memory_space<semaphore_mem>>) src(%dma_wait3A_339 : memref<10000x128xf32, #tpu.memory_space<hbm>>) dst(%arg7 : memref<80x128xf32, #tpu.memory_space<vmem>>)
      %add3A_340 = arith.constant 4 : i32
      %add3A_341 = arith.addi %add3A_317, %add3A_340 : i32
      %min3A_342 = arith.constant 124 : i32
      %min3A_343 = arith.minsi %add3A_341, %min3A_342 : i32
      %mul3A_344 = arith.constant 80 : i32
      %mul3A_345 = arith.muli %min3A_343, %mul3A_344 : i32
      %add3A_346 = arith.addi %mul3A_2, %mul3A_345 : i32
      %dma_start3A_347 = tpu.memref_slice %arg3[%add3A_346] : memref<640000xi32, #tpu.memory_space<hbm>> -> memref<80xi32, #tpu.memory_space<hbm>>
      %dma_start3A_348 = tpu.memref_slice %arg3[%add3A_346] : memref<640000xi32, #tpu.memory_space<hbm>> -> memref<80xi32, #tpu.memory_space<hbm>>
      tpu.enqueue_dma source(%dma_start3A_348 : memref<80xi32, #tpu.memory_space<hbm>>) target(%arg11 : memref<80xi32, #tpu.memory_space<vmem>>) target_semaphore(%arg28 : memref<!tpu.dma_semaphore, #tpu.memory_space<semaphore_mem>>)
      %dma_wait3A_349 = arith.constant 0 : i32
      %dma_wait3A_350 = tpu.memref_slice %arg3[%dma_wait3A_349] : memref<640000xi32, #tpu.memory_space<hbm>> -> memref<80xi32, #tpu.memory_space<hbm>>
      %dma_wait3A_351 = arith.constant 0 : i32
      %dma_wait3A_352 = tpu.memref_slice %arg3[%dma_wait3A_351] : memref<640000xi32, #tpu.memory_space<hbm>> -> memref<80xi32, #tpu.memory_space<hbm>>
      tpu.wait_dma2 semaphore(%arg32 : memref<!tpu.dma_semaphore, #tpu.memory_space<semaphore_mem>>) src(%dma_wait3A_352 : memref<80xi32, #tpu.memory_space<hbm>>) dst(%arg15 : memref<80xi32, #tpu.memory_space<vmem>>)
      %dma_start3A_353 = arith.constant 0 : i32
      %dma_start3A_354 = arith.constant 0 : i32
      %dma_start3A_355 = tpu.memref_slice %arg18[%dma_start3A_353, %dma_start3A_354] : memref<10112x128xf32, #tpu.memory_space<vmem_shared>> -> memref<10112x128xf32, #tpu.memory_space<vmem_shared>>
      tpu.enqueue_indirect_dma source(%arg7 : memref<80x128xf32, #tpu.memory_space<vmem>>) target(%dma_start3A_355 : memref<10112x128xf32, #tpu.memory_space<vmem_shared>>) offsets(%arg15 : memref<80xi32, #tpu.memory_space<vmem>>) semaphore(%arg24 : memref<!tpu.dma_semaphore, #tpu.memory_space<semaphore_mem>>) {add = true}
    }
    %scan3A_125 = arith.constant 30 : i32
    %dma_wait3A_126 = arith.constant 0 : i32
    %dma_wait3A_127 = arith.constant 0 : i32
    %dma_wait3A_128 = tpu.memref_slice %arg18[%dma_wait3A_126, %dma_wait3A_127] : memref<10112x128xf32, #tpu.memory_space<vmem_shared>> -> memref<10112x128xf32, #tpu.memory_space<vmem_shared>>
    tpu.wait_indirect_dma semaphore(%arg23 : memref<!tpu.dma_semaphore, #tpu.memory_space<semaphore_mem>>) src(%arg6 : memref<80x128xf32, #tpu.memory_space<vmem>>) dst(%dma_wait3A_128 : memref<10112x128xf32, #tpu.memory_space<vmem_shared>>)
    %dma_wait3A_129 = arith.constant 0 : i32
    %dma_wait3A_130 = tpu.memref_slice %arg3[%dma_wait3A_129] : memref<640000xi32, #tpu.memory_space<hbm>> -> memref<80xi32, #tpu.memory_space<hbm>>
    %dma_wait3A_131 = arith.constant 0 : i32
    %dma_wait3A_132 = tpu.memref_slice %arg3[%dma_wait3A_131] : memref<640000xi32, #tpu.memory_space<hbm>> -> memref<80xi32, #tpu.memory_space<hbm>>
    tpu.wait_dma2 semaphore(%arg27 : memref<!tpu.dma_semaphore, #tpu.memory_space<semaphore_mem>>) src(%dma_wait3A_132 : memref<80xi32, #tpu.memory_space<hbm>>) dst(%arg10 : memref<80xi32, #tpu.memory_space<vmem>>)
    %dma_start3A_133 = arith.constant 0 : i32
    %dma_start3A_134 = arith.constant 0 : i32
    %dma_start3A_135 = tpu.memref_slice %arg2[%dma_start3A_133, %dma_start3A_134] : memref<10000x128xf32, #tpu.memory_space<hbm>> -> memref<10000x128xf32, #tpu.memory_space<hbm>>
    tpu.enqueue_indirect_dma source(%dma_start3A_135 : memref<10000x128xf32, #tpu.memory_space<hbm>>) target(%arg6 : memref<80x128xf32, #tpu.memory_space<vmem>>) offsets(%arg10 : memref<80xi32, #tpu.memory_space<vmem>>) semaphore(%arg19 : memref<!tpu.dma_semaphore, #tpu.memory_space<semaphore_mem>>)
    %add3A_136 = arith.constant 320000 : i32
    %add3A_137 = arith.addi %add3A_136, %mul3A_2 : i32
    %add3A_138 = arith.constant 9920 : i32
    %add3A_139 = arith.addi %add3A_137, %add3A_138 : i32
    %dma_start3A_140 = tpu.memref_slice %arg3[%add3A_139] : memref<640000xi32, #tpu.memory_space<hbm>> -> memref<80xi32, #tpu.memory_space<hbm>>
    %dma_start3A_141 = tpu.memref_slice %arg3[%add3A_139] : memref<640000xi32, #tpu.memory_space<hbm>> -> memref<80xi32, #tpu.memory_space<hbm>>
    tpu.enqueue_dma source(%dma_start3A_141 : memref<80xi32, #tpu.memory_space<hbm>>) target(%arg14 : memref<80xi32, #tpu.memory_space<vmem>>) target_semaphore(%arg31 : memref<!tpu.dma_semaphore, #tpu.memory_space<semaphore_mem>>)
    %dma_wait3A_142 = arith.constant 0 : i32
    %dma_wait3A_143 = arith.constant 0 : i32
    %dma_wait3A_144 = tpu.memref_slice %arg2[%dma_wait3A_142, %dma_wait3A_143] : memref<10000x128xf32, #tpu.memory_space<hbm>> -> memref<10000x128xf32, #tpu.memory_space<hbm>>
    tpu.wait_indirect_dma semaphore(%arg21 : memref<!tpu.dma_semaphore, #tpu.memory_space<semaphore_mem>>) src(%dma_wait3A_144 : memref<10000x128xf32, #tpu.memory_space<hbm>>) dst(%arg8 : memref<80x128xf32, #tpu.memory_space<vmem>>)
    %dma_wait3A_145 = arith.constant 0 : i32
    %dma_wait3A_146 = tpu.memref_slice %arg3[%dma_wait3A_145] : memref<640000xi32, #tpu.memory_space<hbm>> -> memref<80xi32, #tpu.memory_space<hbm>>
    %dma_wait3A_147 = arith.constant 0 : i32
    %dma_wait3A_148 = tpu.memref_slice %arg3[%dma_wait3A_147] : memref<640000xi32, #tpu.memory_space<hbm>> -> memref<80xi32, #tpu.memory_space<hbm>>
    tpu.wait_dma2 semaphore(%arg33 : memref<!tpu.dma_semaphore, #tpu.memory_space<semaphore_mem>>) src(%dma_wait3A_148 : memref<80xi32, #tpu.memory_space<hbm>>) dst(%arg16 : memref<80xi32, #tpu.memory_space<vmem>>)
    %dma_start3A_149 = arith.constant 0 : i32
    %dma_start3A_150 = arith.constant 0 : i32
    %dma_start3A_151 = tpu.memref_slice %arg18[%dma_start3A_149, %dma_start3A_150] : memref<10112x128xf32, #tpu.memory_space<vmem_shared>> -> memref<10112x128xf32, #tpu.memory_space<vmem_shared>>
    tpu.enqueue_indirect_dma source(%arg8 : memref<80x128xf32, #tpu.memory_space<vmem>>) target(%dma_start3A_151 : memref<10112x128xf32, #tpu.memory_space<vmem_shared>>) offsets(%arg16 : memref<80xi32, #tpu.memory_space<vmem>>) semaphore(%arg25 : memref<!tpu.dma_semaphore, #tpu.memory_space<semaphore_mem>>) {add = true}
    %dma_wait3A_152 = arith.constant 0 : i32
    %dma_wait3A_153 = arith.constant 0 : i32
    %dma_wait3A_154 = tpu.memref_slice %arg18[%dma_wait3A_152, %dma_wait3A_153] : memref<10112x128xf32, #tpu.memory_space<vmem_shared>> -> memref<10112x128xf32, #tpu.memory_space<vmem_shared>>
    tpu.wait_indirect_dma semaphore(%arg24 : memref<!tpu.dma_semaphore, #tpu.memory_space<semaphore_mem>>) src(%arg7 : memref<80x128xf32, #tpu.memory_space<vmem>>) dst(%dma_wait3A_154 : memref<10112x128xf32, #tpu.memory_space<vmem_shared>>)
    %dma_wait3A_155 = arith.constant 0 : i32
    %dma_wait3A_156 = arith.constant 0 : i32
    %dma_wait3A_157 = tpu.memref_slice %arg2[%dma_wait3A_155, %dma_wait3A_156] : memref<10000x128xf32, #tpu.memory_space<hbm>> -> memref<10000x128xf32, #tpu.memory_space<hbm>>
    tpu.wait_indirect_dma semaphore(%arg22 : memref<!tpu.dma_semaphore, #tpu.memory_space<semaphore_mem>>) src(%dma_wait3A_157 : memref<10000x128xf32, #tpu.memory_space<hbm>>) dst(%arg9 : memref<80x128xf32, #tpu.memory_space<vmem>>)
    %dma_wait3A_158 = arith.constant 0 : i32
    %dma_wait3A_159 = tpu.memref_slice %arg3[%dma_wait3A_158] : memref<640000xi32, #tpu.memory_space<hbm>> -> memref<80xi32, #tpu.memory_space<hbm>>
    %dma_wait3A_160 = arith.constant 0 : i32
    %dma_wait3A_161 = tpu.memref_slice %arg3[%dma_wait3A_160] : memref<640000xi32, #tpu.memory_space<hbm>> -> memref<80xi32, #tpu.memory_space<hbm>>
    tpu.wait_dma2 semaphore(%arg34 : memref<!tpu.dma_semaphore, #tpu.memory_space<semaphore_mem>>) src(%dma_wait3A_161 : memref<80xi32, #tpu.memory_space<hbm>>) dst(%arg17 : memref<80xi32, #tpu.memory_space<vmem>>)
    %dma_start3A_162 = arith.constant 0 : i32
    %dma_start3A_163 = arith.constant 0 : i32
    %dma_start3A_164 = tpu.memref_slice %arg18[%dma_start3A_162, %dma_start3A_163] : memref<10112x128xf32, #tpu.memory_space<vmem_shared>> -> memref<10112x128xf32, #tpu.memory_space<vmem_shared>>
    tpu.enqueue_indirect_dma source(%arg9 : memref<80x128xf32, #tpu.memory_space<vmem>>) target(%dma_start3A_164 : memref<10112x128xf32, #tpu.memory_space<vmem_shared>>) offsets(%arg17 : memref<80xi32, #tpu.memory_space<vmem>>) semaphore(%arg26 : memref<!tpu.dma_semaphore, #tpu.memory_space<semaphore_mem>>) {add = true}
    %dma_wait3A_165 = arith.constant 0 : i32
    %dma_wait3A_166 = arith.constant 0 : i32
    %dma_wait3A_167 = tpu.memref_slice %arg18[%dma_wait3A_165, %dma_wait3A_166] : memref<10112x128xf32, #tpu.memory_space<vmem_shared>> -> memref<10112x128xf32, #tpu.memory_space<vmem_shared>>
    tpu.wait_indirect_dma semaphore(%arg25 : memref<!tpu.dma_semaphore, #tpu.memory_space<semaphore_mem>>) src(%arg8 : memref<80x128xf32, #tpu.memory_space<vmem>>) dst(%dma_wait3A_167 : memref<10112x128xf32, #tpu.memory_space<vmem_shared>>)
    %dma_wait3A_168 = arith.constant 0 : i32
    %dma_wait3A_169 = arith.constant 0 : i32
    %dma_wait3A_170 = tpu.memref_slice %arg2[%dma_wait3A_168, %dma_wait3A_169] : memref<10000x128xf32, #tpu.memory_space<hbm>> -> memref<10000x128xf32, #tpu.memory_space<hbm>>
    tpu.wait_indirect_dma semaphore(%arg19 : memref<!tpu.dma_semaphore, #tpu.memory_space<semaphore_mem>>) src(%dma_wait3A_170 : memref<10000x128xf32, #tpu.memory_space<hbm>>) dst(%arg6 : memref<80x128xf32, #tpu.memory_space<vmem>>)
    %dma_wait3A_171 = arith.constant 0 : i32
    %dma_wait3A_172 = tpu.memref_slice %arg3[%dma_wait3A_171] : memref<640000xi32, #tpu.memory_space<hbm>> -> memref<80xi32, #tpu.memory_space<hbm>>
    %dma_wait3A_173 = arith.constant 0 : i32
    %dma_wait3A_174 = tpu.memref_slice %arg3[%dma_wait3A_173] : memref<640000xi32, #tpu.memory_space<hbm>> -> memref<80xi32, #tpu.memory_space<hbm>>
    tpu.wait_dma2 semaphore(%arg31 : memref<!tpu.dma_semaphore, #tpu.memory_space<semaphore_mem>>) src(%dma_wait3A_174 : memref<80xi32, #tpu.memory_space<hbm>>) dst(%arg14 : memref<80xi32, #tpu.memory_space<vmem>>)
    %dma_start3A_175 = arith.constant 0 : i32
    %dma_start3A_176 = arith.constant 0 : i32
    %dma_start3A_177 = tpu.memref_slice %arg18[%dma_start3A_175, %dma_start3A_176] : memref<10112x128xf32, #tpu.memory_space<vmem_shared>> -> memref<10112x128xf32, #tpu.memory_space<vmem_shared>>
    tpu.enqueue_indirect_dma source(%arg6 : memref<80x128xf32, #tpu.memory_space<vmem>>) target(%dma_start3A_177 : memref<10112x128xf32, #tpu.memory_space<vmem_shared>>) offsets(%arg14 : memref<80xi32, #tpu.memory_space<vmem>>) semaphore(%arg23 : memref<!tpu.dma_semaphore, #tpu.memory_space<semaphore_mem>>) {add = true}
    %dma_wait3A_178 = arith.constant 0 : i32
    %dma_wait3A_179 = arith.constant 0 : i32
    %dma_wait3A_180 = tpu.memref_slice %arg18[%dma_wait3A_178, %dma_wait3A_179] : memref<10112x128xf32, #tpu.memory_space<vmem_shared>> -> memref<10112x128xf32, #tpu.memory_space<vmem_shared>>
    tpu.wait_indirect_dma semaphore(%arg26 : memref<!tpu.dma_semaphore, #tpu.memory_space<semaphore_mem>>) src(%arg9 : memref<80x128xf32, #tpu.memory_space<vmem>>) dst(%dma_wait3A_180 : memref<10112x128xf32, #tpu.memory_space<vmem_shared>>)
    %dma_wait3A_181 = arith.constant 0 : i32
    %dma_wait3A_182 = arith.constant 0 : i32
    %dma_wait3A_183 = tpu.memref_slice %arg18[%dma_wait3A_181, %dma_wait3A_182] : memref<10112x128xf32, #tpu.memory_space<vmem_shared>> -> memref<10112x128xf32, #tpu.memory_space<vmem_shared>>
    tpu.wait_indirect_dma semaphore(%arg23 : memref<!tpu.dma_semaphore, #tpu.memory_space<semaphore_mem>>) src(%arg6 : memref<80x128xf32, #tpu.memory_space<vmem>>) dst(%dma_wait3A_183 : memref<10112x128xf32, #tpu.memory_space<vmem_shared>>)
    %dma_wait3A_184 = arith.constant 0 : i32
    %dma_wait3A_185 = tpu.memref_slice %arg3[%dma_wait3A_184] : memref<640000xi32, #tpu.memory_space<hbm>> -> memref<80xi32, #tpu.memory_space<hbm>>
    %dma_wait3A_186 = arith.constant 0 : i32
    %dma_wait3A_187 = tpu.memref_slice %arg3[%dma_wait3A_186] : memref<640000xi32, #tpu.memory_space<hbm>> -> memref<80xi32, #tpu.memory_space<hbm>>
    tpu.wait_dma2 semaphore(%arg28 : memref<!tpu.dma_semaphore, #tpu.memory_space<semaphore_mem>>) src(%dma_wait3A_187 : memref<80xi32, #tpu.memory_space<hbm>>) dst(%arg11 : memref<80xi32, #tpu.memory_space<vmem>>)
    %barrier3A_188 = arith.constant 0 : index
    tpu.barrier barrier_id(%barrier3A_188)
    %mul3A_189 = arith.constant 632 : i32
    %mul3A_190 = arith.muli %arg1, %mul3A_189 : i32
    %mul3A_191 = arith.constant 632 : i32
    %mul3A_192 = arith.muli %arg1, %mul3A_191 : i32
    "tpu.region"() ({
      %run_scoped3A = tpu.sem_alloc : memref<!tpu.dma_semaphore, #tpu.memory_space<semaphore_mem>>
      %dma_start3A_193 = arith.constant 0 : i32
      %dma_start3A_194 = arith.constant 0 : i32
      %dma_start3A_195 = tpu.memref_slice %arg5[%arg0, %dma_start3A_193, %dma_start3A_194] : memref<2x10112x128xf32, #tpu.memory_space<hbm>> -> memref<1x10112x128xf32, #tpu.memory_space<hbm>>
      %dma_start3A_196 = tpu.memref_squeeze %dma_start3A_195 : memref<1x10112x128xf32, #tpu.memory_space<hbm>> -> memref<10112x128xf32, #tpu.memory_space<hbm>>
      %dma_start3A_197 = arith.constant 0 : i32
      %dma_start3A_198 = tpu.memref_slice %dma_start3A_196[%mul3A_192, %dma_start3A_197] : memref<10112x128xf32, #tpu.memory_space<hbm>> -> memref<632x128xf32, #tpu.memory_space<hbm>>
      %dma_start3A_199 = arith.constant 0 : i32
      %dma_start3A_200 = tpu.memref_slice %arg18[%mul3A_190, %dma_start3A_199] : memref<10112x128xf32, #tpu.memory_space<vmem_shared>> -> memref<632x128xf32, #tpu.memory_space<vmem_shared>>
      tpu.enqueue_dma source(%dma_start3A_200 : memref<632x128xf32, #tpu.memory_space<vmem_shared>>) target(%dma_start3A_198 : memref<632x128xf32, #tpu.memory_space<hbm>>) target_semaphore(%run_scoped3A : memref<!tpu.dma_semaphore, #tpu.memory_space<semaphore_mem>>)
      %dma_wait3A_201 = arith.constant 0 : i32
      %dma_wait3A_202 = arith.constant 0 : i32
      %dma_wait3A_203 = tpu.memref_slice %arg5[%arg0, %dma_wait3A_201, %dma_wait3A_202] : memref<2x10112x128xf32, #tpu.memory_space<hbm>> -> memref<1x10112x128xf32, #tpu.memory_space<hbm>>
      %dma_wait3A_204 = tpu.memref_squeeze %dma_wait3A_203 : memref<1x10112x128xf32, #tpu.memory_space<hbm>> -> memref<10112x128xf32, #tpu.memory_space<hbm>>
      %dma_wait3A_205 = arith.constant 0 : i32
      %dma_wait3A_206 = tpu.memref_slice %dma_wait3A_204[%mul3A_192, %dma_wait3A_205] : memref<10112x128xf32, #tpu.memory_space<hbm>> -> memref<632x128xf32, #tpu.memory_space<hbm>>
      %dma_wait3A_207 = arith.constant 0 : i32
      %dma_wait3A_208 = tpu.memref_slice %arg18[%mul3A_190, %dma_wait3A_207] : memref<10112x128xf32, #tpu.memory_space<vmem_shared>> -> memref<632x128xf32, #tpu.memory_space<vmem_shared>>
      tpu.wait_dma2 semaphore(%run_scoped3A : memref<!tpu.dma_semaphore, #tpu.memory_space<semaphore_mem>>) src(%dma_wait3A_208 : memref<632x128xf32, #tpu.memory_space<vmem_shared>>) dst(%dma_wait3A_206 : memref<632x128xf32, #tpu.memory_space<hbm>>)
      tpu.yield
    }) : () -> ()
    return
  }
}

module attributes {stable_mosaic.version = 14 : i64} {
  func.func @_final_body(%arg0: i32, %arg1: memref<1xf32, #tpu.memory_space<smem>>, %arg2: memref<2000x128xf32, #tpu.memory_space<vmem>>, %arg3: memref<1x2000x128xf32, #tpu.memory_space<vmem>>, %arg4: memref<1x2000x128xf32, #tpu.memory_space<vmem>>, %arg5: memref<128x128xf32, #tpu.memory_space<vmem>>, %arg6: memref<1x128xf32, #tpu.memory_space<vmem>>, %arg7: memref<128x128xf32, #tpu.memory_space<vmem>>, %arg8: memref<1x128xf32, #tpu.memory_space<vmem>>, %arg9: memref<128x128xf32, #tpu.memory_space<vmem>>, %arg10: memref<1x128xf32, #tpu.memory_space<vmem>>, %arg11: memref<10x128xf32, #tpu.memory_space<vmem>>, %arg12: memref<1x10xf32, #tpu.memory_space<vmem>>, %arg13: memref<1x10xf32, #tpu.memory_space<vmem>>, %arg14: memref<1x128xf32, #tpu.memory_space<vmem>>) attributes {dimension_semantics = [#tpu.dimension_semantics<arbitrary>], iteration_bounds = array<i64: 5>, scalar_prefetch = 0 : i64, scratch_operands = 1 : i64, tpu.core_type = #tpu.core_type<tc>, window_params = [{transform_indices = @transform_0, window_bounds = array<i64: 1>}, {transform_indices = @transform_1, window_bounds = array<i64: 2000, 128>}, {transform_indices = @transform_2, window_bounds = array<i64: 1, 2000, 128>}, {transform_indices = @transform_3, window_bounds = array<i64: 1, 2000, 128>}, {pipeline_mode = #tpu.pipeline_mode<synchronous>, transform_indices = @transform_4, window_bounds = array<i64: 128, 128>}, {pipeline_mode = #tpu.pipeline_mode<synchronous>, transform_indices = @transform_5, window_bounds = array<i64: 1, 128>}, {pipeline_mode = #tpu.pipeline_mode<synchronous>, transform_indices = @transform_6, window_bounds = array<i64: 128, 128>}, {pipeline_mode = #tpu.pipeline_mode<synchronous>, transform_indices = @transform_7, window_bounds = array<i64: 1, 128>}, {pipeline_mode = #tpu.pipeline_mode<synchronous>, transform_indices = @transform_8, window_bounds = array<i64: 128, 128>}, {pipeline_mode = #tpu.pipeline_mode<synchronous>, transform_indices = @transform_9, window_bounds = array<i64: 1, 128>}, {pipeline_mode = #tpu.pipeline_mode<synchronous>, transform_indices = @transform_10, window_bounds = array<i64: 10, 128>}, {pipeline_mode = #tpu.pipeline_mode<synchronous>, transform_indices = @transform_11, window_bounds = array<i64: 1, 10>}, {pipeline_mode = #tpu.pipeline_mode<synchronous>, transform_indices = @transform_12, window_bounds = array<i64: 1, 10>}]} {
    %get3A = arith.constant 0 : index
    %get3A_0 = memref.load %arg1[%get3A] : memref<1xf32, #tpu.memory_space<smem>>
    %add3A = arith.constant 1.000000e+00 : f32
    %add3A_1 = arith.addf %add3A, %get3A_0 : f32
    %get3A_2 = arith.constant 0 : index
    %get3A_3 = arith.constant 0 : index
    %get3A_4 = vector.load %arg2[%get3A_2, %get3A_3] : memref<2000x128xf32, #tpu.memory_space<vmem>>, vector<2000x128xf32>
    %mul3A = vector.broadcast %add3A_1 : f32 to vector<2000x128xf32>
    %mul3A_5 = arith.mulf %mul3A, %get3A_4 : vector<2000x128xf32>
    %get3A_6 = arith.constant 0 : index
    %get3A_7 = arith.constant 0 : index
    %get3A_8 = arith.constant 0 : index
    %get3A_9 = vector.load %arg3[%get3A_6, %get3A_7, %get3A_8] : memref<1x2000x128xf32, #tpu.memory_space<vmem>>, vector<1x2000x128xf32>
    %get3A_10 = vector.shape_cast %get3A_9 : vector<1x2000x128xf32> to vector<2000x128xf32>
    %add3A_11 = arith.addf %mul3A_5, %get3A_10 : vector<2000x128xf32>
    %get3A_12 = arith.constant 0 : index
    %get3A_13 = arith.constant 0 : index
    %get3A_14 = arith.constant 0 : index
    %get3A_15 = vector.load %arg4[%get3A_12, %get3A_13, %get3A_14] : memref<1x2000x128xf32, #tpu.memory_space<vmem>>, vector<1x2000x128xf32>
    %get3A_16 = vector.shape_cast %get3A_15 : vector<1x2000x128xf32> to vector<2000x128xf32>
    %add3A_17 = arith.addf %add3A_11, %get3A_16 : vector<2000x128xf32>
    %get3A_18 = arith.constant 0 : index
    %get3A_19 = arith.constant 0 : index
    %get3A_20 = vector.load %arg5[%get3A_18, %get3A_19] : memref<128x128xf32, #tpu.memory_space<vmem>>, vector<128x128xf32>
    %dot_general3A = arith.constant dense<0.000000e+00> : vector<2000x128xf32>
    %dot_general3A_21 = tpu.matmul %add3A_17, %get3A_20, %dot_general3A {dimension_numbers = #tpu.dot_dimension_numbers<[1], [1], [0], [0], [0, 0, 1, 0], [], []>, transpose_lhs_hint = false} : vector<2000x128xf32>, vector<128x128xf32>, vector<2000x128xf32> -> vector<2000x128xf32>
    %get3A_22 = arith.constant 0 : index
    %get3A_23 = arith.constant 0 : index
    %get3A_24 = vector.load %arg6[%get3A_22, %get3A_23] : memref<1x128xf32, #tpu.memory_space<vmem>>, vector<1x128xf32>
    %add3A_25 = vector.broadcast %get3A_24 : vector<1x128xf32> to vector<2000x128xf32>
    %add3A_26 = arith.addf %dot_general3A_21, %add3A_25 : vector<2000x128xf32>
    %max3A = arith.constant 0.000000e+00 : f32
    %max3A_27 = vector.broadcast %max3A : f32 to vector<2000x128xf32>
    %max3A_28 = arith.maximumf %add3A_26, %max3A_27 : vector<2000x128xf32>
    %get3A_29 = arith.constant 0 : index
    %get3A_30 = arith.constant 0 : index
    %get3A_31 = vector.load %arg7[%get3A_29, %get3A_30] : memref<128x128xf32, #tpu.memory_space<vmem>>, vector<128x128xf32>
    %dot_general3A_32 = arith.constant dense<0.000000e+00> : vector<2000x128xf32>
    %dot_general3A_33 = tpu.matmul %max3A_28, %get3A_31, %dot_general3A_32 {dimension_numbers = #tpu.dot_dimension_numbers<[1], [1], [0], [0], [0, 0, 1, 0], [], []>, transpose_lhs_hint = false} : vector<2000x128xf32>, vector<128x128xf32>, vector<2000x128xf32> -> vector<2000x128xf32>
    %get3A_34 = arith.constant 0 : index
    %get3A_35 = arith.constant 0 : index
    %get3A_36 = vector.load %arg8[%get3A_34, %get3A_35] : memref<1x128xf32, #tpu.memory_space<vmem>>, vector<1x128xf32>
    %add3A_37 = vector.broadcast %get3A_36 : vector<1x128xf32> to vector<2000x128xf32>
    %add3A_38 = arith.addf %dot_general3A_33, %add3A_37 : vector<2000x128xf32>
    %max3A_39 = arith.constant 0.000000e+00 : f32
    %max3A_40 = vector.broadcast %max3A_39 : f32 to vector<2000x128xf32>
    %max3A_41 = arith.maximumf %add3A_38, %max3A_40 : vector<2000x128xf32>
    %reduce_sum3A = arith.constant dense<0.000000e+00> : vector<128xf32>
    %reduce_sum3A_42 = vector.multi_reduction <add>, %max3A_41, %reduce_sum3A [0] : vector<2000x128xf32> to vector<128xf32>
    %broadcast_in_dim3A = vector.shape_cast %reduce_sum3A_42 : vector<128xf32> to vector<1x128xf32>
    %eq3A = arith.constant 0 : i32
    %eq3A_43 = arith.cmpi eq, %arg0, %eq3A : i32
    %convert_element_type3A = arith.extui %eq3A_43 : i1 to i32
    %cond3A = arith.constant 0 : i32
    %cond3A_44 = arith.cmpi ne, %convert_element_type3A, %cond3A : i32
    scf.if %cond3A_44 {
      %broadcast_in_dim3A_56 = arith.constant 0.000000e+00 : f32
      %broadcast_in_dim3A_57 = vector.broadcast %broadcast_in_dim3A_56 : f32 to vector<1x128xf32>
      %swap3A_58 = arith.constant 0 : index
      %swap3A_59 = arith.constant 0 : index
      %swap3A_60 = vector.load %arg14[%swap3A_58, %swap3A_59] : memref<1x128xf32, #tpu.memory_space<vmem>>, vector<1x128xf32>
      tpu.vector_store %arg14[%swap3A_58, %swap3A_59], %broadcast_in_dim3A_57 {strides = array<i32>} : memref<1x128xf32, #tpu.memory_space<vmem>>, vector<1x128xf32>,
    } else {
    }
    %get3A_45 = arith.constant 0 : index
    %get3A_46 = arith.constant 0 : index
    %get3A_47 = vector.load %arg14[%get3A_45, %get3A_46] : memref<1x128xf32, #tpu.memory_space<vmem>>, vector<1x128xf32>
    %add3A_48 = arith.addf %get3A_47, %broadcast_in_dim3A : vector<1x128xf32>
    %swap3A = arith.constant 0 : index
    %swap3A_49 = arith.constant 0 : index
    %swap3A_50 = vector.load %arg14[%swap3A, %swap3A_49] : memref<1x128xf32, #tpu.memory_space<vmem>>, vector<1x128xf32>
    tpu.vector_store %arg14[%swap3A, %swap3A_49], %add3A_48 {strides = array<i32>} : memref<1x128xf32, #tpu.memory_space<vmem>>, vector<1x128xf32>,
    %eq3A_51 = arith.constant 4 : i32
    %eq3A_52 = arith.cmpi eq, %arg0, %eq3A_51 : i32
    %convert_element_type3A_53 = arith.extui %eq3A_52 : i1 to i32
    %cond3A_54 = arith.constant 0 : i32
    %cond3A_55 = arith.cmpi ne, %convert_element_type3A_53, %cond3A_54 : i32
    scf.if %cond3A_55 {
      %get3A_56 = arith.constant 0 : index
      %get3A_57 = arith.constant 0 : index
      %get3A_58 = vector.load %arg14[%get3A_56, %get3A_57] : memref<1x128xf32, #tpu.memory_space<vmem>>, vector<1x128xf32>
      %get3A_59 = arith.constant 0 : index
      %get3A_60 = arith.constant 0 : index
      %get3A_61 = vector.load %arg9[%get3A_59, %get3A_60] : memref<128x128xf32, #tpu.memory_space<vmem>>, vector<128x128xf32>
      %dot_general3A_62 = arith.constant dense<0.000000e+00> : vector<1x128xf32>
      %dot_general3A_63 = tpu.matmul %get3A_58, %get3A_61, %dot_general3A_62 {dimension_numbers = #tpu.dot_dimension_numbers<[1], [1], [0], [0], [0, 0, 1, 0], [], []>, transpose_lhs_hint = false} : vector<1x128xf32>, vector<128x128xf32>, vector<1x128xf32> -> vector<1x128xf32>
      %get3A_64 = arith.constant 0 : index
      %get3A_65 = arith.constant 0 : index
      %get3A_66 = vector.load %arg10[%get3A_64, %get3A_65] : memref<1x128xf32, #tpu.memory_space<vmem>>, vector<1x128xf32>
      %add3A_67 = arith.addf %dot_general3A_63, %get3A_66 : vector<1x128xf32>
      %max3A_68 = arith.constant 0.000000e+00 : f32
      %max3A_69 = vector.broadcast %max3A_68 : f32 to vector<1x128xf32>
      %max3A_70 = arith.maximumf %add3A_67, %max3A_69 : vector<1x128xf32>
      %get3A_71 = arith.constant 0 : index
      %get3A_72 = arith.constant 0 : index
      %get3A_73 = vector.load %arg11[%get3A_71, %get3A_72] : memref<10x128xf32, #tpu.memory_space<vmem>>, vector<10x128xf32>
      %dot_general3A_74 = arith.constant dense<0.000000e+00> : vector<1x10xf32>
      %dot_general3A_75 = tpu.matmul %max3A_70, %get3A_73, %dot_general3A_74 {dimension_numbers = #tpu.dot_dimension_numbers<[1], [1], [0], [0], [0, 0, 1, 0], [], []>, transpose_lhs_hint = false} : vector<1x128xf32>, vector<10x128xf32>, vector<1x10xf32> -> vector<1x10xf32>
      %get3A_76 = arith.constant 0 : index
      %get3A_77 = arith.constant 0 : index
      %get3A_78 = vector.load %arg12[%get3A_76, %get3A_77] : memref<1x10xf32, #tpu.memory_space<vmem>>, vector<1x10xf32>
      %add3A_79 = arith.addf %dot_general3A_75, %get3A_78 : vector<1x10xf32>
      %swap3A_80 = arith.constant 0 : index
      %swap3A_81 = arith.constant 0 : index
      %swap3A_82 = vector.load %arg13[%swap3A_80, %swap3A_81] : memref<1x10xf32, #tpu.memory_space<vmem>>, vector<1x10xf32>
      tpu.vector_store %arg13[%swap3A_80, %swap3A_81], %add3A_79 {strides = array<i32>} : memref<1x10xf32, #tpu.memory_space<vmem>>, vector<1x10xf32>,
    } else {
    }
    return
  }
  func.func @transform_0(%arg0: i32) -> i32 {
    %c0_i32 = arith.constant 0 : i32
    %c0_i32_0 = arith.constant 0 : i32
    return %c0_i32 : i32
  }
  func.func @transform_1(%arg0: i32) -> (i32, i32) {
    %c0_i32 = arith.constant 0 : i32
    %c0_i32_0 = arith.constant 0 : i32
    return %arg0, %c0_i32 : i32, i32
  }
  func.func @transform_2(%arg0: i32) -> (i32, i32, i32) {
    %c0_i32 = arith.constant 0 : i32
    %c0_i32_0 = arith.constant 0 : i32
    %c0_i32_1 = arith.constant 0 : i32
    return %c0_i32, %arg0, %c0_i32_0 : i32, i32, i32
  }
  func.func @transform_3(%arg0: i32) -> (i32, i32, i32) {
    %c1_i32 = arith.constant 1 : i32
    %c0_i32 = arith.constant 0 : i32
    %c0_i32_0 = arith.constant 0 : i32
    return %c1_i32, %arg0, %c0_i32 : i32, i32, i32
  }
  func.func @transform_4(%arg0: i32) -> (i32, i32) {
    %c0_i32 = arith.constant 0 : i32
    %c0_i32_0 = arith.constant 0 : i32
    %c0_i32_1 = arith.constant 0 : i32
    return %c0_i32, %c0_i32_0 : i32, i32
  }
  func.func @transform_5(%arg0: i32) -> (i32, i32) {
    %c0_i32 = arith.constant 0 : i32
    %c0_i32_0 = arith.constant 0 : i32
    %c0_i32_1 = arith.constant 0 : i32
    return %c0_i32, %c0_i32_0 : i32, i32
  }
  func.func @transform_6(%arg0: i32) -> (i32, i32) {
    %c0_i32 = arith.constant 0 : i32
    %c0_i32_0 = arith.constant 0 : i32
    %c0_i32_1 = arith.constant 0 : i32
    return %c0_i32, %c0_i32_0 : i32, i32
  }
  func.func @transform_7(%arg0: i32) -> (i32, i32) {
    %c0_i32 = arith.constant 0 : i32
    %c0_i32_0 = arith.constant 0 : i32
    %c0_i32_1 = arith.constant 0 : i32
    return %c0_i32, %c0_i32_0 : i32, i32
  }
  func.func @transform_8(%arg0: i32) -> (i32, i32) {
    %c0_i32 = arith.constant 0 : i32
    %c0_i32_0 = arith.constant 0 : i32
    %c0_i32_1 = arith.constant 0 : i32
    return %c0_i32, %c0_i32_0 : i32, i32
  }
  func.func @transform_9(%arg0: i32) -> (i32, i32) {
    %c0_i32 = arith.constant 0 : i32
    %c0_i32_0 = arith.constant 0 : i32
    %c0_i32_1 = arith.constant 0 : i32
    return %c0_i32, %c0_i32_0 : i32, i32
  }
  func.func @transform_10(%arg0: i32) -> (i32, i32) {
    %c0_i32 = arith.constant 0 : i32
    %c0_i32_0 = arith.constant 0 : i32
    %c0_i32_1 = arith.constant 0 : i32
    return %c0_i32, %c0_i32_0 : i32, i32
  }
  func.func @transform_11(%arg0: i32) -> (i32, i32) {
    %c0_i32 = arith.constant 0 : i32
    %c0_i32_0 = arith.constant 0 : i32
    %c0_i32_1 = arith.constant 0 : i32
    return %c0_i32, %c0_i32_0 : i32, i32
  }
  func.func @transform_12(%arg0: i32) -> (i32, i32) {
    %c0_i32 = arith.constant 0 : i32
    %c0_i32_0 = arith.constant 0 : i32
    %c0_i32_1 = arith.constant 0 : i32
    return %c0_i32, %c0_i32_0 : i32, i32
  }
}

module attributes {stable_mosaic.version = 14 : i64} {
  func.func @_mlp_body(%arg0: i32, %arg1: memref<1xf32, #tpu.memory_space<smem>>, %arg2: memref<2000x128xf32, #tpu.memory_space<vmem>>, %arg3: memref<1x2000x128xf32, #tpu.memory_space<vmem>>, %arg4: memref<1x2000x128xf32, #tpu.memory_space<vmem>>, %arg5: memref<128x128xf32, #tpu.memory_space<vmem>>, %arg6: memref<1x128xf32, #tpu.memory_space<vmem>>, %arg7: memref<128x128xf32, #tpu.memory_space<vmem>>, %arg8: memref<1x128xf32, #tpu.memory_space<vmem>>, %arg9: memref<2000x128xf32, #tpu.memory_space<vmem>>) attributes {dimension_semantics = [#tpu.dimension_semantics<arbitrary>], iteration_bounds = array<i64: 5>, scalar_prefetch = 0 : i64, scratch_operands = 0 : i64, tpu.core_type = #tpu.core_type<tc>, window_params = [{transform_indices = @transform_0, window_bounds = array<i64: 1>}, {transform_indices = @transform_1, window_bounds = array<i64: 2000, 128>}, {transform_indices = @transform_2, window_bounds = array<i64: 1, 2000, 128>}, {transform_indices = @transform_3, window_bounds = array<i64: 1, 2000, 128>}, {pipeline_mode = #tpu.pipeline_mode<synchronous>, transform_indices = @transform_4, window_bounds = array<i64: 128, 128>}, {pipeline_mode = #tpu.pipeline_mode<synchronous>, transform_indices = @transform_5, window_bounds = array<i64: 1, 128>}, {pipeline_mode = #tpu.pipeline_mode<synchronous>, transform_indices = @transform_6, window_bounds = array<i64: 128, 128>}, {pipeline_mode = #tpu.pipeline_mode<synchronous>, transform_indices = @transform_7, window_bounds = array<i64: 1, 128>}, {transform_indices = @transform_8, window_bounds = array<i64: 2000, 128>}]} {
    %get3A = arith.constant 0 : index
    %get3A_0 = memref.load %arg1[%get3A] : memref<1xf32, #tpu.memory_space<smem>>
    %add3A = arith.constant 1.000000e+00 : f32
    %add3A_1 = arith.addf %add3A, %get3A_0 : f32
    %get3A_2 = arith.constant 0 : index
    %get3A_3 = arith.constant 0 : index
    %get3A_4 = vector.load %arg2[%get3A_2, %get3A_3] : memref<2000x128xf32, #tpu.memory_space<vmem>>, vector<2000x128xf32>
    %mul3A = vector.broadcast %add3A_1 : f32 to vector<2000x128xf32>
    %mul3A_5 = arith.mulf %mul3A, %get3A_4 : vector<2000x128xf32>
    %get3A_6 = arith.constant 0 : index
    %get3A_7 = arith.constant 0 : index
    %get3A_8 = arith.constant 0 : index
    %get3A_9 = vector.load %arg3[%get3A_6, %get3A_7, %get3A_8] : memref<1x2000x128xf32, #tpu.memory_space<vmem>>, vector<1x2000x128xf32>
    %get3A_10 = vector.shape_cast %get3A_9 : vector<1x2000x128xf32> to vector<2000x128xf32>
    %add3A_11 = arith.addf %mul3A_5, %get3A_10 : vector<2000x128xf32>
    %get3A_12 = arith.constant 0 : index
    %get3A_13 = arith.constant 0 : index
    %get3A_14 = arith.constant 0 : index
    %get3A_15 = vector.load %arg4[%get3A_12, %get3A_13, %get3A_14] : memref<1x2000x128xf32, #tpu.memory_space<vmem>>, vector<1x2000x128xf32>
    %get3A_16 = vector.shape_cast %get3A_15 : vector<1x2000x128xf32> to vector<2000x128xf32>
    %add3A_17 = arith.addf %add3A_11, %get3A_16 : vector<2000x128xf32>
    %get3A_18 = arith.constant 0 : index
    %get3A_19 = arith.constant 0 : index
    %get3A_20 = vector.load %arg5[%get3A_18, %get3A_19] : memref<128x128xf32, #tpu.memory_space<vmem>>, vector<128x128xf32>
    %dot_general3A = arith.constant dense<0.000000e+00> : vector<2000x128xf32>
    %dot_general3A_21 = tpu.matmul %add3A_17, %get3A_20, %dot_general3A {dimension_numbers = #tpu.dot_dimension_numbers<[1], [1], [0], [0], [0, 0, 1, 0], [], []>, transpose_lhs_hint = false} : vector<2000x128xf32>, vector<128x128xf32>, vector<2000x128xf32> -> vector<2000x128xf32>
    %get3A_22 = arith.constant 0 : index
    %get3A_23 = arith.constant 0 : index
    %get3A_24 = vector.load %arg6[%get3A_22, %get3A_23] : memref<1x128xf32, #tpu.memory_space<vmem>>, vector<1x128xf32>
    %add3A_25 = vector.broadcast %get3A_24 : vector<1x128xf32> to vector<2000x128xf32>
    %add3A_26 = arith.addf %dot_general3A_21, %add3A_25 : vector<2000x128xf32>
    %max3A = arith.constant 0.000000e+00 : f32
    %max3A_27 = vector.broadcast %max3A : f32 to vector<2000x128xf32>
    %max3A_28 = arith.maximumf %add3A_26, %max3A_27 : vector<2000x128xf32>
    %get3A_29 = arith.constant 0 : index
    %get3A_30 = arith.constant 0 : index
    %get3A_31 = vector.load %arg7[%get3A_29, %get3A_30] : memref<128x128xf32, #tpu.memory_space<vmem>>, vector<128x128xf32>
    %dot_general3A_32 = arith.constant dense<0.000000e+00> : vector<2000x128xf32>
    %dot_general3A_33 = tpu.matmul %max3A_28, %get3A_31, %dot_general3A_32 {dimension_numbers = #tpu.dot_dimension_numbers<[1], [1], [0], [0], [0, 0, 1, 0], [], []>, transpose_lhs_hint = false} : vector<2000x128xf32>, vector<128x128xf32>, vector<2000x128xf32> -> vector<2000x128xf32>
    %get3A_34 = arith.constant 0 : index
    %get3A_35 = arith.constant 0 : index
    %get3A_36 = vector.load %arg8[%get3A_34, %get3A_35] : memref<1x128xf32, #tpu.memory_space<vmem>>, vector<1x128xf32>
    %add3A_37 = vector.broadcast %get3A_36 : vector<1x128xf32> to vector<2000x128xf32>
    %add3A_38 = arith.addf %dot_general3A_33, %add3A_37 : vector<2000x128xf32>
    %max3A_39 = arith.constant 0.000000e+00 : f32
    %max3A_40 = vector.broadcast %max3A_39 : f32 to vector<2000x128xf32>
    %max3A_41 = arith.maximumf %add3A_38, %max3A_40 : vector<2000x128xf32>
    %swap3A = arith.constant 0 : index
    %swap3A_42 = arith.constant 0 : index
    %swap3A_43 = vector.load %arg9[%swap3A, %swap3A_42] : memref<2000x128xf32, #tpu.memory_space<vmem>>, vector<2000x128xf32>
    tpu.vector_store %arg9[%swap3A, %swap3A_42], %max3A_41 {strides = array<i32>} : memref<2000x128xf32, #tpu.memory_space<vmem>>, vector<2000x128xf32>,
    return
  }
  func.func @transform_0(%arg0: i32) -> i32 {
    %c0_i32 = arith.constant 0 : i32
    %c0_i32_0 = arith.constant 0 : i32
    return %c0_i32 : i32
  }
  func.func @transform_1(%arg0: i32) -> (i32, i32) {
    %c0_i32 = arith.constant 0 : i32
    %c0_i32_0 = arith.constant 0 : i32
    return %arg0, %c0_i32 : i32, i32
  }
  func.func @transform_2(%arg0: i32) -> (i32, i32, i32) {
    %c0_i32 = arith.constant 0 : i32
    %c0_i32_0 = arith.constant 0 : i32
    %c0_i32_1 = arith.constant 0 : i32
    return %c0_i32, %arg0, %c0_i32_0 : i32, i32, i32
  }
  func.func @transform_3(%arg0: i32) -> (i32, i32, i32) {
    %c1_i32 = arith.constant 1 : i32
    %c0_i32 = arith.constant 0 : i32
    %c0_i32_0 = arith.constant 0 : i32
    return %c1_i32, %arg0, %c0_i32 : i32, i32, i32
  }
  func.func @transform_4(%arg0: i32) -> (i32, i32) {
    %c0_i32 = arith.constant 0 : i32
    %c0_i32_0 = arith.constant 0 : i32
    %c0_i32_1 = arith.constant 0 : i32
    return %c0_i32, %c0_i32_0 : i32, i32
  }
  func.func @transform_5(%arg0: i32) -> (i32, i32) {
    %c0_i32 = arith.constant 0 : i32
    %c0_i32_0 = arith.constant 0 : i32
    %c0_i32_1 = arith.constant 0 : i32
    return %c0_i32, %c0_i32_0 : i32, i32
  }
  func.func @transform_6(%arg0: i32) -> (i32, i32) {
    %c0_i32 = arith.constant 0 : i32
    %c0_i32_0 = arith.constant 0 : i32
    %c0_i32_1 = arith.constant 0 : i32
    return %c0_i32, %c0_i32_0 : i32, i32
  }
  func.func @transform_7(%arg0: i32) -> (i32, i32) {
    %c0_i32 = arith.constant 0 : i32
    %c0_i32_0 = arith.constant 0 : i32
    %c0_i32_1 = arith.constant 0 : i32
    return %c0_i32, %c0_i32_0 : i32, i32
  }
  func.func @transform_8(%arg0: i32) -> (i32, i32) {
    %c0_i32 = arith.constant 0 : i32
    %c0_i32_0 = arith.constant 0 : i32
    return %arg0, %c0_i32 : i32, i32
  }
}

</mosaic_0001>

<sc_bundles>
// kernel: kernel.11.cloned.1.call-start
scs
__scs_entry_jumppad:
0x0: {  	(pc) =	sbr.rel $0x88, $3  }
0x1: {  	(tag) =	ssettag $0x0;
	lr =	simm.s32 $0x1  }
0x2: {  	[smem:$0x3F8C] =	sst lr;
	_ =	strace $0xD0000000  }
0x3: {  	_ = 	snop  }
0x4: {  	_ = 	snop  }
0x5: {  	_ = 	snop  }
0x6: {  	_ = 	snop  }
0x7: {  	_ = 	snop  }
__scs_overlays_trampoline_lowered:
0x8: {  	[smem:$0x3F9B] =	sst s0  }
0x9: {  	[smem:$0x3F9C] =	sst s1  }
0xa: {  	[smem:$0x3F9D] =	sst s2  }
0xb: {  	[smem:$0x3F9E] =	sst s3  }
0xc: {  	[smem:$0x3F9F] =	sst s4  }
0xd: {  	[smem:$0x3FA0] =	sst s5  }
0xe: {  	[smem:$0x3FA1] =	sst s6  }
0xf: {  	[smem:$0x3FA2] =	sst s7  }
0x10: {  	[smem:$0x3FA3] =	sst s8  }
0x11: {  	[smem:$0x3FA4] =	sst s9;
	s0 =	simm.s32 @!p0 $0x0  }
0x12: {  	s1 =	sld [smem:$0x3F8A];
	s0 =	simm.s32 @p0 $0x1  }
0x13: {  	[smem:$0x3FA5] =	sst s0;
	s0 =	simm.s32 @!p1 $0x0  }
0x14: {  	s2 =	sld [smem:$0x3F89];
	s0 =	simm.s32 @p1 $0x1  }
0x15: {  	[smem:$0x3FA6] =	sst s0;
	s0 =	simm.s32 @!p2 $0x0  }
0x16: {  	s3 =	sld [smem:$0x3FDB];
	s0 =	simm.s32 @p2 $0x1  }
0x17: {  	s4 =	simm.s32 $0x1BF5;
	[smem:$0x3FA8] =	sst s0  }
0x18: {  	s0 =	sld [smem:$0x3F8B];
	_ =	swait.ge [sflag:s4], $0x0  }
0x19: {  	s7 =	sld [smem:$0x3F8C]  }
0x1a: {  	s8 =	sadd.s32 $0xFFFFE003, lr  }
0x1b: {  	s9 =	sadd.s32 $0xFFFFFEF7, lr;
	s5 =	simm.s32 $0xFFFFFFFF;
	p2 =	slt.u32 s8, $0xFFFFF086  }
0x1c: {  	p1 =	slt.u32 s9, $0xF7A;
	s5 =	simm.s32 @!p2 $0x0  }
0x1d: {  	s5 =	simm.s32 @p1 $0x1;
	p0 =	seq.s32 s7, s2  }
0x1e: {  	s7 =	smul.u32 @!p0 $0xF7A, s2;
	p2 =	seq.s32 @!p0 s5, $0x0  }
0x1f: {  	s9 =	smul.u32 $0xF7A, s1;
	s8 =	simm.s32 @!p0 $0x1BF5;
	p2 =	por !p2, p0  }
0x20: {  	[sflag:s8] =	ssyncset.s32 @!p0 $0xFFFFF086;
	s6 =	sadd.s32 @!p0 s3, s7;
	s7 =	simm.s32 @!p0 $0x108  }
0x21: {  	s3 =	sadd.s32 s3, s9;
	s6 =	sadd.s32 @!p0 $0x88, s6;
	s7 =	simm.s32 @p2 $0x1082  }
0x22: {  	[simem:s7], [sflag:s8] =	dma.local @!p0 [hbm:s6], $0xF7A  }
0x23: {  	s9 =	sor.u32 $0xD0000000, s2;
	s6 =	simm.s32 $0x108;
	_ =	swait.ge @!p0 [sflag:s8], $0x0  }
0x24: {  	s3 =	sadd.s32 $0x88, s3;
	s6 =	simm.s32 @!p1 $0x1082;
	[sflag:s4] =	ssyncset.s32 $0xFFFFF086  }
0x25: {  	[simem:s6], [sflag:s4] =	dma.local [hbm:s3], $0xF7A  }
0x26: {  	[smem:$0x3F8C] =	sst s1;
	(tag) =	ssettag s2;
	_ =	strace s9  }
0x27: {  	s1 =	sld [smem:$0x3F9C]  }
0x28: {  	s2 =	sld [smem:$0x3F9D]  }
0x29: {  	s4 =	sld [smem:$0x3F9F]  }
0x2a: {  	p0 =	seq.s32 s5, $0x0;
	s5 =	sld [smem:$0x3FA0]  }
0x2b: {  	s6 =	sld [smem:$0x3FA1]  }
0x2c: {  	s7 =	sld [smem:$0x3FA2]  }
0x2d: {  	s3 =	simm.s32 $0x108;
	s8 =	sld [smem:$0x3FA3]  }
0x2e: {  	s3 =	simm.s32 @!p0 $0x1082;
	s9 =	sld [smem:$0x3FA4]  }
0x2f: {  	lr =	sadd.s32 s0, s3;
	s0 =	sld [smem:$0x3F9B]  }
0x30: {  	s3 =	sld [smem:$0x3F9E]  }
0x31: {  	[smem:$0x3FA7] =	sst s10  }
0x32: {  	s10 =	sld [smem:$0x3FA5];
	_ =	sdelay $0x3  }
0x33: {  	p0 =	seq.s32 s10, $0x1;
	s10 =	sld [smem:$0x3FA7];
	_ =	sdelay $0x3  }
0x34: {  	[smem:$0x3FA7] =	sst s10  }
0x35: {  	s10 =	sld [smem:$0x3FA6];
	_ =	sdelay $0x3  }
0x36: {  	p1 =	seq.s32 s10, $0x1;
	s10 =	sld [smem:$0x3FA7];
	_ =	sdelay $0x3  }
0x37: {  	[smem:$0x3FA7] =	sst s10  }
0x38: {  	s10 =	sld [smem:$0x3FA8]  }
0x39: {  	_ = 	snop;
	(pc) =	sbr.ind lr, $3  }
0x3a: {  	_ = 	snop  }
0x3b: {  	_ = 	snop  }
0x3c: {  	p2 =	seq.s32 s10, $0x1;
	s10 =	sld [smem:$0x3FA7]  }
0x3d: {  	_ =	shalt  }
0x3e: {  	_ =	shalt  }
0x3f: {  	_ =	shalt  }
0x40: {  	_ =	shalt  }
0x41: {  	_ =	shalt  }
0x42: {  	_ =	shalt  }
0x43: {  	_ =	shalt  }
0x44: {  	_ =	shalt  }
0x45: {  	_ =	shalt  }
0x46: {  	_ =	shalt  }
0x47: {  	_ =	shalt  }
0x48: {  	_ =	shalt  }
0x49: {  	_ =	shalt  }
0x4a: {  	_ =	shalt  }
0x4b: {  	_ =	shalt  }
0x4c: {  	_ =	shalt  }
0x4d: {  	_ =	shalt  }
0x4e: {  	_ =	shalt  }
0x4f: {  	_ =	shalt  }
0x50: {  	_ =	shalt  }
0x51: {  	_ =	shalt  }
0x52: {  	_ =	shalt  }
0x53: {  	_ =	shalt  }
0x54: {  	_ =	shalt  }
0x55: {  	_ =	shalt  }
0x56: {  	_ =	shalt  }
0x57: {  	_ =	shalt  }
0x58: {  	_ =	shalt  }
0x59: {  	_ =	shalt  }
0x5a: {  	_ =	shalt  }
0x5b: {  	_ =	shalt  }
0x5c: {  	_ =	shalt  }
0x5d: {  	_ =	shalt  }
0x5e: {  	_ =	shalt  }
0x5f: {  	_ =	shalt  }
0x60: {  	_ =	shalt  }
0x61: {  	_ =	shalt  }
0x62: {  	_ =	shalt  }
0x63: {  	_ =	shalt  }
0x64: {  	_ =	shalt  }
0x65: {  	_ =	shalt  }
0x66: {  	_ =	shalt  }
0x67: {  	_ =	shalt  }
0x68: {  	_ =	shalt  }
0x69: {  	_ =	shalt  }
0x6a: {  	_ =	shalt  }
0x6b: {  	_ =	shalt  }
0x6c: {  	_ =	shalt  }
0x6d: {  	_ =	shalt  }
0x6e: {  	_ =	shalt  }
0x6f: {  	_ =	shalt  }
0x70: {  	_ =	shalt  }
0x71: {  	_ =	shalt  }
0x72: {  	_ =	shalt  }
0x73: {  	_ =	shalt  }
0x74: {  	_ =	shalt  }
0x75: {  	_ =	shalt  }
0x76: {  	_ =	shalt  }
0x77: {  	_ =	shalt  }
0x78: {  	_ =	shalt  }
0x79: {  	_ =	shalt  }
0x7a: {  	_ =	shalt  }
0x7b: {  	_ =	shalt  }
0x7c: {  	_ =	shalt  }
0x7d: {  	_ =	shalt  }
0x7e: {  	_ =	shalt  }
0x7f: {  	_ =	shalt  }
0x80: {  	_ =	shalt  }
0x81: {  	_ =	shalt  }
0x82: {  	_ =	shalt  }
0x83: {  	_ =	shalt  }
0x84: {  	_ =	shalt  }
0x85: {  	_ =	shalt  }
0x86: {  	_ =	shalt  }
0x87: {  	_ =	shalt  }
.Lfunc_end0:
.L_simem_size_0:
called_computation.1_lowered:
.L_overlay_start_0:
0x88: {  	s2 =	sld [smem:$0x3FD9]  }
0x89: {  	s3 =	sld [smem:$0x3FFE];
	_ =	sdelay $0x1  }
0x8a: {  	s1 =	srdreg.scid  }
0x8b: {  	s0 =	sand.u32 $0x1, s1  }
0x8c: {  	s16 =	sshll.u32 s0, $0xA;
	s2 =	sadd.s32 s3, s2  }
0x8d: {  	s2 =	sadd.s32 s2, s16  }
0x8e: {  	[smem:$0x3FB3] =	sst s2  }
0x8f: {  	_ = 	snop  }
0x90: {  	(tm) =	ssettm $0x1  }
0x91: {  	s17 =	sld [smem:$0x3FFB];
	_ =	sdelay $0x3  }
0x92: {  	_ =	strace s17  }
0x93: {  	s2 =	sld [smem:$0x3FFC];
	_ =	sdelay $0x3  }
0x94: {  	_ =	strace s2  }
0x95: {  	s2 =	sld [smem:$0x3FFD];
	_ =	sdelay $0x3  }
0x96: {  	_ =	strace s2  }
0x97: {  	_ =	strace $0x8FFFFFFF  }
0x98: {  	s18 =	sld [smem:$0x3FDB];
	_ =	sdelay $0x1  }
0x99: {  	s19 =	simm.s32 $_scs_section_size  }
0x9a: {  	s4 =	simm.s32 $_size__tile_overlayer_lowered;
	s5 =	simm.s32 $_tile_overlayer_lowered  }
0x9b: {  	s22 =	simm.s32 $0x1BFF;
	s21 =	sshll.u32 s5, $0x1;
	s2 =	sadd.s32 s19, s18  }
0x9c: {  	s6 =	simm.s32 $0x0;
	s20 =	sshll.u32 s4, $0x1;
	s4 =	sadd.s32 s21, s2  }
0x9d: {  	[timem:s6], [sflag:s22] =	dma.local [hbm:s4], s20  }
0x9e: {  	_ =	swait.ge [sflag:s22], s20  }
0x9f: {  	s3 =	ssub.s32 $0x0, s20;
	[sflag:s22] =	ssyncset.done $0x0  }
0xa0: {  	[sflag:s22] =	ssyncadd.s32 s3;
	_ =	sdelay $0x1  }
0xa1: {  	s23 =	simm.s32 $0x1B8B  }
0xa2: {  	_ =	swait.ge [sflag:s23], $0x1  }
0xa3: {  	[sflag:s23] =	ssyncset.done $0x0  }
0xa4: {  	s25 =	simm.s32 $0x1B8E;
	s24 =	sld [smem:$0x3FFE];
	[sflag:s23] =	ssyncadd.s32 $0xFFFFFFFF  }
0xa5: {  	s26 =	simm.s32 $execute0_lowered;
	[smem:$0x3FD2] =	sst s25  }
0xa6: {  	s4 =	sshll.u32 s26, $0x1;
	_ =	strace $0x80000049;
	[dreg:$0x1] =	wrdreg $0xFFFFFFFF  }
0xa7: {  	s28 =	simm.s32 $_size_execute0_lowered;
	s2 =	sadd.s32 s2, s4;
	[dreg:$0x0] =	wrdreg $0x0  }
0xa8: {  	s4 =	sshll.u32 s28, $0x1;
	[dreg:$0x2] =	wrdreg s2  }
0xa9: {  	[dreg:$0x3] =	wrdreg s4  }
0xaa: {  	[dreg:$0x4] =	wrdreg $0xC0  }
0xab: {  	_ =	task [dreg:s6], $0x5FFFF  }
0xac: {  	[dreg:$0x1] =	wrdreg $0xFFFFFFFF  }
0xad: {  	[dreg:$0x0] =	wrdreg $0x60  }
0xae: {  	[dreg:$0x2] =	wrdreg s24  }
0xaf: {  	[dreg:$0x3] =	wrdreg $0xA4000  }
0xb0: {  	[dreg:$0x4] =	wrdreg $0x9  }
0xb1: {  	_ =	task.clear_ibuf [dreg:s6], $0x5FFFF;
	_ =	strace $0x90000049  }
0xb2: {  	s29 =	simm.s32 $0x9;
	_ =	strace $0x8000004B  }
0xb3: {  	_ =	swait.ge [sflag:s29], $0x1  }
0xb4: {  	[sflag:s29] =	ssyncadd.s32 $0xFFFFFFFF  }
0xb5: {  	_ =	strace $0x9000004B  }
0xb6: {  	_ =	sfence  }
0xb7: {  	s30 =	sld [smem:$0x0];
	_ =	sdelay $0x2  }
0xb8: {  	s31 =	sshll.u32 s1, $0xD;
	s1 =	sshrl.u32 s1, $0x2  }
0xb9: {  	s3 =	sand.u32 $0x4000, s31;
	s1 =	sadd.s32 s1, s30  }
0xba: {  	s0 =	sor.u32 s3, s0;
	s1 =	sshll.u32 s1, $0x11  }
0xbb: {  	s0 =	sor.u32 s1, s0  }
0xbc: {  	s0 =	sadd.s32 $0x8F2B, s0  }
0xbd: {  	[sflag:s0] =	ssyncadd.remote.s32 $0x1  }
0xbe: {  	_ =	sfence.sel $0xFFFF  }
0xbf: {  	[dreg:$0x0] =	wrdreg $0xFFFFFFFF;
	(pc) =	sbr.abs _section_cstart, $3  }
0xc0: {  	[dreg:$0x1] =	wrdreg $0xFFFFFFFF  }
0xc1: {  	_ =	task.clear_ibuf [dreg:s6], $0x2FFFF;
	_ =	strace $0x9FFFFFFF  }
0xc2: {  	(tm) =	ssettm $0x7FFFFFFF  }
0xc3: {  	_ =	shalt  }
tec
execute0_lowered:
.L_overlay_start_1:
0x0: {  	(tag) =	ssettag $0x1  }
0x1: {  	s0 =	rddreg [dreg:$0x0]  }
0x2: {  	s1 =	rddreg [dreg:$0x1]  }
0x3: {  	s2 =	srdreg.scid;
	s3 =	simm.s32 $0x0;
	s9 =	stileid.u32  }
0x4: {  	s2 =	sand.u32 $0x1, s2;
	[smem:$0x7FF] =	sst s3;
	s8 =	smul.u32 $0x4F000, s9  }
0x5: {  	s26 =	sadd.s32 $0x4200, s0;
	s10 =	sadd.s32 $0x17C00, s0;
	s21 =	smul.u32 $0x2710, s9  }
0x6: {  	s17 =	sshll.u32 s9, $0x6;
	s4 =	sshll.u32 s2, $0x4;
	s5 =	smul.u32 $0x27800, s2  }
0x7: {  	_ =	strace $0x8000004A;
	s7 =	ssub.s32 $0x2, s2;
	[dreg:$0xb] =	wrdreg s10  }
0x8: {  	s23 =	sor.u32 $0x1C11, s17;
	s2 =	smul.u32 $0x27100, s2;
	s6 =	sor.u32 s9, s4  }
0x9: {  	s4 =	sadd.s32 $0x1A400, s0;
	s14 =	sshrl.u32 s7, $0x1;
	s15 =	sshrl.u32 s8, $0x2  }
0xa: {  	[dreg:$0xe] =	wrdreg s23;
	s6 =	smul.u32 $0x2710, s6;
	s0 =	sadd.s32 s5, s0  }
0xb: {  	s5 =	ssub.s32 s7, s14;
	s7 =	sadd.s32 s15, s1;
	s2 =	sadd.s32 s21, s2  }
0xc: {  	[dreg:$0xc] =	wrdreg s7;
	s12 =	sadd.s32 $0x230, s2;
	s5 =	smax.u32 s5, $0x1  }
0xd: {  	s16 =	sshrl.u32 s6, $0x3;
	s6 =	sadd.s32 $0x2D0, s6;
	[dreg:$0x19] =	wrdreg s5  }
0xe: {  	s14 =	sshrl.u32 s12, $0x3;
	s8 =	sadd.s32 s26, s16;
	[dreg:$0x3] =	wrdreg s6  }
0xf: {  	s6 =	sadd.s32 s14, s26;
	[dreg:$0xd] =	wrdreg s8  }
0x10: {  	s28 =	simm.s32 $0xA080;
	s18 =	sadd.s32 $0xA, s8;
	[dreg:$0x4] =	wrdreg s6  }
0x11: {  	s31 =	simm.s32 $0x50;
	s19 =	sadd.s32 $0x14, s8;
	[dreg:$0xf] =	wrdreg s18  }
0x12: {  	s0 =	sadd.s32 $0x41600, s0;
	s20 =	sadd.s32 $0x1E, s8;
	[dreg:$0x10] =	wrdreg s19  }
0x13: {  	s15 =	sadd.s32 $0x4E430, s2;
	s22 =	sadd.s32 $0x9C40, s8;
	[dreg:$0x11] =	wrdreg s20  }
0x14: {  	s17 =	sadd.s32 $0x1E0, s2;
	s24 =	sadd.s32 $0x9C4A, s8;
	[dreg:$0x12] =	wrdreg s22  }
0x15: {  	s7 =	sshrl.u32 s17, $0x3;
	s25 =	sadd.s32 $0x9C54, s8;
	[dreg:$0x13] =	wrdreg s24  }
0x16: {  	s17 =	simm.s32 $0x2;
	s29 =	sadd.s32 $0x28, s8;
	[dreg:$0x14] =	wrdreg s25  }
0x17: {  	s5 =	simm.s32 $0x8;
	s30 =	sadd.s32 $0x9C5E, s8;
	[dreg:$0x15] =	wrdreg s29  }
0x18: {  	s16 =	sshrl.u32 s15, $0x3;
	s11 =	sadd.s32 $0x32, s8;
	[dreg:$0x16] =	wrdreg s30  }
0x19: {  	s13 =	sadd.s32 $0xA118, s8;
	s6 =	sadd.s32 s16, s26;
	[dreg:$0x17] =	wrdreg s11  }
0x1a: {  	s8 =	simm.s32 $0x4;
	[dreg:$0x18] =	wrdreg s13;
	s18 =	sadd.s32 $0x4E3E0, s2  }
0x1b: {  	[dreg:$0x5] =	wrdreg s6;
	s19 =	sadd.s32 s7, s26;
	s22 =	sadd.s32 $0x280, s2  }
0x1c: {  	s25 =	sadd.s32 $0x4E390, s2;
	s2 =	sadd.s32 $0x4E340, s2;
	s30 =	smul.u32 $0x2780, s9  }
0x1d: {  	s13 =	simm.s32 $0xC;
	s9 =	simm.s32 $0x10;
	s20 =	sshrl.u32 s18, $0x3  }
0x1e: {  	[dreg:$0x6] =	wrdreg s19;
	s24 =	sshrl.u32 s22, $0x3;
	s7 =	sshrl.u32 s25, $0x3  }
0x1f: {  	s2 =	sshrl.u32 s2, $0x3;
	s25 =	simm.s32 $0x11;
	s21 =	sadd.s32 s20, s26  }
0x20: {  	s19 =	simm.s32 $0x3;
	s6 =	sadd.s32 s24, s26;
	[dreg:$0x7] =	wrdreg s21  }
0x21: {  	s18 =	simm.s32 $0xE;
	s29 =	sadd.s32 s7, s26;
	[dreg:$0x8] =	wrdreg s6  }
0x22: {  	s2 =	sadd.s32 s2, s26;
	s0 =	sadd.s32 s30, s0;
	[dreg:$0x9] =	wrdreg s29  }
0x23: {  	s7 =	simm.s32 $0xA180;
	s20 =	simm.s32 $0xF;
	[dreg:$0xa] =	wrdreg s2  }
0x24: {  	s24 =	simm.s32 $0x6;
	[dreg:$0x1a] =	wrdreg s0;
	s2 =	simm.s32 $0xA100  }
0x25: {  	s6 =	simm.s32 $0xB;
	s21 =	simm.s32 $0x7;
	s0 =	simm.s32 $0x0  }
.LBB2_1:
0x26: {  	[dreg:$0x1b] =	wrdreg s0  }
0x27: {  	s22 =	rddreg [dreg:$0xc]  }
0x28: {  	s30 =	rddreg [dreg:$0xb];
	s29 =	sshrl.u32 s22, $0x3  }
0x29: {  	[dreg:$0x1c] =	wrdreg s29  }
0x2a: {  	[spmem:s29], [sflag:s23] =	dma.local [hbm:s30], $0x2780  }
0x2b: {  	_ =	swait.ge [sflag:s25], $0x2780  }
0x2c: {  	[sflag:s25] =	ssyncset.done $0x0  }
0x2d: {  	[sflag:s25] =	ssyncadd.s32 $0xFFFFD880  }
0x2e: {  	[bflag:$0x0] =	sbarrier.arrive $0xFFFF  }
0x2f: {  	s23 =	simm.s32 $0xA000;
	s0 =	rddreg [dreg:$0xd]  }
0x30: {  	[tilespmem:s23], [sflag:$0x9] =	stream.linear.gather [hbm4b:s0+s3], $0x50, $0x38;
	[tilespmem:$0x1E000] =	vst v63  }
0x31: {  	s10 =	rddreg [dreg:$0xf]  }
0x32: {  	[tilespmem:s28], [sflag:$0xA] =	stream.linear.gather [hbm4b:s10+s3], $0x50, $0x38;
	[tilespmem:$0x1E000] =	vst v63  }
0x33: {  	s11 =	rddreg [dreg:$0x10]  }
0x34: {  	[tilespmem:s2], [sflag:$0xB] =	stream.linear.gather [hbm4b:s11+s3], $0x50, $0x38;
	[tilespmem:$0x1E000] =	vst v63  }
0x35: {  	s12 =	rddreg [dreg:$0x11]  }
0x36: {  	[tilespmem:s7], [sflag:$0xC] =	stream.linear.gather [hbm4b:s12+s3], $0x50, $0x38;
	[tilespmem:$0x1E000] =	vst v63  }
0x37: {  	s14 =	rddreg [dreg:$0x12];
	s10 =	simm.s32 $0xA200  }
0x38: {  	[tilespmem:s10], [sflag:$0xD] =	stream.linear.gather [hbm4b:s14+s3], $0x50, $0x38;
	[tilespmem:$0x1E000] =	vst v63  }
0x39: {  	s15 =	rddreg [dreg:$0x13];
	s14 =	simm.s32 $0xA280  }
0x3a: {  	[tilespmem:s14], [sflag:$0xE] =	stream.linear.gather [hbm4b:s15+s3], $0x50, $0x38;
	[tilespmem:$0x1E000] =	vst v63  }
0x3b: {  	s15 =	simm.s32 $0x9  }
0x3c: {  	_ =	swait.ge [sflag:s15], $0x50  }
0x3d: {  	[sflag:s15] =	ssyncset.done $0x0  }
0x3e: {  	s25 =	simm.s32 $0xA;
	[sflag:s15] =	ssyncadd.s32 $0xFFFFFFB0  }
0x3f: {  	[tilespmem:s3], [sflag:$0x1] =	stream.indirect.gather [hbm4b:s4+s31], $0x80, s23, s31, $0xb8;
	[tilespmem:$0x1E000] =	vst v63  }
0x40: {  	_ =	swait.ge [sflag:s25], $0x50  }
0x41: {  	[sflag:s25] =	ssyncset.done $0x0  }
0x42: {  	s0 =	simm.s32 $0x2800;
	[sflag:s25] =	ssyncadd.s32 $0xFFFFFFB0  }
0x43: {  	[tilespmem:s0], [sflag:$0x2] =	stream.indirect.gather [hbm4b:s4+s31], $0x80, s28, s31, $0xb8;
	[tilespmem:$0x1E000] =	vst v63  }
0x44: {  	_ =	swait.ge [sflag:s6], $0x50  }
0x45: {  	[sflag:s6] =	ssyncset.done $0x0  }
0x46: {  	s29 =	simm.s32 $0x5000;
	[sflag:s6] =	ssyncadd.s32 $0xFFFFFFB0  }
0x47: {  	[tilespmem:s29], [sflag:$0x3] =	stream.indirect.gather [hbm4b:s4+s31], $0x80, s2, s31, $0xb8;
	[tilespmem:$0x1E000] =	vst v63  }
0x48: {  	s11 =	simm.s32 $0xA300;
	s12 =	simm.s32 $0x1;
	s16 =	rddreg [dreg:$0x14]  }
0x49: {  	[tilespmem:s11], [sflag:$0xF] =	stream.linear.gather [hbm4b:s16+s3], $0x50, $0x38;
	[tilespmem:$0x1E000] =	vst v63  }
0x4a: {  	_ =	swait.ge [sflag:s12], $0x2800  }
0x4b: {  	[sflag:s12] =	ssyncset.done $0x0  }
0x4c: {  	s30 =	rddreg [dreg:$0x15];
	[sflag:s12] =	ssyncadd.s32 $0xFFFFD800  }
0x4d: {  	[tilespmem:s23], [sflag:$0x9] =	stream.linear.gather [hbm4b:s30+s3], $0x50, $0x38;
	[tilespmem:$0x1E000] =	vst v63  }
0x4e: {  	s30 =	simm.s32 $0xD  }
0x4f: {  	_ =	swait.ge [sflag:s30], $0x50  }
0x50: {  	[sflag:s30] =	ssyncset.done $0x0  }
0x51: {  	[sflag:s30] =	ssyncadd.s32 $0xFFFFFFB0  }
0x52: {  	[spmem:s1] =	stream.indirect.scatter.add.f32 [tilespmem:s3], [sflag:$0x5], $0x80, s10, s31, $0xb8;
	[tilespmem:$0x1E000] =	vst v63  }
0x53: {  	_ =	swait.ge [sflag:s13], $0x50  }
0x54: {  	[sflag:s13] =	ssyncset.done $0x0  }
0x55: {  	s16 =	simm.s32 $0x7800;
	[sflag:s13] =	ssyncadd.s32 $0xFFFFFFB0  }
0x56: {  	[tilespmem:s16], [sflag:$0x4] =	stream.indirect.gather [hbm4b:s4+s31], $0x80, s7, s31, $0xb8;
	[tilespmem:$0x1E000] =	vst v63  }
0x57: {  	s22 =	rddreg [dreg:$0x16];
	s16 =	simm.s32 $0xA380  }
0x58: {  	[tilespmem:s16], [sflag:$0x10] =	stream.linear.gather [hbm4b:s22+s3], $0x50, $0x38;
	[tilespmem:$0x1E000] =	vst v63  }
0x59: {  	_ =	swait.ge [sflag:s17], $0x2800  }
0x5a: {  	[sflag:s17] =	ssyncset.done $0x0  }
0x5b: {  	s22 =	rddreg [dreg:$0x17];
	[sflag:s17] =	ssyncadd.s32 $0xFFFFD800  }
0x5c: {  	[tilespmem:s28], [sflag:$0xA] =	stream.linear.gather [hbm4b:s22+s3], $0x50, $0x38;
	[tilespmem:$0x1E000] =	vst v63  }
0x5d: {  	_ =	swait.ge [sflag:s18], $0x50  }
0x5e: {  	[sflag:s18] =	ssyncset.done $0x0  }
0x5f: {  	s22 =	simm.s32 $0x5;
	[sflag:s18] =	ssyncadd.s32 $0xFFFFFFB0  }
0x60: {  	[spmem:s1] =	stream.indirect.scatter.add.f32 [tilespmem:s0], [sflag:$0x6], $0x80, s14, s31, $0xb8;
	[tilespmem:$0x1E000] =	vst v63  }
0x61: {  	_ =	swait.ge [sflag:s22], $0x2800  }
0x62: {  	[sflag:s22] =	ssyncset.done $0x0  }
0x63: {  	[sflag:s22] =	ssyncadd.s32 $0xFFFFD800  }
0x64: {  	_ =	swait.ge [sflag:s15], $0x50  }
0x65: {  	[sflag:s15] =	ssyncset.done $0x0  }
0x66: {  	s22 =	rddreg [dreg:$0xa];
	[sflag:s15] =	ssyncadd.s32 $0xFFFFFFB0  }
0x67: {  	[tilespmem:s3], [sflag:$0x1] =	stream.indirect.gather [hbm4b:s4+s31], $0x80, s23, s31, $0xb8;
	[tilespmem:$0x1E000] =	vst v63  }
0x68: {  	s22 =	sadd.s32 $0x0, s22  }
0x69: {  	[tilespmem:s10], [sflag:$0xD] =	stream.linear.gather [hbm4b:s22+s3], $0x50, $0x38;
	[tilespmem:$0x1E000] =	vst v63  }
0x6a: {  	_ =	swait.ge [sflag:s19], $0x2800  }
0x6b: {  	s15 =	rddreg [dreg:$0x6];
	[sflag:s19] =	ssyncset.done $0x0  }
0x6c: {  	[sflag:s19] =	ssyncadd.s32 $0xFFFFD800;
	s22 =	sadd.s32 $0x0, s15  }
0x6d: {  	[tilespmem:s2], [sflag:$0xB] =	stream.linear.gather [hbm4b:s22+s3], $0x50, $0x38;
	[tilespmem:$0x1E000] =	vst v63  }
0x6e: {  	_ =	swait.ge [sflag:s20], $0x50  }
0x6f: {  	[sflag:s20] =	ssyncset.done $0x0  }
0x70: {  	[sflag:s20] =	ssyncadd.s32 $0xFFFFFFB0  }
0x71: {  	[spmem:s1] =	stream.indirect.scatter.add.f32 [tilespmem:s29], [sflag:$0x7], $0x80, s11, s31, $0xb8;
	[tilespmem:$0x1E000] =	vst v63  }
0x72: {  	_ =	swait.ge [sflag:s24], $0x2800  }
0x73: {  	[sflag:s24] =	ssyncset.done $0x0  }
0x74: {  	[sflag:s24] =	ssyncadd.s32 $0xFFFFD800  }
0x75: {  	_ =	swait.ge [sflag:s25], $0x50  }
0x76: {  	[sflag:s25] =	ssyncset.done $0x0  }
0x77: {  	s15 =	rddreg [dreg:$0x9];
	[sflag:s25] =	ssyncadd.s32 $0xFFFFFFB0  }
0x78: {  	[tilespmem:s0], [sflag:$0x2] =	stream.indirect.gather [hbm4b:s4+s31], $0x80, s28, s31, $0xb8;
	[tilespmem:$0x1E000] =	vst v63  }
0x79: {  	s22 =	sadd.s32 $0x0, s15  }
0x7a: {  	[tilespmem:s14], [sflag:$0xE] =	stream.linear.gather [hbm4b:s22+s3], $0x50, $0x38;
	[tilespmem:$0x1E000] =	vst v63  }
0x7b: {  	_ =	swait.ge [sflag:s8], $0x2800  }
0x7c: {  	s0 =	rddreg [dreg:$0x4];
	[sflag:s8] =	ssyncset.done $0x0  }
0x7d: {  	[sflag:s8] =	ssyncadd.s32 $0xFFFFD800;
	s22 =	sadd.s32 $0x0, s0  }
0x7e: {  	[tilespmem:s7], [sflag:$0xC] =	stream.linear.gather [hbm4b:s22+s3], $0x50, $0x38;
	[tilespmem:$0x1E000] =	vst v63  }
0x7f: {  	_ =	swait.ge [sflag:s9], $0x50  }
0x80: {  	[sflag:s9] =	ssyncset.done $0x0  }
0x81: {  	s0 =	simm.s32 $0x7800;
	[sflag:s9] =	ssyncadd.s32 $0xFFFFFFB0  }
0x82: {  	[spmem:s1] =	stream.indirect.scatter.add.f32 [tilespmem:s0], [sflag:$0x8], $0x80, s16, s31, $0xb8;
	[tilespmem:$0x1E000] =	vst v63  }
0x83: {  	_ =	swait.ge [sflag:s21], $0x2800  }
0x84: {  	[sflag:s21] =	ssyncset.done $0x0  }
0x85: {  	[sflag:s21] =	ssyncadd.s32 $0xFFFFD800  }
0x86: {  	_ =	swait.ge [sflag:s6], $0x50  }
0x87: {  	[sflag:s6] =	ssyncset.done $0x0  }
0x88: {  	s14 =	rddreg [dreg:$0x7];
	[sflag:s6] =	ssyncadd.s32 $0xFFFFFFB0  }
0x89: {  	[tilespmem:s29], [sflag:$0x3] =	stream.indirect.gather [hbm4b:s4+s31], $0x80, s2, s31, $0xb8;
	[tilespmem:$0x1E000] =	vst v63  }
0x8a: {  	s22 =	sadd.s32 $0x0, s14  }
0x8b: {  	[tilespmem:s11], [sflag:$0xF] =	stream.linear.gather [hbm4b:s22+s3], $0x50, $0x38;
	[tilespmem:$0x1E000] =	vst v63  }
0x8c: {  	_ =	swait.ge [sflag:s12], $0x2800  }
0x8d: {  	s15 =	rddreg [dreg:$0x8];
	[sflag:s12] =	ssyncset.done $0x0  }
0x8e: {  	[sflag:s12] =	ssyncadd.s32 $0xFFFFD800;
	s22 =	sadd.s32 $0x0, s15  }
0x8f: {  	[tilespmem:s23], [sflag:$0x9] =	stream.linear.gather [hbm4b:s22+s3], $0x50, $0x38;
	[tilespmem:$0x1E000] =	vst v63  }
0x90: {  	_ =	swait.ge [sflag:s30], $0x50  }
0x91: {  	[sflag:s30] =	ssyncset.done $0x0  }
0x92: {  	[sflag:s30] =	ssyncadd.s32 $0xFFFFFFB0  }
0x93: {  	[spmem:s1] =	stream.indirect.scatter.add.f32 [tilespmem:s3], [sflag:$0x5], $0x80, s10, s31, $0xb8;
	[tilespmem:$0x1E000] =	vst v63  }
0x94: {  	_ =	swait.ge [sflag:s5], $0x2800  }
0x95: {  	[sflag:s5] =	ssyncset.done $0x0  }
0x96: {  	[sflag:s5] =	ssyncadd.s32 $0xFFFFD800  }
0x97: {  	_ =	swait.ge [sflag:s13], $0x50  }
0x98: {  	[sflag:s13] =	ssyncset.done $0x0  }
0x99: {  	s25 =	rddreg [dreg:$0x5];
	[sflag:s13] =	ssyncadd.s32 $0xFFFFFFB0  }
0x9a: {  	[tilespmem:s0], [sflag:$0x4] =	stream.indirect.gather [hbm4b:s4+s31], $0x80, s7, s31, $0xb8;
	[tilespmem:$0x1E000] =	vst v63  }
0x9b: {  	s29 =	smin.u32 s3, $0x73;
	s22 =	sadd.s32 $0x0, s25  }
0x9c: {  	[tilespmem:s16], [sflag:$0x10] =	stream.linear.gather [hbm4b:s22+s3], $0x50, $0x38;
	[tilespmem:$0x1E000] =	vst v63  }
0x9d: {  	s22 =	smul.u32 $0x50, s29;
	_ =	swait.ge [sflag:s17], $0x2800  }
0x9e: {  	s30 =	rddreg [dreg:$0x3]  }
0x9f: {  	s22 =	sadd.s32 s22, s30  }
0xa0: {  	[sflag:s17] =	ssyncset.done $0x0;
	s22 =	sshrl.u32 s22, $0x3  }
0xa1: {  	[sflag:s17] =	ssyncadd.s32 $0xFFFFD800;
	s22 =	sadd.s32 s26, s22  }
0xa2: {  	[tilespmem:s28], [sflag:$0xA] =	stream.linear.gather [hbm4b:s22+s3], $0x50, $0x38;
	[tilespmem:$0x1E000] =	vst v63  }
0xa3: {  	s11 =	simm.s32 $0xB;
	s23 =	simm.s32 $0x4;
	_ =	swait.ge [sflag:s18], $0x50  }
0xa4: {  	s10 =	simm.s32 $0xA180;
	s7 =	simm.s32 $0xA100;
	[sflag:s18] =	ssyncset.done $0x0  }
0xa5: {  	s16 =	simm.s32 $0xC;
	s22 =	simm.s32 $0x28;
	[sflag:s18] =	ssyncadd.s32 $0xFFFFFFB0  }
.LBB2_2:
0xa6: {  	s30 =	simm.s32 $0xA280;
	s15 =	simm.s32 $0x2800;
	s0 =	simm.s32 $0x5  }
0xa7: {  	[spmem:s1] =	stream.indirect.scatter.add.f32 [tilespmem:s15], [sflag:$0x6], $0x80, s30, s31, $0xb8;
	[tilespmem:$0x1E000] =	vst v63  }
0xa8: {  	_ =	swait.ge [sflag:s0], $0x2800  }
0xa9: {  	[sflag:s0] =	ssyncset.done $0x0  }
0xaa: {  	s14 =	simm.s32 $0x9;
	[sflag:s0] =	ssyncadd.s32 $0xFFFFD800  }
0xab: {  	_ =	swait.ge [sflag:s14], $0x50  }
0xac: {  	s25 =	smov.u32 s22;
	[sflag:s14] =	ssyncset.done $0x0  }
0xad: {  	s29 =	simm.s32 $0xA000;
	s13 =	rddreg [dreg:$0xa];
	[sflag:s14] =	ssyncadd.s32 $0xFFFFFFB0  }
0xae: {  	[tilespmem:s3], [sflag:$0x1] =	stream.indirect.gather [hbm4b:s4+s31], $0x80, s29, s31, $0xb8;
	[tilespmem:$0x1E000] =	vst v63  }
0xaf: {  	s28 =	smov.u32 s26;
	s26 =	sadd.s32 s25, s13;
	s14 =	simm.s32 $0xA200  }
0xb0: {  	[tilespmem:s14], [sflag:$0xD] =	stream.linear.gather [hbm4b:s26+s3], $0x50, $0x38;
	[tilespmem:$0x1E000] =	vst v63  }
0xb1: {  	_ =	swait.ge [sflag:s19], $0x2800  }
0xb2: {  	s17 =	rddreg [dreg:$0x6];
	[sflag:s19] =	ssyncset.done $0x0  }
0xb3: {  	[sflag:s19] =	ssyncadd.s32 $0xFFFFD800;
	s26 =	sadd.s32 s25, s17  }
0xb4: {  	[tilespmem:s7], [sflag:$0xB] =	stream.linear.gather [hbm4b:s26+s3], $0x50, $0x38;
	[tilespmem:$0x1E000] =	vst v63  }
0xb5: {  	_ =	swait.ge [sflag:s20], $0x50  }
0xb6: {  	[sflag:s20] =	ssyncset.done $0x0  }
0xb7: {  	s6 =	simm.s32 $0x5000;
	s12 =	simm.s32 $0xA300;
	[sflag:s20] =	ssyncadd.s32 $0xFFFFFFB0  }
0xb8: {  	[spmem:s1] =	stream.indirect.scatter.add.f32 [tilespmem:s6], [sflag:$0x7], $0x80, s12, s31, $0xb8;
	[tilespmem:$0x1E000] =	vst v63  }
0xb9: {  	_ =	swait.ge [sflag:s24], $0x2800  }
0xba: {  	[sflag:s24] =	ssyncset.done $0x0  }
0xbb: {  	s26 =	simm.s32 $0xA;
	[sflag:s24] =	ssyncadd.s32 $0xFFFFD800  }
0xbc: {  	_ =	swait.ge [sflag:s26], $0x50  }
0xbd: {  	[sflag:s26] =	ssyncset.done $0x0  }
0xbe: {  	s2 =	simm.s32 $0xA080;
	s13 =	rddreg [dreg:$0x9];
	[sflag:s26] =	ssyncadd.s32 $0xFFFFFFB0  }
0xbf: {  	[tilespmem:s15], [sflag:$0x2] =	stream.indirect.gather [hbm4b:s4+s31], $0x80, s2, s31, $0xb8;
	[tilespmem:$0x1E000] =	vst v63  }
0xc0: {  	s26 =	sadd.s32 s25, s13  }
0xc1: {  	[tilespmem:s30], [sflag:$0xE] =	stream.linear.gather [hbm4b:s26+s3], $0x50, $0x38;
	[tilespmem:$0x1E000] =	vst v63  }
0xc2: {  	_ =	swait.ge [sflag:s8], $0x2800  }
0xc3: {  	s17 =	rddreg [dreg:$0x4];
	[sflag:s8] =	ssyncset.done $0x0  }
0xc4: {  	[sflag:s8] =	ssyncadd.s32 $0xFFFFD800;
	s26 =	sadd.s32 s25, s17  }
0xc5: {  	[tilespmem:s10], [sflag:$0xC] =	stream.linear.gather [hbm4b:s26+s3], $0x50, $0x38;
	[tilespmem:$0x1E000] =	vst v63  }
0xc6: {  	_ =	swait.ge [sflag:s9], $0x50  }
0xc7: {  	[sflag:s9] =	ssyncset.done $0x0  }
0xc8: {  	s13 =	simm.s32 $0x7800;
	s17 =	simm.s32 $0xA380;
	[sflag:s9] =	ssyncadd.s32 $0xFFFFFFB0  }
0xc9: {  	[spmem:s1] =	stream.indirect.scatter.add.f32 [tilespmem:s13], [sflag:$0x8], $0x80, s17, s31, $0xb8;
	[tilespmem:$0x1E000] =	vst v63  }
0xca: {  	_ =	swait.ge [sflag:s21], $0x2800  }
0xcb: {  	[sflag:s21] =	ssyncset.done $0x0  }
0xcc: {  	[sflag:s21] =	ssyncadd.s32 $0xFFFFD800  }
0xcd: {  	_ =	swait.ge [sflag:s11], $0x50  }
0xce: {  	[sflag:s11] =	ssyncset.done $0x0  }
0xcf: {  	s2 =	rddreg [dreg:$0x7];
	[sflag:s11] =	ssyncadd.s32 $0xFFFFFFB0  }
0xd0: {  	[tilespmem:s6], [sflag:$0x3] =	stream.indirect.gather [hbm4b:s4+s31], $0x80, s7, s31, $0xb8;
	[tilespmem:$0x1E000] =	vst v63  }
0xd1: {  	s26 =	sadd.s32 s25, s2  }
0xd2: {  	[tilespmem:s12], [sflag:$0xF] =	stream.linear.gather [hbm4b:s26+s3], $0x50, $0x38;
	[tilespmem:$0x1E000] =	vst v63  }
0xd3: {  	s26 =	simm.s32 $0x1  }
0xd4: {  	_ =	swait.ge [sflag:s26], $0x2800  }
0xd5: {  	s12 =	rddreg [dreg:$0x8];
	[sflag:s26] =	ssyncset.done $0x0  }
0xd6: {  	[sflag:s26] =	ssyncadd.s32 $0xFFFFD800;
	s26 =	sadd.s32 s25, s12  }
0xd7: {  	[tilespmem:s29], [sflag:$0x9] =	stream.linear.gather [hbm4b:s26+s3], $0x50, $0x38;
	[tilespmem:$0x1E000] =	vst v63  }
0xd8: {  	s29 =	simm.s32 $0xD  }
0xd9: {  	_ =	swait.ge [sflag:s29], $0x50  }
0xda: {  	[sflag:s29] =	ssyncset.done $0x0  }
0xdb: {  	[sflag:s29] =	ssyncadd.s32 $0xFFFFFFB0  }
0xdc: {  	[spmem:s1] =	stream.indirect.scatter.add.f32 [tilespmem:s3], [sflag:$0x5], $0x80, s14, s31, $0xb8;
	[tilespmem:$0x1E000] =	vst v63  }
0xdd: {  	_ =	swait.ge [sflag:s5], $0x2800  }
0xde: {  	[sflag:s5] =	ssyncset.done $0x0  }
0xdf: {  	[sflag:s5] =	ssyncadd.s32 $0xFFFFD800  }
0xe0: {  	_ =	swait.ge [sflag:s16], $0x50  }
0xe1: {  	[sflag:s16] =	ssyncset.done $0x0  }
0xe2: {  	s14 =	rddreg [dreg:$0x5];
	[sflag:s16] =	ssyncadd.s32 $0xFFFFFFB0  }
0xe3: {  	[tilespmem:s13], [sflag:$0x4] =	stream.indirect.gather [hbm4b:s4+s31], $0x80, s10, s31, $0xb8;
	[tilespmem:$0x1E000] =	vst v63  }
0xe4: {  	s25 =	sadd.s32 s25, s14  }
0xe5: {  	[tilespmem:s17], [sflag:$0x10] =	stream.linear.gather [hbm4b:s25+s3], $0x50, $0x38;
	[tilespmem:$0x1E000] =	vst v63  }
0xe6: {  	s26 =	smin.u32 s23, $0x73;
	s17 =	simm.s32 $0x2  }
0xe7: {  	p0 =	sne.s32 s22, $0x488;
	s25 =	smul.u32 $0x50, s26;
	_ =	swait.ge [sflag:s17], $0x2800  }
0xe8: {  	s22 =	sadd.s32 $0x28, s22;
	s0 =	simm.s32 $0x2800;
	s29 =	rddreg [dreg:$0x3]  }
0xe9: {  	s15 =	simm.s32 $0xA280;
	s26 =	smov.u32 s28;
	s25 =	sadd.s32 s25, s29  }
0xea: {  	s28 =	simm.s32 $0xA080;
	[sflag:s17] =	ssyncset.done $0x0;
	s25 =	sshrl.u32 s25, $0x3  }
.Ltmp0:
0xeb: {  	[sflag:s17] =	ssyncadd.s32 $0xFFFFD800;
	s25 =	sadd.s32 s26, s25;
	(pc) =	sbr.rel @p0 .LBB2_2-.Ltmp0, $4  }
0xec: {  	[tilespmem:s28], [sflag:$0xA] =	stream.linear.gather [hbm4b:s25+s3], $0x50, $0x38;
	[tilespmem:$0x1E000] =	vst v63  }
0xed: {  	s30 =	simm.s32 $0x5000;
	s2 =	simm.s32 $0xA000;
	_ =	swait.ge [sflag:s18], $0x50  }
0xee: {  	s6 =	simm.s32 $0xA300;
	s12 =	simm.s32 $0x7800;
	[sflag:s18] =	ssyncset.done $0x0  }
0xef: {  	s23 =	sadd.s32 $0x4, s23;
	s13 =	simm.s32 $0xA380;
	[sflag:s18] =	ssyncadd.s32 $0xFFFFFFB0  }
0xf0: {  	[spmem:s1] =	stream.indirect.scatter.add.f32 [tilespmem:s0], [sflag:$0x6], $0x80, s15, s31, $0xb8;
	[tilespmem:$0x1E000] =	vst v63  }
0xf1: {  	s10 =	simm.s32 $0x5  }
0xf2: {  	_ =	swait.ge [sflag:s10], $0x2800  }
0xf3: {  	[sflag:s10] =	ssyncset.done $0x0  }
0xf4: {  	s7 =	simm.s32 $0x9;
	[sflag:s10] =	ssyncadd.s32 $0xFFFFD800  }
0xf5: {  	_ =	swait.ge [sflag:s7], $0x50  }
0xf6: {  	[sflag:s7] =	ssyncset.done $0x0  }
0xf7: {  	[sflag:s7] =	ssyncadd.s32 $0xFFFFFFB0  }
0xf8: {  	[tilespmem:s3], [sflag:$0x1] =	stream.indirect.gather [hbm4b:s4+s31], $0x80, s2, s31, $0xb8;
	[tilespmem:$0x1E000] =	vst v63  }
0xf9: {  	s11 =	simm.s32 $0xA200;
	s22 =	rddreg [dreg:$0x18]  }
0xfa: {  	[tilespmem:s11], [sflag:$0xD] =	stream.linear.gather [hbm4b:s22+s3], $0x50, $0x38;
	[tilespmem:$0x1E000] =	vst v63  }
0xfb: {  	_ =	swait.ge [sflag:s19], $0x2800  }
0xfc: {  	[sflag:s19] =	ssyncset.done $0x0  }
0xfd: {  	[sflag:s19] =	ssyncadd.s32 $0xFFFFD800  }
0xfe: {  	_ =	swait.ge [sflag:s20], $0x50  }
0xff: {  	[sflag:s20] =	ssyncset.done $0x0  }
0x100: {  	[sflag:s20] =	ssyncadd.s32 $0xFFFFFFB0  }
0x101: {  	[spmem:s1] =	stream.indirect.scatter.add.f32 [tilespmem:s30], [sflag:$0x7], $0x80, s6, s31, $0xb8;
	[tilespmem:$0x1E000] =	vst v63  }
0x102: {  	_ =	swait.ge [sflag:s24], $0x2800  }
0x103: {  	[sflag:s24] =	ssyncset.done $0x0  }
0x104: {  	[sflag:s24] =	ssyncadd.s32 $0xFFFFD800  }
0x105: {  	_ =	swait.ge [sflag:s8], $0x2800  }
0x106: {  	[sflag:s8] =	ssyncset.done $0x0  }
0x107: {  	[sflag:s8] =	ssyncadd.s32 $0xFFFFD800  }
0x108: {  	_ =	swait.ge [sflag:s9], $0x50  }
0x109: {  	[sflag:s9] =	ssyncset.done $0x0  }
0x10a: {  	[sflag:s9] =	ssyncadd.s32 $0xFFFFFFB0  }
0x10b: {  	[spmem:s1] =	stream.indirect.scatter.add.f32 [tilespmem:s12], [sflag:$0x8], $0x80, s13, s31, $0xb8;
	[tilespmem:$0x1E000] =	vst v63  }
0x10c: {  	_ =	swait.ge [sflag:s21], $0x2800  }
0x10d: {  	[sflag:s21] =	ssyncset.done $0x0  }
0x10e: {  	s14 =	simm.s32 $0x1;
	[sflag:s21] =	ssyncadd.s32 $0xFFFFD800  }
0x10f: {  	_ =	swait.ge [sflag:s14], $0x2800  }
0x110: {  	[sflag:s14] =	ssyncset.done $0x0  }
0x111: {  	s15 =	simm.s32 $0xD;
	[sflag:s14] =	ssyncadd.s32 $0xFFFFD800  }
0x112: {  	_ =	swait.ge [sflag:s15], $0x50  }
0x113: {  	[sflag:s15] =	ssyncset.done $0x0  }
0x114: {  	[sflag:s15] =	ssyncadd.s32 $0xFFFFFFB0  }
0x115: {  	[spmem:s1] =	stream.indirect.scatter.add.f32 [tilespmem:s3], [sflag:$0x5], $0x80, s11, s31, $0xb8;
	[tilespmem:$0x1E000] =	vst v63  }
0x116: {  	_ =	swait.ge [sflag:s5], $0x2800  }
0x117: {  	[sflag:s5] =	ssyncset.done $0x0  }
0x118: {  	[sflag:s5] =	ssyncadd.s32 $0xFFFFD800  }
0x119: {  	_ =	swait.ge [sflag:s10], $0x2800  }
0x11a: {  	[sflag:s10] =	ssyncset.done $0x0  }
0x11b: {  	s16 =	simm.s32 $0xA;
	[sflag:s10] =	ssyncadd.s32 $0xFFFFD800  }
0x11c: {  	_ =	swait.ge [sflag:s16], $0x50  }
0x11d: {  	[sflag:s16] =	ssyncset.done $0x0  }
0x11e: {  	[sflag:s16] =	ssyncadd.s32 $0xFFFFFFB0  }
0x11f: {  	[bflag:$0x0] =	sbarrier.arrive $0xFFFF  }
0x120: {  	s23 =	rddreg [dreg:$0xe]  }
0x121: {  	s22 =	rddreg [dreg:$0x1a]  }
0x122: {  	s25 =	rddreg [dreg:$0x1c]  }
0x123: {  	[hbm:s22], [sflag:s23] =	dma.local [spmem:s25], $0x2780  }
0x124: {  	s25 =	simm.s32 $0x11  }
0x125: {  	_ =	swait.ge [sflag:s25], $0x2780  }
0x126: {  	s29 =	rddreg [dreg:$0x1b]  }
0x127: {  	s30 =	rddreg [dreg:$0x19];
	s0 =	sadd.s32 $0x1, s29  }
0x128: {  	p0 =	sne.s32 s0, s30  }
.Ltmp1:
0x129: {  	_ = 	snop;
	(pc) =	sbr.rel @p0 .LBB2_1-.Ltmp1, $3  }
0x12a: {  	_ =	sdelay $0x1  }
0x12b: {  	s7 =	simm.s32 $0xA180;
	s2 =	simm.s32 $0xA100;
	[sflag:s25] =	ssyncset.done $0x0  }
0x12c: {  	s6 =	simm.s32 $0xB;
	s13 =	simm.s32 $0xC;
	[sflag:s25] =	ssyncadd.s32 $0xFFFFD880  }
0x12d: {  	_ =	sfence.sel $0x180000  }
0x12e: {  	[bflag:$0x0] =	sbarrier.arrive $0xFFFF  }
0x12f: {  	_ =	strace $0x9000004A  }
0x130: {  	s0 =	stileid.u32;
	[bflag:$0x2] =	sbarrier.arrive $0xFFFF  }
0x131: {  	p0 =	sne.s32 s0, $0x0;
	s0 =	rddreg [dreg:$0x2]  }
0x132: {  	s0 =	sadd.s32 @!p0 $0x100000, s0  }
0x133: {  	[sflag:s0] =	ssyncadd.tile.s32 @!p0 $0x1;
	_ =	shalt  }
.Lfunc_end2:
_tile_overlayer_lowered:
.L_overlay_start_2:
0x134: {  	(tag) =	ssettag $0x2  }
0x135: {  	s0 =	rddreg [dreg:$0x0];
	s2 =	stileid.u32  }
0x136: {  	s1 =	rddreg [dreg:$0x1];
	p0 =	sne.s32 s2, $0x0  }
0x137: {  	s3 =	rddreg [dreg:$0x2];
	[bflag:$0x3] =	sbarrier.arrive $0xFFFF;
	s2 =	simm.s32 @!p0 $0x1C11  }
0x138: {  	[timem:s3], [sflag:s2] =	dma.local @!p0 [hbm:s0], s1  }
0x139: {  	s0 =	simm.s32 @!p0 $0x11  }
0x13a: {  	_ =	swait.ge @!p0 [sflag:s0], s1  }
0x13b: {  	s1 =	ssub.s32 @!p0 $0x0, s1;
	[sflag:s0] =	ssyncset.done @!p0 $0x0  }
0x13c: {  	[sflag:s0] =	ssyncadd.s32 @!p0 s1  }
0x13d: {  	[bflag:$0x3] =	sbarrier.arrive $0xFFFF  }
0x13e: {  	_ =	shalt  }

// kernel: kernel.14.cloned.1.call-start
scs
__scs_entry_jumppad:
0x0: {  	(pc) =	sbr.rel $0x88, $3  }
0x1: {  	(tag) =	ssettag $0x0;
	lr =	simm.s32 $0x1  }
0x2: {  	[smem:$0x3F8C] =	sst lr;
	_ =	strace $0xD0000000  }
0x3: {  	_ = 	snop  }
0x4: {  	_ = 	snop  }
0x5: {  	_ = 	snop  }
0x6: {  	_ = 	snop  }
0x7: {  	_ = 	snop  }
__scs_overlays_trampoline_lowered:
0x8: {  	[smem:$0x3F9B] =	sst s0  }
0x9: {  	[smem:$0x3F9C] =	sst s1  }
0xa: {  	[smem:$0x3F9D] =	sst s2  }
0xb: {  	[smem:$0x3F9E] =	sst s3  }
0xc: {  	[smem:$0x3F9F] =	sst s4  }
0xd: {  	[smem:$0x3FA0] =	sst s5  }
0xe: {  	[smem:$0x3FA1] =	sst s6  }
0xf: {  	[smem:$0x3FA2] =	sst s7  }
0x10: {  	[smem:$0x3FA3] =	sst s8  }
0x11: {  	[smem:$0x3FA4] =	sst s9;
	s0 =	simm.s32 @!p0 $0x0  }
0x12: {  	s1 =	sld [smem:$0x3F8A];
	s0 =	simm.s32 @p0 $0x1  }
0x13: {  	[smem:$0x3FA5] =	sst s0;
	s0 =	simm.s32 @!p1 $0x0  }
0x14: {  	s2 =	sld [smem:$0x3F89];
	s0 =	simm.s32 @p1 $0x1  }
0x15: {  	[smem:$0x3FA6] =	sst s0;
	s0 =	simm.s32 @!p2 $0x0  }
0x16: {  	s3 =	sld [smem:$0x3FDB];
	s0 =	simm.s32 @p2 $0x1  }
0x17: {  	s4 =	simm.s32 $0x1BF5;
	[smem:$0x3FA8] =	sst s0  }
0x18: {  	s0 =	sld [smem:$0x3F8B];
	_ =	swait.ge [sflag:s4], $0x0  }
0x19: {  	s7 =	sld [smem:$0x3F8C]  }
0x1a: {  	s8 =	sadd.s32 $0xFFFFE003, lr  }
0x1b: {  	s9 =	sadd.s32 $0xFFFFFEF7, lr;
	s5 =	simm.s32 $0xFFFFFFFF;
	p2 =	slt.u32 s8, $0xFFFFF086  }
0x1c: {  	p1 =	slt.u32 s9, $0xF7A;
	s5 =	simm.s32 @!p2 $0x0  }
0x1d: {  	s5 =	simm.s32 @p1 $0x1;
	p0 =	seq.s32 s7, s2  }
0x1e: {  	s7 =	smul.u32 @!p0 $0xF7A, s2;
	p2 =	seq.s32 @!p0 s5, $0x0  }
0x1f: {  	s9 =	smul.u32 $0xF7A, s1;
	s8 =	simm.s32 @!p0 $0x1BF5;
	p2 =	por !p2, p0  }
0x20: {  	[sflag:s8] =	ssyncset.s32 @!p0 $0xFFFFF086;
	s6 =	sadd.s32 @!p0 s3, s7;
	s7 =	simm.s32 @!p0 $0x108  }
0x21: {  	s3 =	sadd.s32 s3, s9;
	s6 =	sadd.s32 @!p0 $0x88, s6;
	s7 =	simm.s32 @p2 $0x1082  }
0x22: {  	[simem:s7], [sflag:s8] =	dma.local @!p0 [hbm:s6], $0xF7A  }
0x23: {  	s9 =	sor.u32 $0xD0000000, s2;
	s6 =	simm.s32 $0x108;
	_ =	swait.ge @!p0 [sflag:s8], $0x0  }
0x24: {  	s3 =	sadd.s32 $0x88, s3;
	s6 =	simm.s32 @!p1 $0x1082;
	[sflag:s4] =	ssyncset.s32 $0xFFFFF086  }
0x25: {  	[simem:s6], [sflag:s4] =	dma.local [hbm:s3], $0xF7A  }
0x26: {  	[smem:$0x3F8C] =	sst s1;
	(tag) =	ssettag s2;
	_ =	strace s9  }
0x27: {  	s1 =	sld [smem:$0x3F9C]  }
0x28: {  	s2 =	sld [smem:$0x3F9D]  }
0x29: {  	s4 =	sld [smem:$0x3F9F]  }
0x2a: {  	p0 =	seq.s32 s5, $0x0;
	s5 =	sld [smem:$0x3FA0]  }
0x2b: {  	s6 =	sld [smem:$0x3FA1]  }
0x2c: {  	s7 =	sld [smem:$0x3FA2]  }
0x2d: {  	s3 =	simm.s32 $0x108;
	s8 =	sld [smem:$0x3FA3]  }
0x2e: {  	s3 =	simm.s32 @!p0 $0x1082;
	s9 =	sld [smem:$0x3FA4]  }
0x2f: {  	lr =	sadd.s32 s0, s3;
	s0 =	sld [smem:$0x3F9B]  }
0x30: {  	s3 =	sld [smem:$0x3F9E]  }
0x31: {  	[smem:$0x3FA7] =	sst s10  }
0x32: {  	s10 =	sld [smem:$0x3FA5];
	_ =	sdelay $0x3  }
0x33: {  	p0 =	seq.s32 s10, $0x1;
	s10 =	sld [smem:$0x3FA7];
	_ =	sdelay $0x3  }
0x34: {  	[smem:$0x3FA7] =	sst s10  }
0x35: {  	s10 =	sld [smem:$0x3FA6];
	_ =	sdelay $0x3  }
0x36: {  	p1 =	seq.s32 s10, $0x1;
	s10 =	sld [smem:$0x3FA7];
	_ =	sdelay $0x3  }
0x37: {  	[smem:$0x3FA7] =	sst s10  }
0x38: {  	s10 =	sld [smem:$0x3FA8]  }
0x39: {  	_ = 	snop;
	(pc) =	sbr.ind lr, $3  }
0x3a: {  	_ = 	snop  }
0x3b: {  	_ = 	snop  }
0x3c: {  	p2 =	seq.s32 s10, $0x1;
	s10 =	sld [smem:$0x3FA7]  }
0x3d: {  	_ =	shalt  }
0x3e: {  	_ =	shalt  }
0x3f: {  	_ =	shalt  }
0x40: {  	_ =	shalt  }
0x41: {  	_ =	shalt  }
0x42: {  	_ =	shalt  }
0x43: {  	_ =	shalt  }
0x44: {  	_ =	shalt  }
0x45: {  	_ =	shalt  }
0x46: {  	_ =	shalt  }
0x47: {  	_ =	shalt  }
0x48: {  	_ =	shalt  }
0x49: {  	_ =	shalt  }
0x4a: {  	_ =	shalt  }
0x4b: {  	_ =	shalt  }
0x4c: {  	_ =	shalt  }
0x4d: {  	_ =	shalt  }
0x4e: {  	_ =	shalt  }
0x4f: {  	_ =	shalt  }
0x50: {  	_ =	shalt  }
0x51: {  	_ =	shalt  }
0x52: {  	_ =	shalt  }
0x53: {  	_ =	shalt  }
0x54: {  	_ =	shalt  }
0x55: {  	_ =	shalt  }
0x56: {  	_ =	shalt  }
0x57: {  	_ =	shalt  }
0x58: {  	_ =	shalt  }
0x59: {  	_ =	shalt  }
0x5a: {  	_ =	shalt  }
0x5b: {  	_ =	shalt  }
0x5c: {  	_ =	shalt  }
0x5d: {  	_ =	shalt  }
0x5e: {  	_ =	shalt  }
0x5f: {  	_ =	shalt  }
0x60: {  	_ =	shalt  }
0x61: {  	_ =	shalt  }
0x62: {  	_ =	shalt  }
0x63: {  	_ =	shalt  }
0x64: {  	_ =	shalt  }
0x65: {  	_ =	shalt  }
0x66: {  	_ =	shalt  }
0x67: {  	_ =	shalt  }
0x68: {  	_ =	shalt  }
0x69: {  	_ =	shalt  }
0x6a: {  	_ =	shalt  }
0x6b: {  	_ =	shalt  }
0x6c: {  	_ =	shalt  }
0x6d: {  	_ =	shalt  }
0x6e: {  	_ =	shalt  }
0x6f: {  	_ =	shalt  }
0x70: {  	_ =	shalt  }
0x71: {  	_ =	shalt  }
0x72: {  	_ =	shalt  }
0x73: {  	_ =	shalt  }
0x74: {  	_ =	shalt  }
0x75: {  	_ =	shalt  }
0x76: {  	_ =	shalt  }
0x77: {  	_ =	shalt  }
0x78: {  	_ =	shalt  }
0x79: {  	_ =	shalt  }
0x7a: {  	_ =	shalt  }
0x7b: {  	_ =	shalt  }
0x7c: {  	_ =	shalt  }
0x7d: {  	_ =	shalt  }
0x7e: {  	_ =	shalt  }
0x7f: {  	_ =	shalt  }
0x80: {  	_ =	shalt  }
0x81: {  	_ =	shalt  }
0x82: {  	_ =	shalt  }
0x83: {  	_ =	shalt  }
0x84: {  	_ =	shalt  }
0x85: {  	_ =	shalt  }
0x86: {  	_ =	shalt  }
0x87: {  	_ =	shalt  }
.Lfunc_end0:
.L_simem_size_0:
called_computation.2_lowered:
.L_overlay_start_0:
0x88: {  	s2 =	sld [smem:$0x3FD9]  }
0x89: {  	s3 =	sld [smem:$0x3FFE];
	_ =	sdelay $0x1  }
0x8a: {  	s1 =	srdreg.scid  }
0x8b: {  	s0 =	sand.u32 $0x1, s1  }
0x8c: {  	s16 =	sshll.u32 s0, $0xA;
	s2 =	sadd.s32 s3, s2  }
0x8d: {  	s2 =	sadd.s32 s2, s16  }
0x8e: {  	[smem:$0x3FB3] =	sst s2  }
0x8f: {  	_ = 	snop  }
0x90: {  	(tm) =	ssettm $0x1  }
0x91: {  	s17 =	sld [smem:$0x3FFB];
	_ =	sdelay $0x3  }
0x92: {  	_ =	strace s17  }
0x93: {  	s2 =	sld [smem:$0x3FFC];
	_ =	sdelay $0x3  }
0x94: {  	_ =	strace s2  }
0x95: {  	s2 =	sld [smem:$0x3FFD];
	_ =	sdelay $0x3  }
0x96: {  	_ =	strace s2  }
0x97: {  	_ =	strace $0x8FFFFFFF  }
0x98: {  	s18 =	sld [smem:$0x3FDB];
	_ =	sdelay $0x1  }
0x99: {  	s19 =	simm.s32 $_scs_section_size  }
0x9a: {  	s4 =	simm.s32 $_size__tile_overlayer_lowered;
	s5 =	simm.s32 $_tile_overlayer_lowered  }
0x9b: {  	s22 =	simm.s32 $0x1BFF;
	s21 =	sshll.u32 s5, $0x1;
	s2 =	sadd.s32 s19, s18  }
0x9c: {  	s6 =	simm.s32 $0x0;
	s20 =	sshll.u32 s4, $0x1;
	s4 =	sadd.s32 s21, s2  }
0x9d: {  	[timem:s6], [sflag:s22] =	dma.local [hbm:s4], s20  }
0x9e: {  	_ =	swait.ge [sflag:s22], s20  }
0x9f: {  	s3 =	ssub.s32 $0x0, s20;
	[sflag:s22] =	ssyncset.done $0x0  }
0xa0: {  	[sflag:s22] =	ssyncadd.s32 s3;
	_ =	sdelay $0x1  }
0xa1: {  	s23 =	simm.s32 $0x1B8B  }
0xa2: {  	_ =	swait.ge [sflag:s23], $0x1  }
0xa3: {  	[sflag:s23] =	ssyncset.done $0x0  }
0xa4: {  	s25 =	simm.s32 $0x1B8E;
	s24 =	sld [smem:$0x3FFE];
	[sflag:s23] =	ssyncadd.s32 $0xFFFFFFFF  }
0xa5: {  	s26 =	simm.s32 $execute0_lowered;
	[smem:$0x3FD2] =	sst s25  }
0xa6: {  	s4 =	sshll.u32 s26, $0x1;
	_ =	strace $0x8000004C;
	[dreg:$0x1] =	wrdreg $0xFFFFFFFF  }
0xa7: {  	s28 =	simm.s32 $_size_execute0_lowered;
	s2 =	sadd.s32 s2, s4;
	[dreg:$0x0] =	wrdreg $0x0  }
0xa8: {  	s4 =	sshll.u32 s28, $0x1;
	[dreg:$0x2] =	wrdreg s2  }
0xa9: {  	[dreg:$0x3] =	wrdreg s4  }
0xaa: {  	[dreg:$0x4] =	wrdreg $0xC0  }
0xab: {  	_ =	task [dreg:s6], $0x5FFFF  }
0xac: {  	[dreg:$0x1] =	wrdreg $0xFFFFFFFF  }
0xad: {  	[dreg:$0x0] =	wrdreg $0x60  }
0xae: {  	[dreg:$0x2] =	wrdreg s24  }
0xaf: {  	[dreg:$0x3] =	wrdreg $0xA4000  }
0xb0: {  	[dreg:$0x4] =	wrdreg $0x9  }
0xb1: {  	_ =	task.clear_ibuf [dreg:s6], $0x5FFFF;
	_ =	strace $0x9000004C  }
0xb2: {  	s29 =	simm.s32 $0x9;
	_ =	strace $0x8000004E  }
0xb3: {  	_ =	swait.ge [sflag:s29], $0x1  }
0xb4: {  	[sflag:s29] =	ssyncadd.s32 $0xFFFFFFFF  }
0xb5: {  	_ =	strace $0x9000004E  }
0xb6: {  	_ =	sfence  }
0xb7: {  	s30 =	sld [smem:$0x0];
	_ =	sdelay $0x2  }
0xb8: {  	s31 =	sshll.u32 s1, $0xD;
	s1 =	sshrl.u32 s1, $0x2  }
0xb9: {  	s3 =	sand.u32 $0x4000, s31;
	s1 =	sadd.s32 s1, s30  }
0xba: {  	s0 =	sor.u32 s3, s0;
	s1 =	sshll.u32 s1, $0x11  }
0xbb: {  	s0 =	sor.u32 s1, s0  }
0xbc: {  	s0 =	sadd.s32 $0x8F2B, s0  }
0xbd: {  	[sflag:s0] =	ssyncadd.remote.s32 $0x1  }
0xbe: {  	_ =	sfence.sel $0xFFFF  }
0xbf: {  	[dreg:$0x0] =	wrdreg $0xFFFFFFFF;
	(pc) =	sbr.abs _section_cstart, $3  }
0xc0: {  	[dreg:$0x1] =	wrdreg $0xFFFFFFFF  }
0xc1: {  	_ =	task.clear_ibuf [dreg:s6], $0x2FFFF;
	_ =	strace $0x9FFFFFFF  }
0xc2: {  	(tm) =	ssettm $0x7FFFFFFF  }
0xc3: {  	_ =	shalt  }
tec
execute0_lowered:
.L_overlay_start_1:
0x0: {  	(tag) =	ssettag $0x1  }
0x1: {  	s0 =	rddreg [dreg:$0x0]  }
0x2: {  	s1 =	rddreg [dreg:$0x1]  }
0x3: {  	s2 =	srdreg.scid;
	s3 =	simm.s32 $0x0;
	s9 =	stileid.u32  }
0x4: {  	s2 =	sand.u32 $0x1, s2;
	[smem:$0x7FF] =	sst s3;
	s8 =	smul.u32 $0x4F000, s9  }
0x5: {  	s26 =	sadd.s32 $0x4200, s0;
	s10 =	sadd.s32 $0x17C00, s0;
	s21 =	smul.u32 $0x2710, s9  }
0x6: {  	s17 =	sshll.u32 s9, $0x6;
	s4 =	sshll.u32 s2, $0x4;
	s5 =	smul.u32 $0x27800, s2  }
0x7: {  	_ =	strace $0x8000004D;
	s7 =	ssub.s32 $0x2, s2;
	[dreg:$0xb] =	wrdreg s10  }
0x8: {  	s23 =	sor.u32 $0x1C11, s17;
	s2 =	smul.u32 $0x27100, s2;
	s6 =	sor.u32 s9, s4  }
0x9: {  	s4 =	sadd.s32 $0x1A400, s0;
	s14 =	sshrl.u32 s7, $0x1;
	s15 =	sshrl.u32 s8, $0x2  }
0xa: {  	[dreg:$0xe] =	wrdreg s23;
	s6 =	smul.u32 $0x2710, s6;
	s0 =	sadd.s32 s5, s0  }
0xb: {  	s5 =	ssub.s32 s7, s14;
	s7 =	sadd.s32 s15, s1;
	s2 =	sadd.s32 s21, s2  }
0xc: {  	[dreg:$0xc] =	wrdreg s7;
	s12 =	sadd.s32 $0x230, s2;
	s5 =	smax.u32 s5, $0x1  }
0xd: {  	s16 =	sshrl.u32 s6, $0x3;
	s6 =	sadd.s32 $0x2D0, s6;
	[dreg:$0x19] =	wrdreg s5  }
0xe: {  	s14 =	sshrl.u32 s12, $0x3;
	s8 =	sadd.s32 s26, s16;
	[dreg:$0x3] =	wrdreg s6  }
0xf: {  	s6 =	sadd.s32 s14, s26;
	[dreg:$0xd] =	wrdreg s8  }
0x10: {  	s28 =	simm.s32 $0xA080;
	s18 =	sadd.s32 $0xA, s8;
	[dreg:$0x4] =	wrdreg s6  }
0x11: {  	s31 =	simm.s32 $0x50;
	s19 =	sadd.s32 $0x14, s8;
	[dreg:$0xf] =	wrdreg s18  }
0x12: {  	s0 =	sadd.s32 $0x41600, s0;
	s20 =	sadd.s32 $0x1E, s8;
	[dreg:$0x10] =	wrdreg s19  }
0x13: {  	s15 =	sadd.s32 $0x4E430, s2;
	s22 =	sadd.s32 $0x9C40, s8;
	[dreg:$0x11] =	wrdreg s20  }
0x14: {  	s17 =	sadd.s32 $0x1E0, s2;
	s24 =	sadd.s32 $0x9C4A, s8;
	[dreg:$0x12] =	wrdreg s22  }
0x15: {  	s7 =	sshrl.u32 s17, $0x3;
	s25 =	sadd.s32 $0x9C54, s8;
	[dreg:$0x13] =	wrdreg s24  }
0x16: {  	s17 =	simm.s32 $0x2;
	s29 =	sadd.s32 $0x28, s8;
	[dreg:$0x14] =	wrdreg s25  }
0x17: {  	s5 =	simm.s32 $0x8;
	s30 =	sadd.s32 $0x9C5E, s8;
	[dreg:$0x15] =	wrdreg s29  }
0x18: {  	s16 =	sshrl.u32 s15, $0x3;
	s11 =	sadd.s32 $0x32, s8;
	[dreg:$0x16] =	wrdreg s30  }
0x19: {  	s13 =	sadd.s32 $0xA118, s8;
	s6 =	sadd.s32 s16, s26;
	[dreg:$0x17] =	wrdreg s11  }
0x1a: {  	s8 =	simm.s32 $0x4;
	[dreg:$0x18] =	wrdreg s13;
	s18 =	sadd.s32 $0x4E3E0, s2  }
0x1b: {  	[dreg:$0x5] =	wrdreg s6;
	s19 =	sadd.s32 s7, s26;
	s22 =	sadd.s32 $0x280, s2  }
0x1c: {  	s25 =	sadd.s32 $0x4E390, s2;
	s2 =	sadd.s32 $0x4E340, s2;
	s30 =	smul.u32 $0x2780, s9  }
0x1d: {  	s13 =	simm.s32 $0xC;
	s9 =	simm.s32 $0x10;
	s20 =	sshrl.u32 s18, $0x3  }
0x1e: {  	[dreg:$0x6] =	wrdreg s19;
	s24 =	sshrl.u32 s22, $0x3;
	s7 =	sshrl.u32 s25, $0x3  }
0x1f: {  	s2 =	sshrl.u32 s2, $0x3;
	s25 =	simm.s32 $0x11;
	s21 =	sadd.s32 s20, s26  }
0x20: {  	s19 =	simm.s32 $0x3;
	s6 =	sadd.s32 s24, s26;
	[dreg:$0x7] =	wrdreg s21  }
0x21: {  	s18 =	simm.s32 $0xE;
	s29 =	sadd.s32 s7, s26;
	[dreg:$0x8] =	wrdreg s6  }
0x22: {  	s2 =	sadd.s32 s2, s26;
	s0 =	sadd.s32 s30, s0;
	[dreg:$0x9] =	wrdreg s29  }
0x23: {  	s7 =	simm.s32 $0xA180;
	s20 =	simm.s32 $0xF;
	[dreg:$0xa] =	wrdreg s2  }
0x24: {  	s24 =	simm.s32 $0x6;
	[dreg:$0x1a] =	wrdreg s0;
	s2 =	simm.s32 $0xA100  }
0x25: {  	s6 =	simm.s32 $0xB;
	s21 =	simm.s32 $0x7;
	s0 =	simm.s32 $0x0  }
.LBB2_1:
0x26: {  	[dreg:$0x1b] =	wrdreg s0  }
0x27: {  	s22 =	rddreg [dreg:$0xc]  }
0x28: {  	s30 =	rddreg [dreg:$0xb];
	s29 =	sshrl.u32 s22, $0x3  }
0x29: {  	[dreg:$0x1c] =	wrdreg s29  }
0x2a: {  	[spmem:s29], [sflag:s23] =	dma.local [hbm:s30], $0x2780  }
0x2b: {  	_ =	swait.ge [sflag:s25], $0x2780  }
0x2c: {  	[sflag:s25] =	ssyncset.done $0x0  }
0x2d: {  	[sflag:s25] =	ssyncadd.s32 $0xFFFFD880  }
0x2e: {  	[bflag:$0x0] =	sbarrier.arrive $0xFFFF  }
0x2f: {  	s23 =	simm.s32 $0xA000;
	s0 =	rddreg [dreg:$0xd]  }
0x30: {  	[tilespmem:s23], [sflag:$0x9] =	stream.linear.gather [hbm4b:s0+s3], $0x50, $0x38;
	[tilespmem:$0x1E000] =	vst v63  }
0x31: {  	s10 =	rddreg [dreg:$0xf]  }
0x32: {  	[tilespmem:s28], [sflag:$0xA] =	stream.linear.gather [hbm4b:s10+s3], $0x50, $0x38;
	[tilespmem:$0x1E000] =	vst v63  }
0x33: {  	s11 =	rddreg [dreg:$0x10]  }
0x34: {  	[tilespmem:s2], [sflag:$0xB] =	stream.linear.gather [hbm4b:s11+s3], $0x50, $0x38;
	[tilespmem:$0x1E000] =	vst v63  }
0x35: {  	s12 =	rddreg [dreg:$0x11]  }
0x36: {  	[tilespmem:s7], [sflag:$0xC] =	stream.linear.gather [hbm4b:s12+s3], $0x50, $0x38;
	[tilespmem:$0x1E000] =	vst v63  }
0x37: {  	s14 =	rddreg [dreg:$0x12];
	s10 =	simm.s32 $0xA200  }
0x38: {  	[tilespmem:s10], [sflag:$0xD] =	stream.linear.gather [hbm4b:s14+s3], $0x50, $0x38;
	[tilespmem:$0x1E000] =	vst v63  }
0x39: {  	s15 =	rddreg [dreg:$0x13];
	s14 =	simm.s32 $0xA280  }
0x3a: {  	[tilespmem:s14], [sflag:$0xE] =	stream.linear.gather [hbm4b:s15+s3], $0x50, $0x38;
	[tilespmem:$0x1E000] =	vst v63  }
0x3b: {  	s15 =	simm.s32 $0x9  }
0x3c: {  	_ =	swait.ge [sflag:s15], $0x50  }
0x3d: {  	[sflag:s15] =	ssyncset.done $0x0  }
0x3e: {  	s25 =	simm.s32 $0xA;
	[sflag:s15] =	ssyncadd.s32 $0xFFFFFFB0  }
0x3f: {  	[tilespmem:s3], [sflag:$0x1] =	stream.indirect.gather [hbm4b:s4+s31], $0x80, s23, s31, $0xb8;
	[tilespmem:$0x1E000] =	vst v63  }
0x40: {  	_ =	swait.ge [sflag:s25], $0x50  }
0x41: {  	[sflag:s25] =	ssyncset.done $0x0  }
0x42: {  	s0 =	simm.s32 $0x2800;
	[sflag:s25] =	ssyncadd.s32 $0xFFFFFFB0  }
0x43: {  	[tilespmem:s0], [sflag:$0x2] =	stream.indirect.gather [hbm4b:s4+s31], $0x80, s28, s31, $0xb8;
	[tilespmem:$0x1E000] =	vst v63  }
0x44: {  	_ =	swait.ge [sflag:s6], $0x50  }
0x45: {  	[sflag:s6] =	ssyncset.done $0x0  }
0x46: {  	s29 =	simm.s32 $0x5000;
	[sflag:s6] =	ssyncadd.s32 $0xFFFFFFB0  }
0x47: {  	[tilespmem:s29], [sflag:$0x3] =	stream.indirect.gather [hbm4b:s4+s31], $0x80, s2, s31, $0xb8;
	[tilespmem:$0x1E000] =	vst v63  }
0x48: {  	s11 =	simm.s32 $0xA300;
	s12 =	simm.s32 $0x1;
	s16 =	rddreg [dreg:$0x14]  }
0x49: {  	[tilespmem:s11], [sflag:$0xF] =	stream.linear.gather [hbm4b:s16+s3], $0x50, $0x38;
	[tilespmem:$0x1E000] =	vst v63  }
0x4a: {  	_ =	swait.ge [sflag:s12], $0x2800  }
0x4b: {  	[sflag:s12] =	ssyncset.done $0x0  }
0x4c: {  	s30 =	rddreg [dreg:$0x15];
	[sflag:s12] =	ssyncadd.s32 $0xFFFFD800  }
0x4d: {  	[tilespmem:s23], [sflag:$0x9] =	stream.linear.gather [hbm4b:s30+s3], $0x50, $0x38;
	[tilespmem:$0x1E000] =	vst v63  }
0x4e: {  	s30 =	simm.s32 $0xD  }
0x4f: {  	_ =	swait.ge [sflag:s30], $0x50  }
0x50: {  	[sflag:s30] =	ssyncset.done $0x0  }
0x51: {  	[sflag:s30] =	ssyncadd.s32 $0xFFFFFFB0  }
0x52: {  	[spmem:s1] =	stream.indirect.scatter.add.f32 [tilespmem:s3], [sflag:$0x5], $0x80, s10, s31, $0xb8;
	[tilespmem:$0x1E000] =	vst v63  }
0x53: {  	_ =	swait.ge [sflag:s13], $0x50  }
0x54: {  	[sflag:s13] =	ssyncset.done $0x0  }
0x55: {  	s16 =	simm.s32 $0x7800;
	[sflag:s13] =	ssyncadd.s32 $0xFFFFFFB0  }
0x56: {  	[tilespmem:s16], [sflag:$0x4] =	stream.indirect.gather [hbm4b:s4+s31], $0x80, s7, s31, $0xb8;
	[tilespmem:$0x1E000] =	vst v63  }
0x57: {  	s22 =	rddreg [dreg:$0x16];
	s16 =	simm.s32 $0xA380  }
0x58: {  	[tilespmem:s16], [sflag:$0x10] =	stream.linear.gather [hbm4b:s22+s3], $0x50, $0x38;
	[tilespmem:$0x1E000] =	vst v63  }
0x59: {  	_ =	swait.ge [sflag:s17], $0x2800  }
0x5a: {  	[sflag:s17] =	ssyncset.done $0x0  }
0x5b: {  	s22 =	rddreg [dreg:$0x17];
	[sflag:s17] =	ssyncadd.s32 $0xFFFFD800  }
0x5c: {  	[tilespmem:s28], [sflag:$0xA] =	stream.linear.gather [hbm4b:s22+s3], $0x50, $0x38;
	[tilespmem:$0x1E000] =	vst v63  }
0x5d: {  	_ =	swait.ge [sflag:s18], $0x50  }
0x5e: {  	[sflag:s18] =	ssyncset.done $0x0  }
0x5f: {  	s22 =	simm.s32 $0x5;
	[sflag:s18] =	ssyncadd.s32 $0xFFFFFFB0  }
0x60: {  	[spmem:s1] =	stream.indirect.scatter.add.f32 [tilespmem:s0], [sflag:$0x6], $0x80, s14, s31, $0xb8;
	[tilespmem:$0x1E000] =	vst v63  }
0x61: {  	_ =	swait.ge [sflag:s22], $0x2800  }
0x62: {  	[sflag:s22] =	ssyncset.done $0x0  }
0x63: {  	[sflag:s22] =	ssyncadd.s32 $0xFFFFD800  }
0x64: {  	_ =	swait.ge [sflag:s15], $0x50  }
0x65: {  	[sflag:s15] =	ssyncset.done $0x0  }
0x66: {  	s22 =	rddreg [dreg:$0xa];
	[sflag:s15] =	ssyncadd.s32 $0xFFFFFFB0  }
0x67: {  	[tilespmem:s3], [sflag:$0x1] =	stream.indirect.gather [hbm4b:s4+s31], $0x80, s23, s31, $0xb8;
	[tilespmem:$0x1E000] =	vst v63  }
0x68: {  	s22 =	sadd.s32 $0x0, s22  }
0x69: {  	[tilespmem:s10], [sflag:$0xD] =	stream.linear.gather [hbm4b:s22+s3], $0x50, $0x38;
	[tilespmem:$0x1E000] =	vst v63  }
0x6a: {  	_ =	swait.ge [sflag:s19], $0x2800  }
0x6b: {  	s15 =	rddreg [dreg:$0x6];
	[sflag:s19] =	ssyncset.done $0x0  }
0x6c: {  	[sflag:s19] =	ssyncadd.s32 $0xFFFFD800;
	s22 =	sadd.s32 $0x0, s15  }
0x6d: {  	[tilespmem:s2], [sflag:$0xB] =	stream.linear.gather [hbm4b:s22+s3], $0x50, $0x38;
	[tilespmem:$0x1E000] =	vst v63  }
0x6e: {  	_ =	swait.ge [sflag:s20], $0x50  }
0x6f: {  	[sflag:s20] =	ssyncset.done $0x0  }
0x70: {  	[sflag:s20] =	ssyncadd.s32 $0xFFFFFFB0  }
0x71: {  	[spmem:s1] =	stream.indirect.scatter.add.f32 [tilespmem:s29], [sflag:$0x7], $0x80, s11, s31, $0xb8;
	[tilespmem:$0x1E000] =	vst v63  }
0x72: {  	_ =	swait.ge [sflag:s24], $0x2800  }
0x73: {  	[sflag:s24] =	ssyncset.done $0x0  }
0x74: {  	[sflag:s24] =	ssyncadd.s32 $0xFFFFD800  }
0x75: {  	_ =	swait.ge [sflag:s25], $0x50  }
0x76: {  	[sflag:s25] =	ssyncset.done $0x0  }
0x77: {  	s15 =	rddreg [dreg:$0x9];
	[sflag:s25] =	ssyncadd.s32 $0xFFFFFFB0  }
0x78: {  	[tilespmem:s0], [sflag:$0x2] =	stream.indirect.gather [hbm4b:s4+s31], $0x80, s28, s31, $0xb8;
	[tilespmem:$0x1E000] =	vst v63  }
0x79: {  	s22 =	sadd.s32 $0x0, s15  }
0x7a: {  	[tilespmem:s14], [sflag:$0xE] =	stream.linear.gather [hbm4b:s22+s3], $0x50, $0x38;
	[tilespmem:$0x1E000] =	vst v63  }
0x7b: {  	_ =	swait.ge [sflag:s8], $0x2800  }
0x7c: {  	s0 =	rddreg [dreg:$0x4];
	[sflag:s8] =	ssyncset.done $0x0  }
0x7d: {  	[sflag:s8] =	ssyncadd.s32 $0xFFFFD800;
	s22 =	sadd.s32 $0x0, s0  }
0x7e: {  	[tilespmem:s7], [sflag:$0xC] =	stream.linear.gather [hbm4b:s22+s3], $0x50, $0x38;
	[tilespmem:$0x1E000] =	vst v63  }
0x7f: {  	_ =	swait.ge [sflag:s9], $0x50  }
0x80: {  	[sflag:s9] =	ssyncset.done $0x0  }
0x81: {  	s0 =	simm.s32 $0x7800;
	[sflag:s9] =	ssyncadd.s32 $0xFFFFFFB0  }
0x82: {  	[spmem:s1] =	stream.indirect.scatter.add.f32 [tilespmem:s0], [sflag:$0x8], $0x80, s16, s31, $0xb8;
	[tilespmem:$0x1E000] =	vst v63  }
0x83: {  	_ =	swait.ge [sflag:s21], $0x2800  }
0x84: {  	[sflag:s21] =	ssyncset.done $0x0  }
0x85: {  	[sflag:s21] =	ssyncadd.s32 $0xFFFFD800  }
0x86: {  	_ =	swait.ge [sflag:s6], $0x50  }
0x87: {  	[sflag:s6] =	ssyncset.done $0x0  }
0x88: {  	s14 =	rddreg [dreg:$0x7];
	[sflag:s6] =	ssyncadd.s32 $0xFFFFFFB0  }
0x89: {  	[tilespmem:s29], [sflag:$0x3] =	stream.indirect.gather [hbm4b:s4+s31], $0x80, s2, s31, $0xb8;
	[tilespmem:$0x1E000] =	vst v63  }
0x8a: {  	s22 =	sadd.s32 $0x0, s14  }
0x8b: {  	[tilespmem:s11], [sflag:$0xF] =	stream.linear.gather [hbm4b:s22+s3], $0x50, $0x38;
	[tilespmem:$0x1E000] =	vst v63  }
0x8c: {  	_ =	swait.ge [sflag:s12], $0x2800  }
0x8d: {  	s15 =	rddreg [dreg:$0x8];
	[sflag:s12] =	ssyncset.done $0x0  }
0x8e: {  	[sflag:s12] =	ssyncadd.s32 $0xFFFFD800;
	s22 =	sadd.s32 $0x0, s15  }
0x8f: {  	[tilespmem:s23], [sflag:$0x9] =	stream.linear.gather [hbm4b:s22+s3], $0x50, $0x38;
	[tilespmem:$0x1E000] =	vst v63  }
0x90: {  	_ =	swait.ge [sflag:s30], $0x50  }
0x91: {  	[sflag:s30] =	ssyncset.done $0x0  }
0x92: {  	[sflag:s30] =	ssyncadd.s32 $0xFFFFFFB0  }
0x93: {  	[spmem:s1] =	stream.indirect.scatter.add.f32 [tilespmem:s3], [sflag:$0x5], $0x80, s10, s31, $0xb8;
	[tilespmem:$0x1E000] =	vst v63  }
0x94: {  	_ =	swait.ge [sflag:s5], $0x2800  }
0x95: {  	[sflag:s5] =	ssyncset.done $0x0  }
0x96: {  	[sflag:s5] =	ssyncadd.s32 $0xFFFFD800  }
0x97: {  	_ =	swait.ge [sflag:s13], $0x50  }
0x98: {  	[sflag:s13] =	ssyncset.done $0x0  }
0x99: {  	s25 =	rddreg [dreg:$0x5];
	[sflag:s13] =	ssyncadd.s32 $0xFFFFFFB0  }
0x9a: {  	[tilespmem:s0], [sflag:$0x4] =	stream.indirect.gather [hbm4b:s4+s31], $0x80, s7, s31, $0xb8;
	[tilespmem:$0x1E000] =	vst v63  }
0x9b: {  	s29 =	smin.u32 s3, $0x73;
	s22 =	sadd.s32 $0x0, s25  }
0x9c: {  	[tilespmem:s16], [sflag:$0x10] =	stream.linear.gather [hbm4b:s22+s3], $0x50, $0x38;
	[tilespmem:$0x1E000] =	vst v63  }
0x9d: {  	s22 =	smul.u32 $0x50, s29;
	_ =	swait.ge [sflag:s17], $0x2800  }
0x9e: {  	s30 =	rddreg [dreg:$0x3]  }
0x9f: {  	s22 =	sadd.s32 s22, s30  }
0xa0: {  	[sflag:s17] =	ssyncset.done $0x0;
	s22 =	sshrl.u32 s22, $0x3  }
0xa1: {  	[sflag:s17] =	ssyncadd.s32 $0xFFFFD800;
	s22 =	sadd.s32 s26, s22  }
0xa2: {  	[tilespmem:s28], [sflag:$0xA] =	stream.linear.gather [hbm4b:s22+s3], $0x50, $0x38;
	[tilespmem:$0x1E000] =	vst v63  }
0xa3: {  	s11 =	simm.s32 $0xB;
	s23 =	simm.s32 $0x4;
	_ =	swait.ge [sflag:s18], $0x50  }
0xa4: {  	s10 =	simm.s32 $0xA180;
	s7 =	simm.s32 $0xA100;
	[sflag:s18] =	ssyncset.done $0x0  }
0xa5: {  	s16 =	simm.s32 $0xC;
	s22 =	simm.s32 $0x28;
	[sflag:s18] =	ssyncadd.s32 $0xFFFFFFB0  }
.LBB2_2:
0xa6: {  	s30 =	simm.s32 $0xA280;
	s15 =	simm.s32 $0x2800;
	s0 =	simm.s32 $0x5  }
0xa7: {  	[spmem:s1] =	stream.indirect.scatter.add.f32 [tilespmem:s15], [sflag:$0x6], $0x80, s30, s31, $0xb8;
	[tilespmem:$0x1E000] =	vst v63  }
0xa8: {  	_ =	swait.ge [sflag:s0], $0x2800  }
0xa9: {  	[sflag:s0] =	ssyncset.done $0x0  }
0xaa: {  	s14 =	simm.s32 $0x9;
	[sflag:s0] =	ssyncadd.s32 $0xFFFFD800  }
0xab: {  	_ =	swait.ge [sflag:s14], $0x50  }
0xac: {  	s25 =	smov.u32 s22;
	[sflag:s14] =	ssyncset.done $0x0  }
0xad: {  	s29 =	simm.s32 $0xA000;
	s13 =	rddreg [dreg:$0xa];
	[sflag:s14] =	ssyncadd.s32 $0xFFFFFFB0  }
0xae: {  	[tilespmem:s3], [sflag:$0x1] =	stream.indirect.gather [hbm4b:s4+s31], $0x80, s29, s31, $0xb8;
	[tilespmem:$0x1E000] =	vst v63  }
0xaf: {  	s28 =	smov.u32 s26;
	s26 =	sadd.s32 s25, s13;
	s14 =	simm.s32 $0xA200  }
0xb0: {  	[tilespmem:s14], [sflag:$0xD] =	stream.linear.gather [hbm4b:s26+s3], $0x50, $0x38;
	[tilespmem:$0x1E000] =	vst v63  }
0xb1: {  	_ =	swait.ge [sflag:s19], $0x2800  }
0xb2: {  	s17 =	rddreg [dreg:$0x6];
	[sflag:s19] =	ssyncset.done $0x0  }
0xb3: {  	[sflag:s19] =	ssyncadd.s32 $0xFFFFD800;
	s26 =	sadd.s32 s25, s17  }
0xb4: {  	[tilespmem:s7], [sflag:$0xB] =	stream.linear.gather [hbm4b:s26+s3], $0x50, $0x38;
	[tilespmem:$0x1E000] =	vst v63  }
0xb5: {  	_ =	swait.ge [sflag:s20], $0x50  }
0xb6: {  	[sflag:s20] =	ssyncset.done $0x0  }
0xb7: {  	s6 =	simm.s32 $0x5000;
	s12 =	simm.s32 $0xA300;
	[sflag:s20] =	ssyncadd.s32 $0xFFFFFFB0  }
0xb8: {  	[spmem:s1] =	stream.indirect.scatter.add.f32 [tilespmem:s6], [sflag:$0x7], $0x80, s12, s31, $0xb8;
	[tilespmem:$0x1E000] =	vst v63  }
0xb9: {  	_ =	swait.ge [sflag:s24], $0x2800  }
0xba: {  	[sflag:s24] =	ssyncset.done $0x0  }
0xbb: {  	s26 =	simm.s32 $0xA;
	[sflag:s24] =	ssyncadd.s32 $0xFFFFD800  }
0xbc: {  	_ =	swait.ge [sflag:s26], $0x50  }
0xbd: {  	[sflag:s26] =	ssyncset.done $0x0  }
0xbe: {  	s2 =	simm.s32 $0xA080;
	s13 =	rddreg [dreg:$0x9];
	[sflag:s26] =	ssyncadd.s32 $0xFFFFFFB0  }
0xbf: {  	[tilespmem:s15], [sflag:$0x2] =	stream.indirect.gather [hbm4b:s4+s31], $0x80, s2, s31, $0xb8;
	[tilespmem:$0x1E000] =	vst v63  }
0xc0: {  	s26 =	sadd.s32 s25, s13  }
0xc1: {  	[tilespmem:s30], [sflag:$0xE] =	stream.linear.gather [hbm4b:s26+s3], $0x50, $0x38;
	[tilespmem:$0x1E000] =	vst v63  }
0xc2: {  	_ =	swait.ge [sflag:s8], $0x2800  }
0xc3: {  	s17 =	rddreg [dreg:$0x4];
	[sflag:s8] =	ssyncset.done $0x0  }
0xc4: {  	[sflag:s8] =	ssyncadd.s32 $0xFFFFD800;
	s26 =	sadd.s32 s25, s17  }
0xc5: {  	[tilespmem:s10], [sflag:$0xC] =	stream.linear.gather [hbm4b:s26+s3], $0x50, $0x38;
	[tilespmem:$0x1E000] =	vst v63  }
0xc6: {  	_ =	swait.ge [sflag:s9], $0x50  }
0xc7: {  	[sflag:s9] =	ssyncset.done $0x0  }
0xc8: {  	s13 =	simm.s32 $0x7800;
	s17 =	simm.s32 $0xA380;
	[sflag:s9] =	ssyncadd.s32 $0xFFFFFFB0  }
0xc9: {  	[spmem:s1] =	stream.indirect.scatter.add.f32 [tilespmem:s13], [sflag:$0x8], $0x80, s17, s31, $0xb8;
	[tilespmem:$0x1E000] =	vst v63  }
0xca: {  	_ =	swait.ge [sflag:s21], $0x2800  }
0xcb: {  	[sflag:s21] =	ssyncset.done $0x0  }
0xcc: {  	[sflag:s21] =	ssyncadd.s32 $0xFFFFD800  }
0xcd: {  	_ =	swait.ge [sflag:s11], $0x50  }
0xce: {  	[sflag:s11] =	ssyncset.done $0x0  }
0xcf: {  	s2 =	rddreg [dreg:$0x7];
	[sflag:s11] =	ssyncadd.s32 $0xFFFFFFB0  }
0xd0: {  	[tilespmem:s6], [sflag:$0x3] =	stream.indirect.gather [hbm4b:s4+s31], $0x80, s7, s31, $0xb8;
	[tilespmem:$0x1E000] =	vst v63  }
0xd1: {  	s26 =	sadd.s32 s25, s2  }
0xd2: {  	[tilespmem:s12], [sflag:$0xF] =	stream.linear.gather [hbm4b:s26+s3], $0x50, $0x38;
	[tilespmem:$0x1E000] =	vst v63  }
0xd3: {  	s26 =	simm.s32 $0x1  }
0xd4: {  	_ =	swait.ge [sflag:s26], $0x2800  }
0xd5: {  	s12 =	rddreg [dreg:$0x8];
	[sflag:s26] =	ssyncset.done $0x0  }
0xd6: {  	[sflag:s26] =	ssyncadd.s32 $0xFFFFD800;
	s26 =	sadd.s32 s25, s12  }
0xd7: {  	[tilespmem:s29], [sflag:$0x9] =	stream.linear.gather [hbm4b:s26+s3], $0x50, $0x38;
	[tilespmem:$0x1E000] =	vst v63  }
0xd8: {  	s29 =	simm.s32 $0xD  }
0xd9: {  	_ =	swait.ge [sflag:s29], $0x50  }
0xda: {  	[sflag:s29] =	ssyncset.done $0x0  }
0xdb: {  	[sflag:s29] =	ssyncadd.s32 $0xFFFFFFB0  }
0xdc: {  	[spmem:s1] =	stream.indirect.scatter.add.f32 [tilespmem:s3], [sflag:$0x5], $0x80, s14, s31, $0xb8;
	[tilespmem:$0x1E000] =	vst v63  }
0xdd: {  	_ =	swait.ge [sflag:s5], $0x2800  }
0xde: {  	[sflag:s5] =	ssyncset.done $0x0  }
0xdf: {  	[sflag:s5] =	ssyncadd.s32 $0xFFFFD800  }
0xe0: {  	_ =	swait.ge [sflag:s16], $0x50  }
0xe1: {  	[sflag:s16] =	ssyncset.done $0x0  }
0xe2: {  	s14 =	rddreg [dreg:$0x5];
	[sflag:s16] =	ssyncadd.s32 $0xFFFFFFB0  }
0xe3: {  	[tilespmem:s13], [sflag:$0x4] =	stream.indirect.gather [hbm4b:s4+s31], $0x80, s10, s31, $0xb8;
	[tilespmem:$0x1E000] =	vst v63  }
0xe4: {  	s25 =	sadd.s32 s25, s14  }
0xe5: {  	[tilespmem:s17], [sflag:$0x10] =	stream.linear.gather [hbm4b:s25+s3], $0x50, $0x38;
	[tilespmem:$0x1E000] =	vst v63  }
0xe6: {  	s26 =	smin.u32 s23, $0x73;
	s17 =	simm.s32 $0x2  }
0xe7: {  	p0 =	sne.s32 s22, $0x488;
	s25 =	smul.u32 $0x50, s26;
	_ =	swait.ge [sflag:s17], $0x2800  }
0xe8: {  	s22 =	sadd.s32 $0x28, s22;
	s0 =	simm.s32 $0x2800;
	s29 =	rddreg [dreg:$0x3]  }
0xe9: {  	s15 =	simm.s32 $0xA280;
	s26 =	smov.u32 s28;
	s25 =	sadd.s32 s25, s29  }
0xea: {  	s28 =	simm.s32 $0xA080;
	[sflag:s17] =	ssyncset.done $0x0;
	s25 =	sshrl.u32 s25, $0x3  }
.Ltmp0:
0xeb: {  	[sflag:s17] =	ssyncadd.s32 $0xFFFFD800;
	s25 =	sadd.s32 s26, s25;
	(pc) =	sbr.rel @p0 .LBB2_2-.Ltmp0, $4  }
0xec: {  	[tilespmem:s28], [sflag:$0xA] =	stream.linear.gather [hbm4b:s25+s3], $0x50, $0x38;
	[tilespmem:$0x1E000] =	vst v63  }
0xed: {  	s30 =	simm.s32 $0x5000;
	s2 =	simm.s32 $0xA000;
	_ =	swait.ge [sflag:s18], $0x50  }
0xee: {  	s6 =	simm.s32 $0xA300;
	s12 =	simm.s32 $0x7800;
	[sflag:s18] =	ssyncset.done $0x0  }
0xef: {  	s23 =	sadd.s32 $0x4, s23;
	s13 =	simm.s32 $0xA380;
	[sflag:s18] =	ssyncadd.s32 $0xFFFFFFB0  }
0xf0: {  	[spmem:s1] =	stream.indirect.scatter.add.f32 [tilespmem:s0], [sflag:$0x6], $0x80, s15, s31, $0xb8;
	[tilespmem:$0x1E000] =	vst v63  }
0xf1: {  	s10 =	simm.s32 $0x5  }
0xf2: {  	_ =	swait.ge [sflag:s10], $0x2800  }
0xf3: {  	[sflag:s10] =	ssyncset.done $0x0  }
0xf4: {  	s7 =	simm.s32 $0x9;
	[sflag:s10] =	ssyncadd.s32 $0xFFFFD800  }
0xf5: {  	_ =	swait.ge [sflag:s7], $0x50  }
0xf6: {  	[sflag:s7] =	ssyncset.done $0x0  }
0xf7: {  	[sflag:s7] =	ssyncadd.s32 $0xFFFFFFB0  }
0xf8: {  	[tilespmem:s3], [sflag:$0x1] =	stream.indirect.gather [hbm4b:s4+s31], $0x80, s2, s31, $0xb8;
	[tilespmem:$0x1E000] =	vst v63  }
0xf9: {  	s11 =	simm.s32 $0xA200;
	s22 =	rddreg [dreg:$0x18]  }
0xfa: {  	[tilespmem:s11], [sflag:$0xD] =	stream.linear.gather [hbm4b:s22+s3], $0x50, $0x38;
	[tilespmem:$0x1E000] =	vst v63  }
0xfb: {  	_ =	swait.ge [sflag:s19], $0x2800  }
0xfc: {  	[sflag:s19] =	ssyncset.done $0x0  }
0xfd: {  	[sflag:s19] =	ssyncadd.s32 $0xFFFFD800  }
0xfe: {  	_ =	swait.ge [sflag:s20], $0x50  }
0xff: {  	[sflag:s20] =	ssyncset.done $0x0  }
0x100: {  	[sflag:s20] =	ssyncadd.s32 $0xFFFFFFB0  }
0x101: {  	[spmem:s1] =	stream.indirect.scatter.add.f32 [tilespmem:s30], [sflag:$0x7], $0x80, s6, s31, $0xb8;
	[tilespmem:$0x1E000] =	vst v63  }
0x102: {  	_ =	swait.ge [sflag:s24], $0x2800  }
0x103: {  	[sflag:s24] =	ssyncset.done $0x0  }
0x104: {  	[sflag:s24] =	ssyncadd.s32 $0xFFFFD800  }
0x105: {  	_ =	swait.ge [sflag:s8], $0x2800  }
0x106: {  	[sflag:s8] =	ssyncset.done $0x0  }
0x107: {  	[sflag:s8] =	ssyncadd.s32 $0xFFFFD800  }
0x108: {  	_ =	swait.ge [sflag:s9], $0x50  }
0x109: {  	[sflag:s9] =	ssyncset.done $0x0  }
0x10a: {  	[sflag:s9] =	ssyncadd.s32 $0xFFFFFFB0  }
0x10b: {  	[spmem:s1] =	stream.indirect.scatter.add.f32 [tilespmem:s12], [sflag:$0x8], $0x80, s13, s31, $0xb8;
	[tilespmem:$0x1E000] =	vst v63  }
0x10c: {  	_ =	swait.ge [sflag:s21], $0x2800  }
0x10d: {  	[sflag:s21] =	ssyncset.done $0x0  }
0x10e: {  	s14 =	simm.s32 $0x1;
	[sflag:s21] =	ssyncadd.s32 $0xFFFFD800  }
0x10f: {  	_ =	swait.ge [sflag:s14], $0x2800  }
0x110: {  	[sflag:s14] =	ssyncset.done $0x0  }
0x111: {  	s15 =	simm.s32 $0xD;
	[sflag:s14] =	ssyncadd.s32 $0xFFFFD800  }
0x112: {  	_ =	swait.ge [sflag:s15], $0x50  }
0x113: {  	[sflag:s15] =	ssyncset.done $0x0  }
0x114: {  	[sflag:s15] =	ssyncadd.s32 $0xFFFFFFB0  }
0x115: {  	[spmem:s1] =	stream.indirect.scatter.add.f32 [tilespmem:s3], [sflag:$0x5], $0x80, s11, s31, $0xb8;
	[tilespmem:$0x1E000] =	vst v63  }
0x116: {  	_ =	swait.ge [sflag:s5], $0x2800  }
0x117: {  	[sflag:s5] =	ssyncset.done $0x0  }
0x118: {  	[sflag:s5] =	ssyncadd.s32 $0xFFFFD800  }
0x119: {  	_ =	swait.ge [sflag:s10], $0x2800  }
0x11a: {  	[sflag:s10] =	ssyncset.done $0x0  }
0x11b: {  	s16 =	simm.s32 $0xA;
	[sflag:s10] =	ssyncadd.s32 $0xFFFFD800  }
0x11c: {  	_ =	swait.ge [sflag:s16], $0x50  }
0x11d: {  	[sflag:s16] =	ssyncset.done $0x0  }
0x11e: {  	[sflag:s16] =	ssyncadd.s32 $0xFFFFFFB0  }
0x11f: {  	[bflag:$0x0] =	sbarrier.arrive $0xFFFF  }
0x120: {  	s23 =	rddreg [dreg:$0xe]  }
0x121: {  	s22 =	rddreg [dreg:$0x1a]  }
0x122: {  	s25 =	rddreg [dreg:$0x1c]  }
0x123: {  	[hbm:s22], [sflag:s23] =	dma.local [spmem:s25], $0x2780  }
0x124: {  	s25 =	simm.s32 $0x11  }
0x125: {  	_ =	swait.ge [sflag:s25], $0x2780  }
0x126: {  	s29 =	rddreg [dreg:$0x1b]  }
0x127: {  	s30 =	rddreg [dreg:$0x19];
	s0 =	sadd.s32 $0x1, s29  }
0x128: {  	p0 =	sne.s32 s0, s30  }
.Ltmp1:
0x129: {  	_ = 	snop;
	(pc) =	sbr.rel @p0 .LBB2_1-.Ltmp1, $3  }
0x12a: {  	_ =	sdelay $0x1  }
0x12b: {  	s7 =	simm.s32 $0xA180;
	s2 =	simm.s32 $0xA100;
	[sflag:s25] =	ssyncset.done $0x0  }
0x12c: {  	s6 =	simm.s32 $0xB;
	s13 =	simm.s32 $0xC;
	[sflag:s25] =	ssyncadd.s32 $0xFFFFD880  }
0x12d: {  	_ =	sfence.sel $0x180000  }
0x12e: {  	[bflag:$0x0] =	sbarrier.arrive $0xFFFF  }
0x12f: {  	_ =	strace $0x9000004D  }
0x130: {  	s0 =	stileid.u32;
	[bflag:$0x2] =	sbarrier.arrive $0xFFFF  }
0x131: {  	p0 =	sne.s32 s0, $0x0;
	s0 =	rddreg [dreg:$0x2]  }
0x132: {  	s0 =	sadd.s32 @!p0 $0x100000, s0  }
0x133: {  	[sflag:s0] =	ssyncadd.tile.s32 @!p0 $0x1;
	_ =	shalt  }
.Lfunc_end2:
_tile_overlayer_lowered:
.L_overlay_start_2:
0x134: {  	(tag) =	ssettag $0x2  }
0x135: {  	s0 =	rddreg [dreg:$0x0];
	s2 =	stileid.u32  }
0x136: {  	s1 =	rddreg [dreg:$0x1];
	p0 =	sne.s32 s2, $0x0  }
0x137: {  	s3 =	rddreg [dreg:$0x2];
	[bflag:$0x3] =	sbarrier.arrive $0xFFFF;
	s2 =	simm.s32 @!p0 $0x1C11  }
0x138: {  	[timem:s3], [sflag:s2] =	dma.local @!p0 [hbm:s0], s1  }
0x139: {  	s0 =	simm.s32 @!p0 $0x11  }
0x13a: {  	_ =	swait.ge @!p0 [sflag:s0], s1  }
0x13b: {  	s1 =	ssub.s32 @!p0 $0x0, s1;
	[sflag:s0] =	ssyncset.done @!p0 $0x0  }
0x13c: {  	[sflag:s0] =	ssyncadd.s32 @!p0 s1  }
0x13d: {  	[bflag:$0x3] =	sbarrier.arrive $0xFFFF  }
0x13e: {  	_ =	shalt  }

// kernel: kernel.8.cloned.1.call-start
scs
__scs_entry_jumppad:
0x0: {  	(pc) =	sbr.rel $0x88, $3  }
0x1: {  	(tag) =	ssettag $0x0;
	lr =	simm.s32 $0x1  }
0x2: {  	[smem:$0x3F8C] =	sst lr;
	_ =	strace $0xD0000000  }
0x3: {  	_ = 	snop  }
0x4: {  	_ = 	snop  }
0x5: {  	_ = 	snop  }
0x6: {  	_ = 	snop  }
0x7: {  	_ = 	snop  }
__scs_overlays_trampoline_lowered:
0x8: {  	[smem:$0x3F9B] =	sst s0  }
0x9: {  	[smem:$0x3F9C] =	sst s1  }
0xa: {  	[smem:$0x3F9D] =	sst s2  }
0xb: {  	[smem:$0x3F9E] =	sst s3  }
0xc: {  	[smem:$0x3F9F] =	sst s4  }
0xd: {  	[smem:$0x3FA0] =	sst s5  }
0xe: {  	[smem:$0x3FA1] =	sst s6  }
0xf: {  	[smem:$0x3FA2] =	sst s7  }
0x10: {  	[smem:$0x3FA3] =	sst s8  }
0x11: {  	[smem:$0x3FA4] =	sst s9;
	s0 =	simm.s32 @!p0 $0x0  }
0x12: {  	s1 =	sld [smem:$0x3F8A];
	s0 =	simm.s32 @p0 $0x1  }
0x13: {  	[smem:$0x3FA5] =	sst s0;
	s0 =	simm.s32 @!p1 $0x0  }
0x14: {  	s2 =	sld [smem:$0x3F89];
	s0 =	simm.s32 @p1 $0x1  }
0x15: {  	[smem:$0x3FA6] =	sst s0;
	s0 =	simm.s32 @!p2 $0x0  }
0x16: {  	s3 =	sld [smem:$0x3FDB];
	s0 =	simm.s32 @p2 $0x1  }
0x17: {  	s4 =	simm.s32 $0x1BF5;
	[smem:$0x3FA8] =	sst s0  }
0x18: {  	s0 =	sld [smem:$0x3F8B];
	_ =	swait.ge [sflag:s4], $0x0  }
0x19: {  	s7 =	sld [smem:$0x3F8C]  }
0x1a: {  	s8 =	sadd.s32 $0xFFFFE003, lr  }
0x1b: {  	s9 =	sadd.s32 $0xFFFFFEF7, lr;
	s5 =	simm.s32 $0xFFFFFFFF;
	p2 =	slt.u32 s8, $0xFFFFF086  }
0x1c: {  	p1 =	slt.u32 s9, $0xF7A;
	s5 =	simm.s32 @!p2 $0x0  }
0x1d: {  	s5 =	simm.s32 @p1 $0x1;
	p0 =	seq.s32 s7, s2  }
0x1e: {  	s7 =	smul.u32 @!p0 $0xF7A, s2;
	p2 =	seq.s32 @!p0 s5, $0x0  }
0x1f: {  	s9 =	smul.u32 $0xF7A, s1;
	s8 =	simm.s32 @!p0 $0x1BF5;
	p2 =	por !p2, p0  }
0x20: {  	[sflag:s8] =	ssyncset.s32 @!p0 $0xFFFFF086;
	s6 =	sadd.s32 @!p0 s3, s7;
	s7 =	simm.s32 @!p0 $0x108  }
0x21: {  	s3 =	sadd.s32 s3, s9;
	s6 =	sadd.s32 @!p0 $0x88, s6;
	s7 =	simm.s32 @p2 $0x1082  }
0x22: {  	[simem:s7], [sflag:s8] =	dma.local @!p0 [hbm:s6], $0xF7A  }
0x23: {  	s9 =	sor.u32 $0xD0000000, s2;
	s6 =	simm.s32 $0x108;
	_ =	swait.ge @!p0 [sflag:s8], $0x0  }
0x24: {  	s3 =	sadd.s32 $0x88, s3;
	s6 =	simm.s32 @!p1 $0x1082;
	[sflag:s4] =	ssyncset.s32 $0xFFFFF086  }
0x25: {  	[simem:s6], [sflag:s4] =	dma.local [hbm:s3], $0xF7A  }
0x26: {  	[smem:$0x3F8C] =	sst s1;
	(tag) =	ssettag s2;
	_ =	strace s9  }
0x27: {  	s1 =	sld [smem:$0x3F9C]  }
0x28: {  	s2 =	sld [smem:$0x3F9D]  }
0x29: {  	s4 =	sld [smem:$0x3F9F]  }
0x2a: {  	p0 =	seq.s32 s5, $0x0;
	s5 =	sld [smem:$0x3FA0]  }
0x2b: {  	s6 =	sld [smem:$0x3FA1]  }
0x2c: {  	s7 =	sld [smem:$0x3FA2]  }
0x2d: {  	s3 =	simm.s32 $0x108;
	s8 =	sld [smem:$0x3FA3]  }
0x2e: {  	s3 =	simm.s32 @!p0 $0x1082;
	s9 =	sld [smem:$0x3FA4]  }
0x2f: {  	lr =	sadd.s32 s0, s3;
	s0 =	sld [smem:$0x3F9B]  }
0x30: {  	s3 =	sld [smem:$0x3F9E]  }
0x31: {  	[smem:$0x3FA7] =	sst s10  }
0x32: {  	s10 =	sld [smem:$0x3FA5];
	_ =	sdelay $0x3  }
0x33: {  	p0 =	seq.s32 s10, $0x1;
	s10 =	sld [smem:$0x3FA7];
	_ =	sdelay $0x3  }
0x34: {  	[smem:$0x3FA7] =	sst s10  }
0x35: {  	s10 =	sld [smem:$0x3FA6];
	_ =	sdelay $0x3  }
0x36: {  	p1 =	seq.s32 s10, $0x1;
	s10 =	sld [smem:$0x3FA7];
	_ =	sdelay $0x3  }
0x37: {  	[smem:$0x3FA7] =	sst s10  }
0x38: {  	s10 =	sld [smem:$0x3FA8]  }
0x39: {  	_ = 	snop;
	(pc) =	sbr.ind lr, $3  }
0x3a: {  	_ = 	snop  }
0x3b: {  	_ = 	snop  }
0x3c: {  	p2 =	seq.s32 s10, $0x1;
	s10 =	sld [smem:$0x3FA7]  }
0x3d: {  	_ =	shalt  }
0x3e: {  	_ =	shalt  }
0x3f: {  	_ =	shalt  }
0x40: {  	_ =	shalt  }
0x41: {  	_ =	shalt  }
0x42: {  	_ =	shalt  }
0x43: {  	_ =	shalt  }
0x44: {  	_ =	shalt  }
0x45: {  	_ =	shalt  }
0x46: {  	_ =	shalt  }
0x47: {  	_ =	shalt  }
0x48: {  	_ =	shalt  }
0x49: {  	_ =	shalt  }
0x4a: {  	_ =	shalt  }
0x4b: {  	_ =	shalt  }
0x4c: {  	_ =	shalt  }
0x4d: {  	_ =	shalt  }
0x4e: {  	_ =	shalt  }
0x4f: {  	_ =	shalt  }
0x50: {  	_ =	shalt  }
0x51: {  	_ =	shalt  }
0x52: {  	_ =	shalt  }
0x53: {  	_ =	shalt  }
0x54: {  	_ =	shalt  }
0x55: {  	_ =	shalt  }
0x56: {  	_ =	shalt  }
0x57: {  	_ =	shalt  }
0x58: {  	_ =	shalt  }
0x59: {  	_ =	shalt  }
0x5a: {  	_ =	shalt  }
0x5b: {  	_ =	shalt  }
0x5c: {  	_ =	shalt  }
0x5d: {  	_ =	shalt  }
0x5e: {  	_ =	shalt  }
0x5f: {  	_ =	shalt  }
0x60: {  	_ =	shalt  }
0x61: {  	_ =	shalt  }
0x62: {  	_ =	shalt  }
0x63: {  	_ =	shalt  }
0x64: {  	_ =	shalt  }
0x65: {  	_ =	shalt  }
0x66: {  	_ =	shalt  }
0x67: {  	_ =	shalt  }
0x68: {  	_ =	shalt  }
0x69: {  	_ =	shalt  }
0x6a: {  	_ =	shalt  }
0x6b: {  	_ =	shalt  }
0x6c: {  	_ =	shalt  }
0x6d: {  	_ =	shalt  }
0x6e: {  	_ =	shalt  }
0x6f: {  	_ =	shalt  }
0x70: {  	_ =	shalt  }
0x71: {  	_ =	shalt  }
0x72: {  	_ =	shalt  }
0x73: {  	_ =	shalt  }
0x74: {  	_ =	shalt  }
0x75: {  	_ =	shalt  }
0x76: {  	_ =	shalt  }
0x77: {  	_ =	shalt  }
0x78: {  	_ =	shalt  }
0x79: {  	_ =	shalt  }
0x7a: {  	_ =	shalt  }
0x7b: {  	_ =	shalt  }
0x7c: {  	_ =	shalt  }
0x7d: {  	_ =	shalt  }
0x7e: {  	_ =	shalt  }
0x7f: {  	_ =	shalt  }
0x80: {  	_ =	shalt  }
0x81: {  	_ =	shalt  }
0x82: {  	_ =	shalt  }
0x83: {  	_ =	shalt  }
0x84: {  	_ =	shalt  }
0x85: {  	_ =	shalt  }
0x86: {  	_ =	shalt  }
0x87: {  	_ =	shalt  }
.Lfunc_end0:
.L_simem_size_0:
called_computation_lowered:
.L_overlay_start_0:
0x88: {  	s2 =	sld [smem:$0x3FD9]  }
0x89: {  	s3 =	sld [smem:$0x3FFE];
	_ =	sdelay $0x1  }
0x8a: {  	s1 =	srdreg.scid  }
0x8b: {  	s0 =	sand.u32 $0x1, s1  }
0x8c: {  	s17 =	sshll.u32 s0, $0xA;
	s2 =	sadd.s32 s3, s2  }
0x8d: {  	s2 =	sadd.s32 s2, s17  }
0x8e: {  	[smem:$0x3FB3] =	sst s2  }
0x8f: {  	_ = 	snop  }
0x90: {  	s2 =	sld [smem:$0x3FC9];
	(tm) =	ssettm $0x1  }
0x91: {  	s18 =	sld [smem:$0x3FFB];
	_ =	sdelay $0x3  }
0x92: {  	_ =	strace s18  }
0x93: {  	s3 =	sld [smem:$0x3FFC];
	_ =	sdelay $0x3  }
0x94: {  	_ =	strace s3  }
0x95: {  	s3 =	sld [smem:$0x3FFD];
	_ =	sdelay $0x3  }
0x96: {  	_ =	strace s3  }
0x97: {  	_ =	strace $0x8FFFFFFF  }
0x98: {  	s19 =	sld [smem:$0x3FDB];
	_ =	sdelay $0x1  }
0x99: {  	s4 =	simm.s32 $_scs_section_size  }
0x9a: {  	s5 =	simm.s32 $_size__tile_overlayer_lowered;
	s6 =	simm.s32 $_tile_overlayer_lowered  }
0x9b: {  	s22 =	simm.s32 $0x1BFF;
	s21 =	sshll.u32 s6, $0x1;
	s3 =	sadd.s32 s4, s19  }
0x9c: {  	s7 =	simm.s32 $0x0;
	s20 =	sshll.u32 s5, $0x1;
	s5 =	sadd.s32 s21, s3  }
0x9d: {  	[timem:s7], [sflag:s22] =	dma.local [hbm:s5], s20  }
0x9e: {  	_ =	swait.ge [sflag:s22], s20  }
0x9f: {  	s4 =	ssub.s32 $0x0, s20;
	[sflag:s22] =	ssyncset.done $0x0  }
0xa0: {  	[sflag:s22] =	ssyncadd.s32 s4;
	_ =	sdelay $0x1  }
0xa1: {  	s23 =	simm.s32 $0x1B8B  }
0xa2: {  	_ =	swait.ge [sflag:s23], $0x1  }
0xa3: {  	[sflag:s23] =	ssyncset.done $0x0  }
0xa4: {  	s25 =	simm.s32 $0x1B8E;
	s24 =	sld [smem:$0x3FFE];
	[sflag:s23] =	ssyncadd.s32 $0xFFFFFFFF  }
0xa5: {  	s26 =	simm.s32 $execute0_lowered;
	[smem:$0x3FD2] =	sst s25  }
0xa6: {  	s5 =	sshll.u32 s26, $0x1;
	_ =	strace $0x80000046;
	[dreg:$0x1] =	wrdreg $0xFFFFFFFF  }
0xa7: {  	s28 =	simm.s32 $_size_execute0_lowered;
	s3 =	sadd.s32 s3, s5;
	[dreg:$0x0] =	wrdreg $0x0  }
0xa8: {  	s5 =	sshll.u32 s28, $0x1;
	[dreg:$0x2] =	wrdreg s3  }
0xa9: {  	[dreg:$0x3] =	wrdreg s5  }
0xaa: {  	[dreg:$0x4] =	wrdreg $0xC0  }
0xab: {  	_ =	task [dreg:s7], $0x5FFFF  }
0xac: {  	[dreg:$0x1] =	wrdreg $0xFFFFFFFF  }
0xad: {  	[dreg:$0x0] =	wrdreg $0x60  }
0xae: {  	[dreg:$0x2] =	wrdreg s2  }
0xaf: {  	[dreg:$0x3] =	wrdreg s24  }
0xb0: {  	[dreg:$0x4] =	wrdreg $0xA4000  }
0xb1: {  	[dreg:$0x5] =	wrdreg $0x9  }
0xb2: {  	_ =	task.clear_ibuf [dreg:s7], $0x6FFFF;
	_ =	strace $0x90000046  }
0xb3: {  	s29 =	simm.s32 $0x9;
	_ =	strace $0x80000048  }
0xb4: {  	_ =	swait.ge [sflag:s29], $0x1  }
0xb5: {  	[sflag:s29] =	ssyncadd.s32 $0xFFFFFFFF  }
0xb6: {  	_ =	strace $0x90000048  }
0xb7: {  	_ =	sfence  }
0xb8: {  	s30 =	sld [smem:$0x0];
	_ =	sdelay $0x2  }
0xb9: {  	s31 =	sshll.u32 s1, $0xD;
	s1 =	sshrl.u32 s1, $0x2  }
0xba: {  	s3 =	sand.u32 $0x4000, s31;
	s1 =	sadd.s32 s1, s30  }
0xbb: {  	s0 =	sor.u32 s3, s0;
	s1 =	sshll.u32 s1, $0x11  }
0xbc: {  	s0 =	sor.u32 s1, s0  }
0xbd: {  	s0 =	sadd.s32 $0x8F2B, s0  }
0xbe: {  	[sflag:s0] =	ssyncadd.remote.s32 $0x1  }
0xbf: {  	_ =	sfence.sel $0xFFFF  }
0xc0: {  	[dreg:$0x0] =	wrdreg $0xFFFFFFFF;
	(pc) =	sbr.abs _section_cstart, $3  }
0xc1: {  	[dreg:$0x1] =	wrdreg $0xFFFFFFFF  }
0xc2: {  	_ =	task.clear_ibuf [dreg:s7], $0x2FFFF;
	_ =	strace $0x9FFFFFFF  }
0xc3: {  	(tm) =	ssettm $0x7FFFFFFF  }
tec
execute0_lowered:
.L_overlay_start_1:
0x0: {  	(tag) =	ssettag $0x1  }
0x1: {  	s1 =	rddreg [dreg:$0x0]  }
0x2: {  	s0 =	rddreg [dreg:$0x1]  }
0x3: {  	s2 =	rddreg [dreg:$0x2];
	s3 =	srdreg.scid  }
0x4: {  	s4 =	simm.s32 $0x0;
	s9 =	stileid.u32;
	s3 =	sand.u32 $0x1, s3  }
0x5: {  	[smem:$0x7FF] =	sst s4;
	s26 =	sadd.s32 $0x4200, s0;
	s8 =	smul.u32 $0x4F000, s9  }
0x6: {  	s10 =	sadd.s32 $0x17C00, s0;
	s17 =	sshll.u32 s9, $0x6;
	s21 =	smul.u32 $0x2710, s9  }
0x7: {  	s5 =	sshll.u32 s3, $0x4;
	s6 =	smul.u32 $0x27800, s3;
	_ =	strace $0x80000047  }
0x8: {  	s7 =	ssub.s32 $0x2, s3;
	[dreg:$0xc] =	wrdreg s10;
	s23 =	sor.u32 $0x1C11, s17  }
0x9: {  	s3 =	smul.u32 $0x27100, s3;
	s5 =	sor.u32 s9, s5;
	s14 =	sshrl.u32 s7, $0x1  }
0xa: {  	s15 =	sshrl.u32 s8, $0x2;
	[dreg:$0xf] =	wrdreg s23;
	s5 =	smul.u32 $0x2710, s5  }
0xb: {  	s0 =	sadd.s32 s6, s0;
	s6 =	ssub.s32 s7, s14;
	s7 =	sadd.s32 s15, s2  }
0xc: {  	s3 =	sadd.s32 s21, s3;
	[dreg:$0xd] =	wrdreg s7  }
0xd: {  	s11 =	sadd.s32 $0x230, s3;
	s16 =	sshrl.u32 s5, $0x3;
	s5 =	sadd.s32 $0x2D0, s5  }
0xe: {  	s13 =	sshrl.u32 s11, $0x3;
	s8 =	sadd.s32 s26, s16;
	[dreg:$0x4] =	wrdreg s5  }
0xf: {  	s5 =	sadd.s32 s13, s26;
	[dreg:$0xe] =	wrdreg s8  }
0x10: {  	s18 =	sadd.s32 $0xA, s8;
	[dreg:$0x5] =	wrdreg s5  }
0x11: {  	s28 =	simm.s32 $0xA080;
	s19 =	sadd.s32 $0x14, s8;
	[dreg:$0x10] =	wrdreg s18  }
0x12: {  	s31 =	simm.s32 $0x50;
	s20 =	sadd.s32 $0x1E, s8;
	[dreg:$0x11] =	wrdreg s19  }
0x13: {  	s0 =	sadd.s32 $0x1A400, s0;
	s22 =	sadd.s32 $0x9C40, s8;
	[dreg:$0x12] =	wrdreg s20  }
0x14: {  	s14 =	sadd.s32 $0x4E430, s3;
	s24 =	sadd.s32 $0x9C4A, s8;
	[dreg:$0x13] =	wrdreg s22  }
0x15: {  	s17 =	sadd.s32 $0x4E3E0, s3;
	s25 =	sadd.s32 $0x9C54, s8;
	[dreg:$0x14] =	wrdreg s24  }
0x16: {  	s21 =	sadd.s32 $0x280, s3;
	s29 =	sadd.s32 $0x28, s8;
	[dreg:$0x15] =	wrdreg s25  }
0x17: {  	s15 =	sshrl.u32 s14, $0x3;
	s30 =	sadd.s32 $0x9C5E, s8;
	[dreg:$0x16] =	wrdreg s29  }
0x18: {  	s16 =	sadd.s32 $0x1E0, s3;
	s10 =	sadd.s32 $0x32, s8;
	[dreg:$0x17] =	wrdreg s30  }
0x19: {  	s13 =	simm.s32 $0xC;
	s12 =	sadd.s32 $0xA118, s8;
	[dreg:$0x18] =	wrdreg s10  }
0x1a: {  	s5 =	sadd.s32 s15, s26;
	s7 =	sshrl.u32 s16, $0x3;
	[dreg:$0x19] =	wrdreg s12  }
0x1b: {  	s8 =	simm.s32 $0x4;
	[dreg:$0x6] =	wrdreg s5;
	s18 =	sadd.s32 s7, s26  }
0x1c: {  	s19 =	sshrl.u32 s17, $0x3;
	s22 =	sshrl.u32 s21, $0x3;
	s24 =	sadd.s32 $0x4E390, s3  }
0x1d: {  	s3 =	sadd.s32 $0x4E340, s3;
	s29 =	smul.u32 $0x2780, s9;
	s30 =	smax.u32 s6, $0x1  }
0x1e: {  	s6 =	simm.s32 $0xB;
	s17 =	simm.s32 $0x2;
	s9 =	simm.s32 $0x10  }
0x1f: {  	s21 =	simm.s32 $0x7;
	[dreg:$0x7] =	wrdreg s18;
	s20 =	sadd.s32 s19, s26  }
0x20: {  	s5 =	sadd.s32 s22, s26;
	s7 =	sshrl.u32 s24, $0x3;
	[dreg:$0x1a] =	wrdreg s30  }
0x21: {  	s3 =	sshrl.u32 s3, $0x3;
	s19 =	simm.s32 $0x3;
	[dreg:$0x8] =	wrdreg s20  }
0x22: {  	s24 =	simm.s32 $0x6;
	s18 =	simm.s32 $0xE;
	[dreg:$0x9] =	wrdreg s5  }
0x23: {  	s25 =	sadd.s32 s7, s26;
	s3 =	sadd.s32 s3, s26;
	s0 =	sadd.s32 s29, s0  }
0x24: {  	s7 =	simm.s32 $0xA180;
	s20 =	simm.s32 $0xF;
	[dreg:$0xa] =	wrdreg s25  }
0x25: {  	s5 =	simm.s32 $0x8;
	[dreg:$0xb] =	wrdreg s3;
	s25 =	simm.s32 $0x11  }
0x26: {  	[dreg:$0x1b] =	wrdreg s0;
	s3 =	simm.s32 $0xA100;
	s0 =	simm.s32 $0x0  }
.LBB2_1:
0x27: {  	[dreg:$0x1c] =	wrdreg s0  }
0x28: {  	s22 =	rddreg [dreg:$0xd]  }
0x29: {  	s30 =	rddreg [dreg:$0xc];
	s29 =	sshrl.u32 s22, $0x3  }
0x2a: {  	[dreg:$0x1d] =	wrdreg s29  }
0x2b: {  	[spmem:s29], [sflag:s23] =	dma.local [hbm:s30], $0x2780  }
0x2c: {  	_ =	swait.ge [sflag:s25], $0x2780  }
0x2d: {  	[sflag:s25] =	ssyncset.done $0x0  }
0x2e: {  	[sflag:s25] =	ssyncadd.s32 $0xFFFFD880  }
0x2f: {  	[bflag:$0x0] =	sbarrier.arrive $0xFFFF  }
0x30: {  	s23 =	simm.s32 $0xA000;
	s0 =	rddreg [dreg:$0xe]  }
0x31: {  	[tilespmem:s23], [sflag:$0x9] =	stream.linear.gather [hbm4b:s0+s4], $0x50, $0x38;
	[tilespmem:$0x1E000] =	vst v63  }
0x32: {  	s10 =	rddreg [dreg:$0x10]  }
0x33: {  	[tilespmem:s28], [sflag:$0xA] =	stream.linear.gather [hbm4b:s10+s4], $0x50, $0x38;
	[tilespmem:$0x1E000] =	vst v63  }
0x34: {  	s11 =	rddreg [dreg:$0x11]  }
0x35: {  	[tilespmem:s3], [sflag:$0xB] =	stream.linear.gather [hbm4b:s11+s4], $0x50, $0x38;
	[tilespmem:$0x1E000] =	vst v63  }
0x36: {  	s12 =	rddreg [dreg:$0x12]  }
0x37: {  	[tilespmem:s7], [sflag:$0xC] =	stream.linear.gather [hbm4b:s12+s4], $0x50, $0x38;
	[tilespmem:$0x1E000] =	vst v63  }
0x38: {  	s14 =	rddreg [dreg:$0x13];
	s10 =	simm.s32 $0xA200  }
0x39: {  	[tilespmem:s10], [sflag:$0xD] =	stream.linear.gather [hbm4b:s14+s4], $0x50, $0x38;
	[tilespmem:$0x1E000] =	vst v63  }
0x3a: {  	s15 =	rddreg [dreg:$0x14];
	s14 =	simm.s32 $0xA280  }
0x3b: {  	[tilespmem:s14], [sflag:$0xE] =	stream.linear.gather [hbm4b:s15+s4], $0x50, $0x38;
	[tilespmem:$0x1E000] =	vst v63  }
0x3c: {  	s15 =	simm.s32 $0x9  }
0x3d: {  	_ =	swait.ge [sflag:s15], $0x50  }
0x3e: {  	[sflag:s15] =	ssyncset.done $0x0  }
0x3f: {  	s25 =	simm.s32 $0xA;
	[sflag:s15] =	ssyncadd.s32 $0xFFFFFFB0  }
0x40: {  	[tilespmem:s4], [sflag:$0x1] =	stream.indirect.gather [hbm4b:s1+s31], $0x80, s23, s31, $0xb8;
	[tilespmem:$0x1E000] =	vst v63  }
0x41: {  	_ =	swait.ge [sflag:s25], $0x50  }
0x42: {  	[sflag:s25] =	ssyncset.done $0x0  }
0x43: {  	s0 =	simm.s32 $0x2800;
	[sflag:s25] =	ssyncadd.s32 $0xFFFFFFB0  }
0x44: {  	[tilespmem:s0], [sflag:$0x2] =	stream.indirect.gather [hbm4b:s1+s31], $0x80, s28, s31, $0xb8;
	[tilespmem:$0x1E000] =	vst v63  }
0x45: {  	_ =	swait.ge [sflag:s6], $0x50  }
0x46: {  	[sflag:s6] =	ssyncset.done $0x0  }
0x47: {  	s29 =	simm.s32 $0x5000;
	[sflag:s6] =	ssyncadd.s32 $0xFFFFFFB0  }
0x48: {  	[tilespmem:s29], [sflag:$0x3] =	stream.indirect.gather [hbm4b:s1+s31], $0x80, s3, s31, $0xb8;
	[tilespmem:$0x1E000] =	vst v63  }
0x49: {  	s11 =	simm.s32 $0xA300;
	s12 =	simm.s32 $0x1;
	s16 =	rddreg [dreg:$0x15]  }
0x4a: {  	[tilespmem:s11], [sflag:$0xF] =	stream.linear.gather [hbm4b:s16+s4], $0x50, $0x38;
	[tilespmem:$0x1E000] =	vst v63  }
0x4b: {  	_ =	swait.ge [sflag:s12], $0x2800  }
0x4c: {  	[sflag:s12] =	ssyncset.done $0x0  }
0x4d: {  	s30 =	rddreg [dreg:$0x16];
	[sflag:s12] =	ssyncadd.s32 $0xFFFFD800  }
0x4e: {  	[tilespmem:s23], [sflag:$0x9] =	stream.linear.gather [hbm4b:s30+s4], $0x50, $0x38;
	[tilespmem:$0x1E000] =	vst v63  }
0x4f: {  	s30 =	simm.s32 $0xD  }
0x50: {  	_ =	swait.ge [sflag:s30], $0x50  }
0x51: {  	[sflag:s30] =	ssyncset.done $0x0  }
0x52: {  	[sflag:s30] =	ssyncadd.s32 $0xFFFFFFB0  }
0x53: {  	[spmem:s2] =	stream.indirect.scatter.add.f32 [tilespmem:s4], [sflag:$0x5], $0x80, s10, s31, $0xb8;
	[tilespmem:$0x1E000] =	vst v63  }
0x54: {  	_ =	swait.ge [sflag:s13], $0x50  }
0x55: {  	[sflag:s13] =	ssyncset.done $0x0  }
0x56: {  	s16 =	simm.s32 $0x7800;
	[sflag:s13] =	ssyncadd.s32 $0xFFFFFFB0  }
0x57: {  	[tilespmem:s16], [sflag:$0x4] =	stream.indirect.gather [hbm4b:s1+s31], $0x80, s7, s31, $0xb8;
	[tilespmem:$0x1E000] =	vst v63  }
0x58: {  	s22 =	rddreg [dreg:$0x17];
	s16 =	simm.s32 $0xA380  }
0x59: {  	[tilespmem:s16], [sflag:$0x10] =	stream.linear.gather [hbm4b:s22+s4], $0x50, $0x38;
	[tilespmem:$0x1E000] =	vst v63  }
0x5a: {  	_ =	swait.ge [sflag:s17], $0x2800  }
0x5b: {  	[sflag:s17] =	ssyncset.done $0x0  }
0x5c: {  	s22 =	rddreg [dreg:$0x18];
	[sflag:s17] =	ssyncadd.s32 $0xFFFFD800  }
0x5d: {  	[tilespmem:s28], [sflag:$0xA] =	stream.linear.gather [hbm4b:s22+s4], $0x50, $0x38;
	[tilespmem:$0x1E000] =	vst v63  }
0x5e: {  	_ =	swait.ge [sflag:s18], $0x50  }
0x5f: {  	[sflag:s18] =	ssyncset.done $0x0  }
0x60: {  	s22 =	simm.s32 $0x5;
	[sflag:s18] =	ssyncadd.s32 $0xFFFFFFB0  }
0x61: {  	[spmem:s2] =	stream.indirect.scatter.add.f32 [tilespmem:s0], [sflag:$0x6], $0x80, s14, s31, $0xb8;
	[tilespmem:$0x1E000] =	vst v63  }
0x62: {  	_ =	swait.ge [sflag:s22], $0x2800  }
0x63: {  	[sflag:s22] =	ssyncset.done $0x0  }
0x64: {  	[sflag:s22] =	ssyncadd.s32 $0xFFFFD800  }
0x65: {  	_ =	swait.ge [sflag:s15], $0x50  }
0x66: {  	[sflag:s15] =	ssyncset.done $0x0  }
0x67: {  	s22 =	rddreg [dreg:$0xb];
	[sflag:s15] =	ssyncadd.s32 $0xFFFFFFB0  }
0x68: {  	[tilespmem:s4], [sflag:$0x1] =	stream.indirect.gather [hbm4b:s1+s31], $0x80, s23, s31, $0xb8;
	[tilespmem:$0x1E000] =	vst v63  }
0x69: {  	s22 =	sadd.s32 $0x0, s22  }
0x6a: {  	[tilespmem:s10], [sflag:$0xD] =	stream.linear.gather [hbm4b:s22+s4], $0x50, $0x38;
	[tilespmem:$0x1E000] =	vst v63  }
0x6b: {  	_ =	swait.ge [sflag:s19], $0x2800  }
0x6c: {  	s15 =	rddreg [dreg:$0x7];
	[sflag:s19] =	ssyncset.done $0x0  }
0x6d: {  	[sflag:s19] =	ssyncadd.s32 $0xFFFFD800;
	s22 =	sadd.s32 $0x0, s15  }
0x6e: {  	[tilespmem:s3], [sflag:$0xB] =	stream.linear.gather [hbm4b:s22+s4], $0x50, $0x38;
	[tilespmem:$0x1E000] =	vst v63  }
0x6f: {  	_ =	swait.ge [sflag:s20], $0x50  }
0x70: {  	[sflag:s20] =	ssyncset.done $0x0  }
0x71: {  	[sflag:s20] =	ssyncadd.s32 $0xFFFFFFB0  }
0x72: {  	[spmem:s2] =	stream.indirect.scatter.add.f32 [tilespmem:s29], [sflag:$0x7], $0x80, s11, s31, $0xb8;
	[tilespmem:$0x1E000] =	vst v63  }
0x73: {  	_ =	swait.ge [sflag:s24], $0x2800  }
0x74: {  	[sflag:s24] =	ssyncset.done $0x0  }
0x75: {  	[sflag:s24] =	ssyncadd.s32 $0xFFFFD800  }
0x76: {  	_ =	swait.ge [sflag:s25], $0x50  }
0x77: {  	[sflag:s25] =	ssyncset.done $0x0  }
0x78: {  	s15 =	rddreg [dreg:$0xa];
	[sflag:s25] =	ssyncadd.s32 $0xFFFFFFB0  }
0x79: {  	[tilespmem:s0], [sflag:$0x2] =	stream.indirect.gather [hbm4b:s1+s31], $0x80, s28, s31, $0xb8;
	[tilespmem:$0x1E000] =	vst v63  }
0x7a: {  	s22 =	sadd.s32 $0x0, s15  }
0x7b: {  	[tilespmem:s14], [sflag:$0xE] =	stream.linear.gather [hbm4b:s22+s4], $0x50, $0x38;
	[tilespmem:$0x1E000] =	vst v63  }
0x7c: {  	_ =	swait.ge [sflag:s8], $0x2800  }
0x7d: {  	s0 =	rddreg [dreg:$0x5];
	[sflag:s8] =	ssyncset.done $0x0  }
0x7e: {  	[sflag:s8] =	ssyncadd.s32 $0xFFFFD800;
	s22 =	sadd.s32 $0x0, s0  }
0x7f: {  	[tilespmem:s7], [sflag:$0xC] =	stream.linear.gather [hbm4b:s22+s4], $0x50, $0x38;
	[tilespmem:$0x1E000] =	vst v63  }
0x80: {  	_ =	swait.ge [sflag:s9], $0x50  }
0x81: {  	[sflag:s9] =	ssyncset.done $0x0  }
0x82: {  	s0 =	simm.s32 $0x7800;
	[sflag:s9] =	ssyncadd.s32 $0xFFFFFFB0  }
0x83: {  	[spmem:s2] =	stream.indirect.scatter.add.f32 [tilespmem:s0], [sflag:$0x8], $0x80, s16, s31, $0xb8;
	[tilespmem:$0x1E000] =	vst v63  }
0x84: {  	_ =	swait.ge [sflag:s21], $0x2800  }
0x85: {  	[sflag:s21] =	ssyncset.done $0x0  }
0x86: {  	[sflag:s21] =	ssyncadd.s32 $0xFFFFD800  }
0x87: {  	_ =	swait.ge [sflag:s6], $0x50  }
0x88: {  	[sflag:s6] =	ssyncset.done $0x0  }
0x89: {  	s14 =	rddreg [dreg:$0x8];
	[sflag:s6] =	ssyncadd.s32 $0xFFFFFFB0  }
0x8a: {  	[tilespmem:s29], [sflag:$0x3] =	stream.indirect.gather [hbm4b:s1+s31], $0x80, s3, s31, $0xb8;
	[tilespmem:$0x1E000] =	vst v63  }
0x8b: {  	s22 =	sadd.s32 $0x0, s14  }
0x8c: {  	[tilespmem:s11], [sflag:$0xF] =	stream.linear.gather [hbm4b:s22+s4], $0x50, $0x38;
	[tilespmem:$0x1E000] =	vst v63  }
0x8d: {  	_ =	swait.ge [sflag:s12], $0x2800  }
0x8e: {  	s15 =	rddreg [dreg:$0x9];
	[sflag:s12] =	ssyncset.done $0x0  }
0x8f: {  	[sflag:s12] =	ssyncadd.s32 $0xFFFFD800;
	s22 =	sadd.s32 $0x0, s15  }
0x90: {  	[tilespmem:s23], [sflag:$0x9] =	stream.linear.gather [hbm4b:s22+s4], $0x50, $0x38;
	[tilespmem:$0x1E000] =	vst v63  }
0x91: {  	_ =	swait.ge [sflag:s30], $0x50  }
0x92: {  	[sflag:s30] =	ssyncset.done $0x0  }
0x93: {  	[sflag:s30] =	ssyncadd.s32 $0xFFFFFFB0  }
0x94: {  	[spmem:s2] =	stream.indirect.scatter.add.f32 [tilespmem:s4], [sflag:$0x5], $0x80, s10, s31, $0xb8;
	[tilespmem:$0x1E000] =	vst v63  }
0x95: {  	_ =	swait.ge [sflag:s5], $0x2800  }
0x96: {  	[sflag:s5] =	ssyncset.done $0x0  }
0x97: {  	[sflag:s5] =	ssyncadd.s32 $0xFFFFD800  }
0x98: {  	_ =	swait.ge [sflag:s13], $0x50  }
0x99: {  	[sflag:s13] =	ssyncset.done $0x0  }
0x9a: {  	s25 =	rddreg [dreg:$0x6];
	[sflag:s13] =	ssyncadd.s32 $0xFFFFFFB0  }
0x9b: {  	[tilespmem:s0], [sflag:$0x4] =	stream.indirect.gather [hbm4b:s1+s31], $0x80, s7, s31, $0xb8;
	[tilespmem:$0x1E000] =	vst v63  }
0x9c: {  	s29 =	smin.u32 s4, $0x73;
	s22 =	sadd.s32 $0x0, s25  }
0x9d: {  	[tilespmem:s16], [sflag:$0x10] =	stream.linear.gather [hbm4b:s22+s4], $0x50, $0x38;
	[tilespmem:$0x1E000] =	vst v63  }
0x9e: {  	s22 =	smul.u32 $0x50, s29;
	_ =	swait.ge [sflag:s17], $0x2800  }
0x9f: {  	s30 =	rddreg [dreg:$0x4]  }
0xa0: {  	s22 =	sadd.s32 s22, s30  }
0xa1: {  	[sflag:s17] =	ssyncset.done $0x0;
	s22 =	sshrl.u32 s22, $0x3  }
0xa2: {  	[sflag:s17] =	ssyncadd.s32 $0xFFFFD800;
	s22 =	sadd.s32 s26, s22  }
0xa3: {  	[tilespmem:s28], [sflag:$0xA] =	stream.linear.gather [hbm4b:s22+s4], $0x50, $0x38;
	[tilespmem:$0x1E000] =	vst v63  }
0xa4: {  	s11 =	simm.s32 $0xB;
	s23 =	simm.s32 $0x4;
	_ =	swait.ge [sflag:s18], $0x50  }
0xa5: {  	s10 =	simm.s32 $0xA180;
	s7 =	simm.s32 $0xA100;
	[sflag:s18] =	ssyncset.done $0x0  }
0xa6: {  	s16 =	simm.s32 $0xC;
	s22 =	simm.s32 $0x28;
	[sflag:s18] =	ssyncadd.s32 $0xFFFFFFB0  }
.LBB2_2:
0xa7: {  	s30 =	simm.s32 $0xA280;
	s15 =	simm.s32 $0x2800;
	s0 =	simm.s32 $0x5  }
0xa8: {  	[spmem:s2] =	stream.indirect.scatter.add.f32 [tilespmem:s15], [sflag:$0x6], $0x80, s30, s31, $0xb8;
	[tilespmem:$0x1E000] =	vst v63  }
0xa9: {  	_ =	swait.ge [sflag:s0], $0x2800  }
0xaa: {  	[sflag:s0] =	ssyncset.done $0x0  }
0xab: {  	s14 =	simm.s32 $0x9;
	[sflag:s0] =	ssyncadd.s32 $0xFFFFD800  }
0xac: {  	_ =	swait.ge [sflag:s14], $0x50  }
0xad: {  	s25 =	smov.u32 s22;
	[sflag:s14] =	ssyncset.done $0x0  }
0xae: {  	s29 =	simm.s32 $0xA000;
	s13 =	rddreg [dreg:$0xb];
	[sflag:s14] =	ssyncadd.s32 $0xFFFFFFB0  }
0xaf: {  	[tilespmem:s4], [sflag:$0x1] =	stream.indirect.gather [hbm4b:s1+s31], $0x80, s29, s31, $0xb8;
	[tilespmem:$0x1E000] =	vst v63  }
0xb0: {  	s28 =	smov.u32 s26;
	s26 =	sadd.s32 s25, s13;
	s14 =	simm.s32 $0xA200  }
0xb1: {  	[tilespmem:s14], [sflag:$0xD] =	stream.linear.gather [hbm4b:s26+s4], $0x50, $0x38;
	[tilespmem:$0x1E000] =	vst v63  }
0xb2: {  	_ =	swait.ge [sflag:s19], $0x2800  }
0xb3: {  	s17 =	rddreg [dreg:$0x7];
	[sflag:s19] =	ssyncset.done $0x0  }
0xb4: {  	[sflag:s19] =	ssyncadd.s32 $0xFFFFD800;
	s26 =	sadd.s32 s25, s17  }
0xb5: {  	[tilespmem:s7], [sflag:$0xB] =	stream.linear.gather [hbm4b:s26+s4], $0x50, $0x38;
	[tilespmem:$0x1E000] =	vst v63  }
0xb6: {  	_ =	swait.ge [sflag:s20], $0x50  }
0xb7: {  	[sflag:s20] =	ssyncset.done $0x0  }
0xb8: {  	s6 =	simm.s32 $0x5000;
	s12 =	simm.s32 $0xA300;
	[sflag:s20] =	ssyncadd.s32 $0xFFFFFFB0  }
0xb9: {  	[spmem:s2] =	stream.indirect.scatter.add.f32 [tilespmem:s6], [sflag:$0x7], $0x80, s12, s31, $0xb8;
	[tilespmem:$0x1E000] =	vst v63  }
0xba: {  	_ =	swait.ge [sflag:s24], $0x2800  }
0xbb: {  	[sflag:s24] =	ssyncset.done $0x0  }
0xbc: {  	s26 =	simm.s32 $0xA;
	[sflag:s24] =	ssyncadd.s32 $0xFFFFD800  }
0xbd: {  	_ =	swait.ge [sflag:s26], $0x50  }
0xbe: {  	[sflag:s26] =	ssyncset.done $0x0  }
0xbf: {  	s3 =	simm.s32 $0xA080;
	s13 =	rddreg [dreg:$0xa];
	[sflag:s26] =	ssyncadd.s32 $0xFFFFFFB0  }
0xc0: {  	[tilespmem:s15], [sflag:$0x2] =	stream.indirect.gather [hbm4b:s1+s31], $0x80, s3, s31, $0xb8;
	[tilespmem:$0x1E000] =	vst v63  }
0xc1: {  	s26 =	sadd.s32 s25, s13  }
0xc2: {  	[tilespmem:s30], [sflag:$0xE] =	stream.linear.gather [hbm4b:s26+s4], $0x50, $0x38;
	[tilespmem:$0x1E000] =	vst v63  }
0xc3: {  	_ =	swait.ge [sflag:s8], $0x2800  }
0xc4: {  	s17 =	rddreg [dreg:$0x5];
	[sflag:s8] =	ssyncset.done $0x0  }
0xc5: {  	[sflag:s8] =	ssyncadd.s32 $0xFFFFD800;
	s26 =	sadd.s32 s25, s17  }
0xc6: {  	[tilespmem:s10], [sflag:$0xC] =	stream.linear.gather [hbm4b:s26+s4], $0x50, $0x38;
	[tilespmem:$0x1E000] =	vst v63  }
0xc7: {  	_ =	swait.ge [sflag:s9], $0x50  }
0xc8: {  	[sflag:s9] =	ssyncset.done $0x0  }
0xc9: {  	s13 =	simm.s32 $0x7800;
	s17 =	simm.s32 $0xA380;
	[sflag:s9] =	ssyncadd.s32 $0xFFFFFFB0  }
0xca: {  	[spmem:s2] =	stream.indirect.scatter.add.f32 [tilespmem:s13], [sflag:$0x8], $0x80, s17, s31, $0xb8;
	[tilespmem:$0x1E000] =	vst v63  }
0xcb: {  	_ =	swait.ge [sflag:s21], $0x2800  }
0xcc: {  	[sflag:s21] =	ssyncset.done $0x0  }
0xcd: {  	[sflag:s21] =	ssyncadd.s32 $0xFFFFD800  }
0xce: {  	_ =	swait.ge [sflag:s11], $0x50  }
0xcf: {  	[sflag:s11] =	ssyncset.done $0x0  }
0xd0: {  	s3 =	rddreg [dreg:$0x8];
	[sflag:s11] =	ssyncadd.s32 $0xFFFFFFB0  }
0xd1: {  	[tilespmem:s6], [sflag:$0x3] =	stream.indirect.gather [hbm4b:s1+s31], $0x80, s7, s31, $0xb8;
	[tilespmem:$0x1E000] =	vst v63  }
0xd2: {  	s26 =	sadd.s32 s25, s3  }
0xd3: {  	[tilespmem:s12], [sflag:$0xF] =	stream.linear.gather [hbm4b:s26+s4], $0x50, $0x38;
	[tilespmem:$0x1E000] =	vst v63  }
0xd4: {  	s26 =	simm.s32 $0x1  }
0xd5: {  	_ =	swait.ge [sflag:s26], $0x2800  }
0xd6: {  	s12 =	rddreg [dreg:$0x9];
	[sflag:s26] =	ssyncset.done $0x0  }
0xd7: {  	[sflag:s26] =	ssyncadd.s32 $0xFFFFD800;
	s26 =	sadd.s32 s25, s12  }
0xd8: {  	[tilespmem:s29], [sflag:$0x9] =	stream.linear.gather [hbm4b:s26+s4], $0x50, $0x38;
	[tilespmem:$0x1E000] =	vst v63  }
0xd9: {  	s29 =	simm.s32 $0xD  }
0xda: {  	_ =	swait.ge [sflag:s29], $0x50  }
0xdb: {  	[sflag:s29] =	ssyncset.done $0x0  }
0xdc: {  	[sflag:s29] =	ssyncadd.s32 $0xFFFFFFB0  }
0xdd: {  	[spmem:s2] =	stream.indirect.scatter.add.f32 [tilespmem:s4], [sflag:$0x5], $0x80, s14, s31, $0xb8;
	[tilespmem:$0x1E000] =	vst v63  }
0xde: {  	_ =	swait.ge [sflag:s5], $0x2800  }
0xdf: {  	[sflag:s5] =	ssyncset.done $0x0  }
0xe0: {  	[sflag:s5] =	ssyncadd.s32 $0xFFFFD800  }
0xe1: {  	_ =	swait.ge [sflag:s16], $0x50  }
0xe2: {  	[sflag:s16] =	ssyncset.done $0x0  }
0xe3: {  	s14 =	rddreg [dreg:$0x6];
	[sflag:s16] =	ssyncadd.s32 $0xFFFFFFB0  }
0xe4: {  	[tilespmem:s13], [sflag:$0x4] =	stream.indirect.gather [hbm4b:s1+s31], $0x80, s10, s31, $0xb8;
	[tilespmem:$0x1E000] =	vst v63  }
0xe5: {  	s25 =	sadd.s32 s25, s14  }
0xe6: {  	[tilespmem:s17], [sflag:$0x10] =	stream.linear.gather [hbm4b:s25+s4], $0x50, $0x38;
	[tilespmem:$0x1E000] =	vst v63  }
0xe7: {  	s26 =	smin.u32 s23, $0x73;
	s17 =	simm.s32 $0x2  }
0xe8: {  	p0 =	sne.s32 s22, $0x488;
	s25 =	smul.u32 $0x50, s26;
	_ =	swait.ge [sflag:s17], $0x2800  }
0xe9: {  	s22 =	sadd.s32 $0x28, s22;
	s0 =	simm.s32 $0x2800;
	s29 =	rddreg [dreg:$0x4]  }
0xea: {  	s15 =	simm.s32 $0xA280;
	s26 =	smov.u32 s28;
	s25 =	sadd.s32 s25, s29  }
0xeb: {  	s28 =	simm.s32 $0xA080;
	[sflag:s17] =	ssyncset.done $0x0;
	s25 =	sshrl.u32 s25, $0x3  }
.Ltmp0:
0xec: {  	[sflag:s17] =	ssyncadd.s32 $0xFFFFD800;
	s25 =	sadd.s32 s26, s25;
	(pc) =	sbr.rel @p0 .LBB2_2-.Ltmp0, $4  }
0xed: {  	[tilespmem:s28], [sflag:$0xA] =	stream.linear.gather [hbm4b:s25+s4], $0x50, $0x38;
	[tilespmem:$0x1E000] =	vst v63  }
0xee: {  	s30 =	simm.s32 $0x5000;
	s3 =	simm.s32 $0xA000;
	_ =	swait.ge [sflag:s18], $0x50  }
0xef: {  	s6 =	simm.s32 $0xA300;
	s12 =	simm.s32 $0x7800;
	[sflag:s18] =	ssyncset.done $0x0  }
0xf0: {  	s23 =	sadd.s32 $0x4, s23;
	s13 =	simm.s32 $0xA380;
	[sflag:s18] =	ssyncadd.s32 $0xFFFFFFB0  }
0xf1: {  	[spmem:s2] =	stream.indirect.scatter.add.f32 [tilespmem:s0], [sflag:$0x6], $0x80, s15, s31, $0xb8;
	[tilespmem:$0x1E000] =	vst v63  }
0xf2: {  	s10 =	simm.s32 $0x5  }
0xf3: {  	_ =	swait.ge [sflag:s10], $0x2800  }
0xf4: {  	[sflag:s10] =	ssyncset.done $0x0  }
0xf5: {  	s7 =	simm.s32 $0x9;
	[sflag:s10] =	ssyncadd.s32 $0xFFFFD800  }
0xf6: {  	_ =	swait.ge [sflag:s7], $0x50  }
0xf7: {  	[sflag:s7] =	ssyncset.done $0x0  }
0xf8: {  	[sflag:s7] =	ssyncadd.s32 $0xFFFFFFB0  }
0xf9: {  	[tilespmem:s4], [sflag:$0x1] =	stream.indirect.gather [hbm4b:s1+s31], $0x80, s3, s31, $0xb8;
	[tilespmem:$0x1E000] =	vst v63  }
0xfa: {  	s11 =	simm.s32 $0xA200;
	s22 =	rddreg [dreg:$0x19]  }
0xfb: {  	[tilespmem:s11], [sflag:$0xD] =	stream.linear.gather [hbm4b:s22+s4], $0x50, $0x38;
	[tilespmem:$0x1E000] =	vst v63  }
0xfc: {  	_ =	swait.ge [sflag:s19], $0x2800  }
0xfd: {  	[sflag:s19] =	ssyncset.done $0x0  }
0xfe: {  	[sflag:s19] =	ssyncadd.s32 $0xFFFFD800  }
0xff: {  	_ =	swait.ge [sflag:s20], $0x50  }
0x100: {  	[sflag:s20] =	ssyncset.done $0x0  }
0x101: {  	[sflag:s20] =	ssyncadd.s32 $0xFFFFFFB0  }
0x102: {  	[spmem:s2] =	stream.indirect.scatter.add.f32 [tilespmem:s30], [sflag:$0x7], $0x80, s6, s31, $0xb8;
	[tilespmem:$0x1E000] =	vst v63  }
0x103: {  	_ =	swait.ge [sflag:s24], $0x2800  }
0x104: {  	[sflag:s24] =	ssyncset.done $0x0  }
0x105: {  	[sflag:s24] =	ssyncadd.s32 $0xFFFFD800  }
0x106: {  	_ =	swait.ge [sflag:s8], $0x2800  }
0x107: {  	[sflag:s8] =	ssyncset.done $0x0  }
0x108: {  	[sflag:s8] =	ssyncadd.s32 $0xFFFFD800  }
0x109: {  	_ =	swait.ge [sflag:s9], $0x50  }
0x10a: {  	[sflag:s9] =	ssyncset.done $0x0  }
0x10b: {  	[sflag:s9] =	ssyncadd.s32 $0xFFFFFFB0  }
0x10c: {  	[spmem:s2] =	stream.indirect.scatter.add.f32 [tilespmem:s12], [sflag:$0x8], $0x80, s13, s31, $0xb8;
	[tilespmem:$0x1E000] =	vst v63  }
0x10d: {  	_ =	swait.ge [sflag:s21], $0x2800  }
0x10e: {  	[sflag:s21] =	ssyncset.done $0x0  }
0x10f: {  	s14 =	simm.s32 $0x1;
	[sflag:s21] =	ssyncadd.s32 $0xFFFFD800  }
0x110: {  	_ =	swait.ge [sflag:s14], $0x2800  }
0x111: {  	[sflag:s14] =	ssyncset.done $0x0  }
0x112: {  	s15 =	simm.s32 $0xD;
	[sflag:s14] =	ssyncadd.s32 $0xFFFFD800  }
0x113: {  	_ =	swait.ge [sflag:s15], $0x50  }
0x114: {  	[sflag:s15] =	ssyncset.done $0x0  }
0x115: {  	[sflag:s15] =	ssyncadd.s32 $0xFFFFFFB0  }
0x116: {  	[spmem:s2] =	stream.indirect.scatter.add.f32 [tilespmem:s4], [sflag:$0x5], $0x80, s11, s31, $0xb8;
	[tilespmem:$0x1E000] =	vst v63  }
0x117: {  	_ =	swait.ge [sflag:s5], $0x2800  }
0x118: {  	[sflag:s5] =	ssyncset.done $0x0  }
0x119: {  	[sflag:s5] =	ssyncadd.s32 $0xFFFFD800  }
0x11a: {  	_ =	swait.ge [sflag:s10], $0x2800  }
0x11b: {  	[sflag:s10] =	ssyncset.done $0x0  }
0x11c: {  	s16 =	simm.s32 $0xA;
	[sflag:s10] =	ssyncadd.s32 $0xFFFFD800  }
0x11d: {  	_ =	swait.ge [sflag:s16], $0x50  }
0x11e: {  	[sflag:s16] =	ssyncset.done $0x0  }
0x11f: {  	[sflag:s16] =	ssyncadd.s32 $0xFFFFFFB0  }
0x120: {  	[bflag:$0x0] =	sbarrier.arrive $0xFFFF  }
0x121: {  	s23 =	rddreg [dreg:$0xf]  }
0x122: {  	s22 =	rddreg [dreg:$0x1b]  }
0x123: {  	s25 =	rddreg [dreg:$0x1d]  }
0x124: {  	[hbm:s22], [sflag:s23] =	dma.local [spmem:s25], $0x2780  }
0x125: {  	s25 =	simm.s32 $0x11  }
0x126: {  	_ =	swait.ge [sflag:s25], $0x2780  }
0x127: {  	s29 =	rddreg [dreg:$0x1c]  }
0x128: {  	s30 =	rddreg [dreg:$0x1a];
	s0 =	sadd.s32 $0x1, s29  }
0x129: {  	p0 =	sne.s32 s0, s30  }
.Ltmp1:
0x12a: {  	_ = 	snop;
	(pc) =	sbr.rel @p0 .LBB2_1-.Ltmp1, $3  }
0x12b: {  	_ =	sdelay $0x1  }
0x12c: {  	s7 =	simm.s32 $0xA180;
	s3 =	simm.s32 $0xA100;
	[sflag:s25] =	ssyncset.done $0x0  }
0x12d: {  	s6 =	simm.s32 $0xB;
	s13 =	simm.s32 $0xC;
	[sflag:s25] =	ssyncadd.s32 $0xFFFFD880  }
0x12e: {  	_ =	sfence.sel $0x180000  }
0x12f: {  	[bflag:$0x0] =	sbarrier.arrive $0xFFFF  }
0x130: {  	_ =	strace $0x90000047  }
0x131: {  	s0 =	stileid.u32;
	[bflag:$0x2] =	sbarrier.arrive $0xFFFF  }
0x132: {  	p0 =	sne.s32 s0, $0x0;
	s0 =	rddreg [dreg:$0x3]  }
0x133: {  	s0 =	sadd.s32 @!p0 $0x100000, s0  }
0x134: {  	[sflag:s0] =	ssyncadd.tile.s32 @!p0 $0x1;
	_ =	shalt  }
.Lfunc_end2:
_tile_overlayer_lowered:
.L_overlay_start_2:
0x135: {  	(tag) =	ssettag $0x2  }
0x136: {  	s0 =	rddreg [dreg:$0x0];
	s2 =	stileid.u32  }
0x137: {  	s1 =	rddreg [dreg:$0x1];
	p0 =	sne.s32 s2, $0x0  }
0x138: {  	s3 =	rddreg [dreg:$0x2];
	[bflag:$0x3] =	sbarrier.arrive $0xFFFF;
	s2 =	simm.s32 @!p0 $0x1C11  }
0x139: {  	[timem:s3], [sflag:s2] =	dma.local @!p0 [hbm:s0], s1  }
0x13a: {  	s0 =	simm.s32 @!p0 $0x11  }
0x13b: {  	_ =	swait.ge @!p0 [sflag:s0], s1  }
0x13c: {  	s1 =	ssub.s32 @!p0 $0x0, s1;
	[sflag:s0] =	ssyncset.done @!p0 $0x0  }
0x13d: {  	[sflag:s0] =	ssyncadd.s32 @!p0 s1  }
0x13e: {  	[bflag:$0x3] =	sbarrier.arrive $0xFFFF  }
0x13f: {  	_ =	shalt  }

</sc_bundles>
